<compile_context>
chip_gen: v7x
topology: tpu7x:2x2x1
jax: 0.10.2.dev20260603
libtpu: 0.0.44.dev20260713+nightly
codegen_flags: <defaults>
</compile_context>

<pallas_src>
import functools

import jax
import jax.numpy as jnp
from jax import lax
from jax.experimental import pallas as pl
from jax.experimental.pallas import tpu as pltpu
from jax.experimental.pallas import tpu_sc as plsc

_PREC = jax.lax.Precision.HIGHEST

N = 4096
DEG = 32
E = N * DEG
K = 4
OBS = 33
HID = 64
OUT = 32
HEADS = 4
DH = OUT // HEADS

F32 = jnp.float32
I32 = jnp.int32


def _rep_rows(x, times, rows):
    return jnp.broadcast_to(x[:, None, :], (x.shape[0], times, x.shape[1])
                            ).reshape(rows, x.shape[1])


def _gdot(sel, vals):
    hi = vals.astype(jnp.bfloat16).astype(F32)
    lo = vals - hi
    return (jnp.dot(sel, hi, preferred_element_type=F32)
            + jnp.dot(sel, lo, preferred_element_type=F32))




def _prep_body(ht, w1t, b1, w2t, b2, lng, lnb, wrt, wzt, wnt, br, bz, bn,
               hr, hz, hn, wsat, wsbt, wgt, ssrc, sdst, bs1r,
               ha_o, hb_o, xw_o, as_o, ad_o, mx_o):
    i = pl.program_id(0)
    x = jnp.maximum(jnp.dot(ht[...], w1t[...], preferred_element_type=F32) + b1[...], 0.0)
    x = jnp.maximum(jnp.dot(x, w2t[...], preferred_element_type=F32) + b2[...], 0.0)
    m = jnp.mean(x, axis=-1, keepdims=True)
    v = jnp.mean((x - m) ** 2, axis=-1, keepdims=True)
    e = (x - m) / jnp.sqrt(v + 1e-5) * lng[...] + lnb[...]
    ir = jnp.dot(e, wrt[...], preferred_element_type=F32) + br[...]
    iz = jnp.dot(e, wzt[...], preferred_element_type=F32) + bz[...]
    inn = jnp.dot(e, wnt[...], preferred_element_type=F32) + bn[...]
    r = jax.nn.sigmoid(ir + hr[...])
    z = jax.nn.sigmoid(iz + hz[...])
    nn = jnp.tanh(inn + r * hn[...])
    h = (1.0 - z) * nn
    zpad = jnp.zeros((h.shape[0], HID), F32)
    ha_o[...] = jnp.concatenate(
        [jnp.dot(h, wsat[...], preferred_element_type=F32) + bs1r[...],
         jnp.ones((h.shape[0], 1), F32), zpad[:, 1:]], axis=1)
    hb_o[...] = jnp.concatenate(
        [jnp.dot(h, wsbt[...], preferred_element_type=F32), zpad], axis=1)
    xw = jnp.dot(h, wgt[...], preferred_element_type=F32)
    xw_o[...] = xw
    a_s = jnp.dot(xw, ssrc[...], preferred_element_type=F32, precision=_PREC)
    a_d = jnp.dot(xw, sdst[...], preferred_element_type=F32, precision=_PREC)
    as_o[...] = a_s
    ad_o[...] = a_d
    ms = jnp.max(a_s, axis=0, keepdims=True)
    md = jnp.max(a_d, axis=0, keepdims=True)
    blockm = jnp.concatenate([ms, md, jnp.broadcast_to(ms, (6, HEADS))], axis=0)

    @pl.when(i == 0)
    def _():
        mx_o[...] = blockm

    @pl.when(i != 0)
    def _():
        mx_o[...] = jnp.maximum(mx_o[...], blockm)


def _prep_call(ht, w1t, b1, w2t, b2, lng, lnb, wrt, wzt, wnt, br, bz, bn,
               hr, hz, hn, wsat, wsbt, wgt, ssrc, sdst, bs1r):
    R = 512
    grid = (N // R,)
    row = lambda i: (i, 0)
    fix = lambda i: (0, 0)

    def full(a):
        return pl.BlockSpec(a.shape, fix)

    in_specs = [pl.BlockSpec((R, OBS), row)] + [
        full(a) for a in (w1t, b1, w2t, b2, lng, lnb, wrt, wzt, wnt, br, bz, bn,
                          hr, hz, hn, wsat, wsbt, wgt, ssrc, sdst, bs1r)]
    out_shape = [
        jax.ShapeDtypeStruct((N, 2 * HID), F32),
        jax.ShapeDtypeStruct((N, 2 * HID), F32),
        jax.ShapeDtypeStruct((N, OUT), F32),
        jax.ShapeDtypeStruct((N, HEADS), F32),
        jax.ShapeDtypeStruct((N, HEADS), F32),
        jax.ShapeDtypeStruct((8, HEADS), F32),
    ]
    out_specs = [
        pl.BlockSpec((R, 2 * HID), row),
        pl.BlockSpec((R, 2 * HID), row),
        pl.BlockSpec((R, OUT), row),
        pl.BlockSpec((R, HEADS), row),
        pl.BlockSpec((R, HEADS), row),
        pl.BlockSpec((8, HEADS), fix),
    ]
    return pl.pallas_call(_prep_body, grid=grid, in_specs=in_specs,
                          out_specs=out_specs, out_shape=out_shape)(
        ht, w1t, b1, w2t, b2, lng, lnb, wrt, wzt, wnt, br, bz, bn,
        hr, hz, hn, wsat, wsbt, wgt, ssrc, sdst, bs1r)



_NW = 32
_NPW = N // _NW
_CH = 32
_NCH = _NPW // _CH


_EPW = E // _NW
_BATCH = 512
_NBATCH = _EPW // _BATCH


def _gather_sc_body(hb_hbm, dst_hbm, g_hbm, dst_v, rows_v, sem):
    wid = lax.axis_index("s") * 2 + lax.axis_index("c")
    e0 = pl.multiple_of(wid * _EPW, _EPW)
    pltpu.sync_copy(dst_hbm.at[pl.ds(pl.multiple_of(e0 // 128, 8), _EPW // 128)],
                    dst_v)
    for b in range(_NBATCH):
        copies = [
            pltpu.async_copy(hb_hbm.at[dst_v.at[b * (_BATCH // 128) + g]],
                             rows_v.at[pl.ds(g * 128, 128)], sem)
            for g in range(_BATCH // 128)]
        for c in copies:
            c.wait()
        pltpu.sync_copy(rows_v, g_hbm.at[pl.ds(e0 + b * _BATCH, _BATCH)])


def _gather_sc_call(hb, dst2):
    mesh = plsc.VectorSubcoreMesh(core_axis_name="c", subcore_axis_name="s")
    kern = functools.partial(
        pl.kernel, mesh=mesh,
        out_type=jax.ShapeDtypeStruct((E, 2 * HID), F32),
        scratch_types=[
            pltpu.VMEM((_EPW // 128, 128), I32),
            pltpu.VMEM((_BATCH, 2 * HID), F32),
            pltpu.SemaphoreType.DMA,
        ])(_gather_sc_body)
    return kern(hb, dst2)



_ENB = 64
_EEB = _ENB * DEG


def _escore_body(g_ref, ha_ref, w2_ref, sc_o):
    ha_e = _rep_rows(ha_ref[...], DEG, _EEB)
    u = jnp.maximum(g_ref[...] + ha_e, 0.0)
    u16 = u.astype(jnp.bfloat16).astype(F32)
    t = jnp.sum(u16 * w2_ref[...], axis=1, keepdims=True)
    sc_o[...] = jax.nn.sigmoid(t)


def _escore_call(g, ha, w2r):
    grid = (E // _EEB,)
    row = lambda i: (i, 0)
    fix = lambda i: (0, 0)
    return pl.pallas_call(
        _escore_body, grid=grid,
        in_specs=[pl.BlockSpec((_EEB, 2 * HID), row),
                  pl.BlockSpec((_ENB, 2 * HID), row),
                  pl.BlockSpec((1, 2 * HID), fix)],
        out_specs=pl.BlockSpec((_EEB, 1), row),
        out_shape=jax.ShapeDtypeStruct((E, 1), F32))(g, ha, w2r)




def _topk_body(s_ref, d_ref, w_o, d_o):
    s = s_ref[...]
    d = d_ref[...]
    R = s.shape[0]
    iota = lax.broadcasted_iota(I32, (R, DEG), 1)
    cur = s
    ws = []
    dsl = []
    for _ in range(K):
        m = jnp.max(cur, axis=1, keepdims=True)
        idx = jnp.min(jnp.where(cur == m, iota, DEG), axis=1, keepdims=True)
        sel = iota == idx
        dk = jnp.sum(jnp.where(sel, d, 0), axis=1, keepdims=True)
        ws.append(m)
        dsl.append(dk)
        cur = jnp.where(sel, -jnp.inf, cur)
    w_o[...] = jnp.concatenate(ws, axis=1)
    d_o[...] = jnp.concatenate(dsl, axis=1)


def _topk_call(scores, dmat):
    R = 512
    grid = (N // R,)
    row = lambda i: (i, 0)
    return pl.pallas_call(
        _topk_body, grid=grid,
        in_specs=[pl.BlockSpec((R, DEG), row), pl.BlockSpec((R, DEG), row)],
        out_specs=[pl.BlockSpec((R, K), row), pl.BlockSpec((R, K), row)],
        out_shape=[jax.ShapeDtypeStruct((N, K), F32),
                   jax.ShapeDtypeStruct((N, K), I32)])(scores, dmat)



_NB = 64
_EB = _NB * K


def _seg1_body(df, dft, as_ref, ad_ref, mx_ref, ex_o, den_o):
    i = pl.program_id(0)
    d = df[...]
    col = lax.broadcasted_iota(I32, (_EB, N), 1)
    oneh = (col == d).astype(F32)
    rowN = lax.broadcasted_iota(I32, (N, _EB), 0)
    onehT = (dft[...] == rowN).astype(F32)
    a_d_e = _gdot(oneh, ad_ref[...])
    a_s_e = _rep_rows(as_ref[...], K, _EB)
    logit = a_s_e + a_d_e
    logit = jnp.where(logit >= 0, logit, 0.2 * logit)
    mx = mx_ref[...]
    big = mx[0:1, :] + mx[1:2, :]
    big = jnp.where(big >= 0, big, 0.2 * big)
    ex = jnp.exp(logit - big)
    ex_o[...] = ex

    @pl.when(i == 0)
    def _():
        den_o[...] = jnp.zeros_like(den_o)

    den_o[...] += _gdot(onehT, ex)


def _seg1_call(df, dft, a_s, a_d, mx):
    grid = (N // _NB,)
    row = lambda i: (i, 0)
    fix = lambda i: (0, 0)
    return pl.pallas_call(
        _seg1_body, grid=grid,
        in_specs=[pl.BlockSpec((_EB, 1), row),
                  pl.BlockSpec((1, _EB), lambda i: (0, i)),
                  pl.BlockSpec((_NB, HEADS), row),
                  pl.BlockSpec((N, HEADS), fix),
                  pl.BlockSpec((8, HEADS), fix)],
        out_specs=[pl.BlockSpec((_EB, HEADS), row),
                   pl.BlockSpec((N, HEADS), fix)],
        out_shape=[jax.ShapeDtypeStruct((N * K, HEADS), F32),
                   jax.ShapeDtypeStruct((N, HEADS), F32)])(df, dft, a_s, a_d, mx)




def _seg2_body(df, dft, wf, ex_ref, den_ref, xw_ref, bias_ref, an_o, out_o):
    i = pl.program_id(0)
    nsteps = pl.num_programs(0)
    d = df[...]
    col = lax.broadcasted_iota(I32, (_EB, N), 1)
    oneh = (col == d).astype(F32)
    rowN = lax.broadcasted_iota(I32, (N, _EB), 0)
    onehT = (dft[...] == rowN).astype(F32)
    den_e = _gdot(oneh, den_ref[...])
    alpha = ex_ref[...] / (den_e + 1e-16) * wf[...]
    repT = (lax.broadcasted_iota(I32, (_NB, _EB), 1) // K
            == lax.broadcasted_iota(I32, (_NB, _EB), 0)).astype(F32)
    rowsum = jnp.dot(repT, alpha, preferred_element_type=F32, precision=_PREC)
    rowsum = jnp.maximum(rowsum, 1e-9)
    an_o[...] = alpha / _rep_rows(rowsum, K, _EB)
    xw_e = _rep_rows(xw_ref[...], K, _EB)
    erow = lax.broadcasted_iota(I32, (HEADS, OUT), 0)
    ecol = lax.broadcasted_iota(I32, (HEADS, OUT), 1)
    expand = (ecol // DH == erow).astype(F32)
    msg = jnp.dot(alpha, expand, preferred_element_type=F32, precision=_PREC) * xw_e

    @pl.when(i == 0)
    def _():
        out_o[...] = jnp.zeros_like(out_o)

    out_o[...] += _gdot(onehT, msg)

    @pl.when(i == nsteps - 1)
    def _():
        out_o[...] += bias_ref[...]


def _seg2_call(df, dft, wf, ex, den, xw, bias):
    grid = (N // _NB,)
    row = lambda i: (i, 0)
    fix = lambda i: (0, 0)
    return pl.pallas_call(
        _seg2_body, grid=grid,
        in_specs=[pl.BlockSpec((_EB, 1), row),
                  pl.BlockSpec((1, _EB), lambda i: (0, i)),
                  pl.BlockSpec((_EB, 1), row),
                  pl.BlockSpec((_EB, HEADS), row),
                  pl.BlockSpec((N, HEADS), fix),
                  pl.BlockSpec((_NB, OUT), row),
                  pl.BlockSpec((1, OUT), fix)],
        out_specs=[pl.BlockSpec((_EB, HEADS), row),
                   pl.BlockSpec((N, OUT), fix)],
        out_shape=[jax.ShapeDtypeStruct((N * K, HEADS), F32),
                   jax.ShapeDtypeStruct((N, OUT), F32)])(df, dft, wf, ex, den, xw, bias)



_AR = 256


def _abuild_body(d_ref, an_ref, a_o):
    d = d_ref[...]
    a = an_ref[0]
    col = lax.broadcasted_iota(I32, (_AR, N), 1)
    acc = jnp.zeros((_AR, N), F32)
    for k in range(K):
        acc += jnp.where(d[:, k:k + 1] == col, a[:, k:k + 1], 0.0)
    a_o[0, 0] = acc


def _abuild_call(dsel, an_t):
    grid = (HEADS, N // _AR)
    return pl.pallas_call(
        _abuild_body, grid=grid,
        in_specs=[pl.BlockSpec((_AR, K), lambda h, i: (i, 0)),
                  pl.BlockSpec((1, _AR, K), lambda h, i: (h, i, 0))],
        out_specs=pl.BlockSpec((1, 1, _AR, N), lambda h, i: (0, h, i, 0)),
        out_shape=jax.ShapeDtypeStruct((1, HEADS, N, N), F32))(dsel, an_t)




def kernel(H_t, src, dst, W1, b1, W2, b2, ln_g, ln_b, Wih, bih, Whh, bhh,
           Ws1, bs1, Ws2, bs2, Wg, att_src, att_dst, bias_g):
    ht = H_t.reshape(N, OBS)
    w1t = W1.T
    w2t = W2.T
    wrt = Wih[0:HID].T
    wzt = Wih[HID:2 * HID].T
    wnt = Wih[2 * HID:].T
    br = (bih[0:HID]).reshape(1, HID)
    bz = (bih[HID:2 * HID]).reshape(1, HID)
    bn = (bih[2 * HID:]).reshape(1, HID)
    hr = (bhh[0:HID]).reshape(1, HID)
    hz = (bhh[HID:2 * HID]).reshape(1, HID)
    hn = (bhh[2 * HID:]).reshape(1, HID)
    wsat = Ws1[:, :HID].T
    wsbt = Ws1[:, HID:].T
    wgt = Wg.T
    lane = jnp.arange(OUT)[:, None] // DH == jnp.arange(HEADS)[None, :]
    ssrc = att_src.reshape(OUT, 1) * lane.astype(F32)
    sdst = att_dst.reshape(OUT, 1) * lane.astype(F32)
    w2r = jnp.concatenate([Ws2.reshape(HID), bs2,
                           jnp.zeros((HID - 1,), F32)]).reshape(1, 2 * HID)
    w2r = w2r.astype(jnp.bfloat16).astype(F32)
    b1r = b1.reshape(1, -1)
    b2r = b2.reshape(1, -1)
    lngr = ln_g.reshape(1, -1)
    lnbr = ln_b.reshape(1, -1)
    bs1r = bs1.reshape(1, -1)
    biasr = bias_g.reshape(1, -1)

    ha, hb, xw, a_s, a_d, mx = _prep_call(
        ht, w1t, b1r, w2t, b2r, lngr, lnbr, wrt, wzt, wnt, br, bz, bn,
        hr, hz, hn, wsat, wsbt, wgt, ssrc, sdst, bs1r)

    g = _gather_sc_call(hb, dst.reshape(E // 128, 128))
    scores = _escore_call(g, ha, w2r)
    wsel, dsel = _topk_call(scores.reshape(N, DEG), dst.reshape(N, DEG))
    df = dsel.reshape(N * K, 1)
    dft = dsel.reshape(1, N * K)
    wf = wsel.reshape(N * K, 1)
    ex, den = _seg1_call(df, dft, a_s, a_d, mx)
    an, out_b = _seg2_call(df, dft, wf, ex, den, xw, biasr)
    an_t = an.reshape(N, K, HEADS).transpose(2, 0, 1)
    attn = _abuild_call(dsel, an_t)
    return out_b.reshape(1, N, OUT), attn

# --- scband reference (transcript-rebuilt; emitter-appended) ---
"""Pipeline reference for scband-dynamic-gnn-2482491097616 (READ-ONLY COPY).

The authoritative reference and input builder live on the scoring server;
editing this copy changes nothing except your own understanding.
"""

import jax, jax.numpy as jnp
import numpy as np

N = 4096; DEG = 32; E = N * DEG; K = 4
OBS = 33; HID = 64; OUT = 32; HEADS = 4; DH = OUT // HEADS; B = 1


def _init(key, shape, fan_in):
    return jax.random.normal(key, shape, jnp.float32) * (1.0 / np.sqrt(fan_in))


def setup_inputs(seed: int = 0) -> dict:
    key = jax.random.key(seed)
    ks = jax.random.split(key, 16)
    inp = {}
    inp["H_t"] = jax.random.normal(ks[0], (B, N, OBS), jnp.float32)
    # edge_candidates buffers: every node has exactly DEG candidate neighbours
    inp["src"] = jnp.repeat(jnp.arange(N, dtype=jnp.int32), DEG)
    inp["dst"] = jax.random.randint(ks[1], (E,), 0, N, dtype=jnp.int32)
    # ObsEmbedding params
    inp["W1"] = _init(ks[2], (32, OBS), OBS); inp["b1"] = jnp.zeros((32,), jnp.float32)
    inp["W2"] = _init(ks[3], (32, 32), 32); inp["b2"] = jnp.zeros((32,), jnp.float32)
    inp["ln_g"] = jnp.ones((32,), jnp.float32); inp["ln_b"] = jnp.zeros((32,), jnp.float32)
    # GRUCell params (torch layout: W_ih (3H,in), W_hh (3H,H))
    inp["Wih"] = _init(ks[4], (3 * HID, 32), 32); inp["bih"] = jnp.zeros((3 * HID,), jnp.float32)
    inp["Whh"] = _init(ks[5], (3 * HID, HID), HID); inp["bhh"] = jnp.zeros((3 * HID,), jnp.float32)
    # EdgeScorer MLP params
    inp["Ws1"] = _init(ks[6], (64, 2 * HID), 2 * HID); inp["bs1"] = jnp.zeros((64,), jnp.float32)
    inp["Ws2"] = _init(ks[7], (1, 64), 64); inp["bs2"] = jnp.zeros((1,), jnp.float32)
    # GATConv params
    inp["Wg"] = _init(ks[8], (HEADS * DH, HID), HID)
    inp["att_src"] = _init(ks[9], (HEADS, DH), DH)
    inp["att_dst"] = _init(ks[10], (HEADS, DH), DH)
    inp["bias_g"] = jnp.zeros((OUT,), jnp.float32)
    return inp


def _layernorm(x, g, b):
    m = x.mean(-1, keepdims=True)
    v = ((x - m) ** 2).mean(-1, keepdims=True)
    return (x - m) / jnp.sqrt(v + 1e-5) * g + b


def _forward(H_t, src, dst, W1, b1, W2, b2, ln_g, ln_b, Wih, bih, Whh, bhh,
             Ws1, bs1, Ws2, bs2, Wg, att_src, att_dst, bias_g):
    # ObsEmbedding
    x = jax.nn.relu(H_t @ W1.T + b1)
    x = jax.nn.relu(x @ W2.T + b2)
    H_emb = _layernorm(x, ln_g, ln_b)
    # NodeMemory hidden state (fresh episode, t=0 -> already detached zeros)
    h = jnp.zeros((N, HID), jnp.float32)
    outs = []
    attns = []
    for bidx in range(B):
        # GRUCell step (stateful across the batch loop, as in the torch module)
        e_t = H_emb[bidx]
        gi = e_t @ Wih.T + bih
        gh = h @ Whh.T + bhh
        i_r, i_z, i_n = jnp.split(gi, 3, axis=-1)
        h_r, h_z, h_n = jnp.split(gh, 3, axis=-1)
        r = jax.nn.sigmoid(i_r + h_r)
        z = jax.nn.sigmoid(i_z + h_z)
        n = jnp.tanh(i_n + r * h_n)
        h = (1.0 - z) * n + z * h
        # EdgeScorer: gather endpoint states, score every candidate edge
        feat = jnp.concatenate([h[src], h[dst]], axis=1)  # (E, 2*HID)
        score = jax.nn.sigmoid(jax.nn.relu(feat @ Ws1.T + bs1) @ Ws2.T + bs2)[:, 0]
        # scatter_topk: keep top-k per source node (src is block-contiguous, DEG per node)
        _, topi = jax.lax.top_k(score.reshape(N, DEG), K)
        keep = (jnp.arange(N, dtype=jnp.int32)[:, None] * DEG + topi.astype(jnp.int32)).reshape(-1)
        e_src = src[keep]
        e_dst = dst[keep]
        w = score[keep]
        # GATConv (eval mode, dropout=0), attention scaled by soft edge weight w
        xw = (h @ Wg.T).reshape(N, HEADS, DH)
        a_s = jnp.sum(xw * att_src[None], axis=-1)  # (N, HEADS)
        a_d = jnp.sum(xw * att_dst[None], axis=-1)
        logits = jax.nn.leaky_relu(a_s[e_src] + a_d[e_dst], 0.2)  # (Ek, HEADS)
        m = jax.ops.segment_max(logits, e_dst, num_segments=N)
        m = jnp.where(jnp.isfinite(m), m, 0.0)
        ex = jnp.exp(logits - m[e_dst])
        den = jax.ops.segment_sum(ex, e_dst, num_segments=N)
        alpha = ex / (den[e_dst] + 1e-16)
        alpha = alpha * w[:, None]
        msg = alpha[:, :, None] * xw[e_src]  # (Ek, HEADS, DH)
        out_b = jax.ops.segment_sum(msg, e_dst, num_segments=N).reshape(N, OUT) + bias_g
        # dense attention: scatter-add alpha into (HEADS, N, N), row-normalize
        A = jnp.zeros((HEADS, N, N), jnp.float32).at[:, e_src, e_dst].add(alpha.T)
        A = A / jnp.clip(A.sum(-1, keepdims=True), 1e-9, None)
        outs.append(out_b)
        attns.append(A)
    return jnp.stack(outs, 0), jnp.stack(attns, 0)


def reference(H_t, src, dst, W1, b1, W2, b2, ln_g, ln_b, Wih, bih, Whh, bhh,
              Ws1, bs1, Ws2, bs2, Wg, att_src, att_dst, bias_g):
    return _forward(H_t, src, dst, W1, b1, W2, b2, ln_g, ln_b, Wih, bih, Whh, bhh,
                    Ws1, bs1, Ws2, bs2, Wg, att_src, att_dst, bias_g)

if __name__ == "__main__":
    import jax
    _d = setup_inputs()
    print(jax.jit(kernel)(*tuple(_d.values())))

</pallas_src>

<mosaic_0001>
#map = affine_map<(d0, d1) -> (0, 0)>
module attributes {stable_mosaic.version = 14 : i64} {
  func.func @_gather_sc_body(%arg0: i32, %arg1: i32, %arg2: memref<4096x128xf32, #tpu.memory_space<hbm>>, %arg3: memref<1024x128xi32, #tpu.memory_space<hbm>>, %arg4: memref<131072x128xf32, #tpu.memory_space<hbm>>, %arg5: memref<32x128xi32, #tpu.memory_space<vmem>>, %arg6: memref<512x128xf32, #tpu.memory_space<vmem>>, %arg7: memref<!tpu.dma_semaphore, #tpu.memory_space<semaphore_mem>>) attributes {dimension_semantics = [#tpu.dimension_semantics<core_parallel>, #tpu.dimension_semantics<subcore_parallel>], iteration_bounds = array<i64: 2, 16>, scalar_prefetch = 0 : i64, scratch_operands = 3 : i64, tpu.core_type = #tpu.core_type<sc_vector_subcore>, window_params = [{transform_indices = #map}, {transform_indices = #map}, {transform_indices = #map}]} {
    %mul3A = arith.constant 2 : i32
    %mul3A_0 = arith.muli %arg1, %mul3A : i32
    %add3A = arith.addi %mul3A_0, %arg0 : i32
    %mul3A_1 = arith.constant 4096 : i32
    %mul3A_2 = arith.muli %add3A, %mul3A_1 : i32
    %multiple_of3A = tpu.assume_multiple %mul3A_2, 4096 : i32
    %jit3A = arith.constant 128 : i32
    %div3A = arith.divsi %multiple_of3A, %jit3A : i32
    %sign3A = arith.constant 0 : i32
    %sign3A_3 = arith.cmpi sgt, %multiple_of3A, %sign3A : i32
    %sign3A_4 = arith.extui %sign3A_3 : i1 to i32
    %sign3A_5 = arith.constant 0 : i32
    %sign3A_6 = arith.cmpi slt, %multiple_of3A, %sign3A_5 : i32
    %sign3A_7 = arith.extui %sign3A_6 : i1 to i32
    %sign3A_8 = arith.subi %sign3A_4, %sign3A_7 : i32
    %sign3A_9 = arith.constant 0 : i32
    %sign3A_10 = arith.cmpi sgt, %jit3A, %sign3A_9 : i32
    %sign3A_11 = arith.extui %sign3A_10 : i1 to i32
    %sign3A_12 = arith.constant 0 : i32
    %sign3A_13 = arith.cmpi slt, %jit3A, %sign3A_12 : i32
    %sign3A_14 = arith.extui %sign3A_13 : i1 to i32
    %sign3A_15 = arith.subi %sign3A_11, %sign3A_14 : i32
    %ne3A = arith.cmpi ne, %sign3A_8, %sign3A_15 : i32
    %rem3A = arith.remsi %multiple_of3A, %jit3A : i32
    %ne3A_16 = arith.constant 0 : i32
    %ne3A_17 = arith.cmpi ne, %rem3A, %ne3A_16 : i32
    %and3A = arith.andi %ne3A, %ne3A_17 : i1
    %sub3A = arith.constant 1 : i32
    %sub3A_18 = arith.subi %div3A, %sub3A : i32
    %select_n3A = arith.select %and3A, %sub3A_18, %div3A : i32
    %multiple_of3A_19 = tpu.assume_multiple %select_n3A, 8 : i32
    "tpu.region"() ({
      %run_scoped3A = tpu.sem_alloc : memref<!tpu.dma_semaphore, #tpu.memory_space<semaphore_mem>>
      %dma_start3A_674 = arith.constant 0 : i32
      %dma_start3A_675 = tpu.memref_slice %arg3[%multiple_of3A_19, %dma_start3A_674] : memref<1024x128xi32, #tpu.memory_space<hbm>> -> memref<32x128xi32, #tpu.memory_space<hbm>>
      %dma_start3A_676 = arith.constant 0 : i32
      %dma_start3A_677 = tpu.memref_slice %arg3[%multiple_of3A_19, %dma_start3A_676] : memref<1024x128xi32, #tpu.memory_space<hbm>> -> memref<32x128xi32, #tpu.memory_space<hbm>>
      tpu.enqueue_dma source(%dma_start3A_677 : memref<32x128xi32, #tpu.memory_space<hbm>>) target(%arg5 : memref<32x128xi32, #tpu.memory_space<vmem>>) target_semaphore(%run_scoped3A : memref<!tpu.dma_semaphore, #tpu.memory_space<semaphore_mem>>)
      %dma_wait3A_678 = arith.constant 0 : i32
      %dma_wait3A_679 = tpu.memref_slice %arg3[%multiple_of3A_19, %dma_wait3A_678] : memref<1024x128xi32, #tpu.memory_space<hbm>> -> memref<32x128xi32, #tpu.memory_space<hbm>>
      %dma_wait3A_680 = arith.constant 0 : i32
      %dma_wait3A_681 = tpu.memref_slice %arg3[%multiple_of3A_19, %dma_wait3A_680] : memref<1024x128xi32, #tpu.memory_space<hbm>> -> memref<32x128xi32, #tpu.memory_space<hbm>>
      tpu.wait_dma2 semaphore(%run_scoped3A : memref<!tpu.dma_semaphore, #tpu.memory_space<semaphore_mem>>) src(%dma_wait3A_681 : memref<32x128xi32, #tpu.memory_space<hbm>>) dst(%arg5 : memref<32x128xi32, #tpu.memory_space<vmem>>)
      tpu.yield
    }) : () -> ()
    %dma_start3A = arith.constant 0 : i32
    %dma_start3A_20 = arith.constant 0 : i32
    %dma_start3A_21 = arith.constant 0 : i32
    %dma_start3A_22 = tpu.memref_slice %arg6[%dma_start3A_20, %dma_start3A_21] : memref<512x128xf32, #tpu.memory_space<vmem>> -> memref<128x128xf32, #tpu.memory_space<vmem>>
    %dma_start3A_23 = arith.constant 0 : i32
    %dma_start3A_24 = tpu.memref_slice %arg5[%dma_start3A, %dma_start3A_23] : memref<32x128xi32, #tpu.memory_space<vmem>> -> memref<1x128xi32, #tpu.memory_space<vmem>>
    %dma_start3A_25 = tpu.memref_squeeze %dma_start3A_24 : memref<1x128xi32, #tpu.memory_space<vmem>> -> memref<128xi32, #tpu.memory_space<vmem>>
    %dma_start3A_26 = arith.constant 0 : i32
    %dma_start3A_27 = arith.constant 0 : i32
    %dma_start3A_28 = tpu.memref_slice %arg2[%dma_start3A_26, %dma_start3A_27] : memref<4096x128xf32, #tpu.memory_space<hbm>> -> memref<4096x128xf32, #tpu.memory_space<hbm>>
    tpu.enqueue_indirect_dma source(%dma_start3A_28 : memref<4096x128xf32, #tpu.memory_space<hbm>>) target(%dma_start3A_22 : memref<128x128xf32, #tpu.memory_space<vmem>>) offsets(%dma_start3A_25 : memref<128xi32, #tpu.memory_space<vmem>>) semaphore(%arg7 : memref<!tpu.dma_semaphore, #tpu.memory_space<semaphore_mem>>)
    %dma_start3A_29 = arith.constant 1 : i32
    %dma_start3A_30 = arith.constant 128 : i32
    %dma_start3A_31 = arith.constant 0 : i32
    %dma_start3A_32 = tpu.memref_slice %arg6[%dma_start3A_30, %dma_start3A_31] : memref<512x128xf32, #tpu.memory_space<vmem>> -> memref<128x128xf32, #tpu.memory_space<vmem>>
    %dma_start3A_33 = arith.constant 0 : i32
    %dma_start3A_34 = tpu.memref_slice %arg5[%dma_start3A_29, %dma_start3A_33] : memref<32x128xi32, #tpu.memory_space<vmem>> -> memref<1x128xi32, #tpu.memory_space<vmem>>
    %dma_start3A_35 = tpu.memref_squeeze %dma_start3A_34 : memref<1x128xi32, #tpu.memory_space<vmem>> -> memref<128xi32, #tpu.memory_space<vmem>>
    %dma_start3A_36 = arith.constant 0 : i32
    %dma_start3A_37 = arith.constant 0 : i32
    %dma_start3A_38 = tpu.memref_slice %arg2[%dma_start3A_36, %dma_start3A_37] : memref<4096x128xf32, #tpu.memory_space<hbm>> -> memref<4096x128xf32, #tpu.memory_space<hbm>>
    tpu.enqueue_indirect_dma source(%dma_start3A_38 : memref<4096x128xf32, #tpu.memory_space<hbm>>) target(%dma_start3A_32 : memref<128x128xf32, #tpu.memory_space<vmem>>) offsets(%dma_start3A_35 : memref<128xi32, #tpu.memory_space<vmem>>) semaphore(%arg7 : memref<!tpu.dma_semaphore, #tpu.memory_space<semaphore_mem>>)
    %dma_start3A_39 = arith.constant 2 : i32
    %dma_start3A_40 = arith.constant 256 : i32
    %dma_start3A_41 = arith.constant 0 : i32
    %dma_start3A_42 = tpu.memref_slice %arg6[%dma_start3A_40, %dma_start3A_41] : memref<512x128xf32, #tpu.memory_space<vmem>> -> memref<128x128xf32, #tpu.memory_space<vmem>>
    %dma_start3A_43 = arith.constant 0 : i32
    %dma_start3A_44 = tpu.memref_slice %arg5[%dma_start3A_39, %dma_start3A_43] : memref<32x128xi32, #tpu.memory_space<vmem>> -> memref<1x128xi32, #tpu.memory_space<vmem>>
    %dma_start3A_45 = tpu.memref_squeeze %dma_start3A_44 : memref<1x128xi32, #tpu.memory_space<vmem>> -> memref<128xi32, #tpu.memory_space<vmem>>
    %dma_start3A_46 = arith.constant 0 : i32
    %dma_start3A_47 = arith.constant 0 : i32
    %dma_start3A_48 = tpu.memref_slice %arg2[%dma_start3A_46, %dma_start3A_47] : memref<4096x128xf32, #tpu.memory_space<hbm>> -> memref<4096x128xf32, #tpu.memory_space<hbm>>
    tpu.enqueue_indirect_dma source(%dma_start3A_48 : memref<4096x128xf32, #tpu.memory_space<hbm>>) target(%dma_start3A_42 : memref<128x128xf32, #tpu.memory_space<vmem>>) offsets(%dma_start3A_45 : memref<128xi32, #tpu.memory_space<vmem>>) semaphore(%arg7 : memref<!tpu.dma_semaphore, #tpu.memory_space<semaphore_mem>>)
    %dma_start3A_49 = arith.constant 3 : i32
    %dma_start3A_50 = arith.constant 384 : i32
    %dma_start3A_51 = arith.constant 0 : i32
    %dma_start3A_52 = tpu.memref_slice %arg6[%dma_start3A_50, %dma_start3A_51] : memref<512x128xf32, #tpu.memory_space<vmem>> -> memref<128x128xf32, #tpu.memory_space<vmem>>
    %dma_start3A_53 = arith.constant 0 : i32
    %dma_start3A_54 = tpu.memref_slice %arg5[%dma_start3A_49, %dma_start3A_53] : memref<32x128xi32, #tpu.memory_space<vmem>> -> memref<1x128xi32, #tpu.memory_space<vmem>>
    %dma_start3A_55 = tpu.memref_squeeze %dma_start3A_54 : memref<1x128xi32, #tpu.memory_space<vmem>> -> memref<128xi32, #tpu.memory_space<vmem>>
    %dma_start3A_56 = arith.constant 0 : i32
    %dma_start3A_57 = arith.constant 0 : i32
    %dma_start3A_58 = tpu.memref_slice %arg2[%dma_start3A_56, %dma_start3A_57] : memref<4096x128xf32, #tpu.memory_space<hbm>> -> memref<4096x128xf32, #tpu.memory_space<hbm>>
    tpu.enqueue_indirect_dma source(%dma_start3A_58 : memref<4096x128xf32, #tpu.memory_space<hbm>>) target(%dma_start3A_52 : memref<128x128xf32, #tpu.memory_space<vmem>>) offsets(%dma_start3A_55 : memref<128xi32, #tpu.memory_space<vmem>>) semaphore(%arg7 : memref<!tpu.dma_semaphore, #tpu.memory_space<semaphore_mem>>)
    %dma_wait3A = arith.constant 0 : i32
    %dma_wait3A_59 = arith.constant 0 : i32
    %dma_wait3A_60 = arith.constant 0 : i32
    %dma_wait3A_61 = tpu.memref_slice %arg6[%dma_wait3A_59, %dma_wait3A_60] : memref<512x128xf32, #tpu.memory_space<vmem>> -> memref<128x128xf32, #tpu.memory_space<vmem>>
    %dma_wait3A_62 = arith.constant 0 : i32
    %dma_wait3A_63 = tpu.memref_slice %arg5[%dma_wait3A, %dma_wait3A_62] : memref<32x128xi32, #tpu.memory_space<vmem>> -> memref<1x128xi32, #tpu.memory_space<vmem>>
    %dma_wait3A_64 = tpu.memref_squeeze %dma_wait3A_63 : memref<1x128xi32, #tpu.memory_space<vmem>> -> memref<128xi32, #tpu.memory_space<vmem>>
    %dma_wait3A_65 = arith.constant 0 : i32
    %dma_wait3A_66 = arith.constant 0 : i32
    %dma_wait3A_67 = tpu.memref_slice %arg2[%dma_wait3A_65, %dma_wait3A_66] : memref<4096x128xf32, #tpu.memory_space<hbm>> -> memref<4096x128xf32, #tpu.memory_space<hbm>>
    tpu.wait_indirect_dma semaphore(%arg7 : memref<!tpu.dma_semaphore, #tpu.memory_space<semaphore_mem>>) src(%dma_wait3A_67 : memref<4096x128xf32, #tpu.memory_space<hbm>>) dst(%dma_wait3A_61 : memref<128x128xf32, #tpu.memory_space<vmem>>)
    %dma_wait3A_68 = arith.constant 1 : i32
    %dma_wait3A_69 = arith.constant 128 : i32
    %dma_wait3A_70 = arith.constant 0 : i32
    %dma_wait3A_71 = tpu.memref_slice %arg6[%dma_wait3A_69, %dma_wait3A_70] : memref<512x128xf32, #tpu.memory_space<vmem>> -> memref<128x128xf32, #tpu.memory_space<vmem>>
    %dma_wait3A_72 = arith.constant 0 : i32
    %dma_wait3A_73 = tpu.memref_slice %arg5[%dma_wait3A_68, %dma_wait3A_72] : memref<32x128xi32, #tpu.memory_space<vmem>> -> memref<1x128xi32, #tpu.memory_space<vmem>>
    %dma_wait3A_74 = tpu.memref_squeeze %dma_wait3A_73 : memref<1x128xi32, #tpu.memory_space<vmem>> -> memref<128xi32, #tpu.memory_space<vmem>>
    %dma_wait3A_75 = arith.constant 0 : i32
    %dma_wait3A_76 = arith.constant 0 : i32
    %dma_wait3A_77 = tpu.memref_slice %arg2[%dma_wait3A_75, %dma_wait3A_76] : memref<4096x128xf32, #tpu.memory_space<hbm>> -> memref<4096x128xf32, #tpu.memory_space<hbm>>
    tpu.wait_indirect_dma semaphore(%arg7 : memref<!tpu.dma_semaphore, #tpu.memory_space<semaphore_mem>>) src(%dma_wait3A_77 : memref<4096x128xf32, #tpu.memory_space<hbm>>) dst(%dma_wait3A_71 : memref<128x128xf32, #tpu.memory_space<vmem>>)
    %dma_wait3A_78 = arith.constant 2 : i32
    %dma_wait3A_79 = arith.constant 256 : i32
    %dma_wait3A_80 = arith.constant 0 : i32
    %dma_wait3A_81 = tpu.memref_slice %arg6[%dma_wait3A_79, %dma_wait3A_80] : memref<512x128xf32, #tpu.memory_space<vmem>> -> memref<128x128xf32, #tpu.memory_space<vmem>>
    %dma_wait3A_82 = arith.constant 0 : i32
    %dma_wait3A_83 = tpu.memref_slice %arg5[%dma_wait3A_78, %dma_wait3A_82] : memref<32x128xi32, #tpu.memory_space<vmem>> -> memref<1x128xi32, #tpu.memory_space<vmem>>
    %dma_wait3A_84 = tpu.memref_squeeze %dma_wait3A_83 : memref<1x128xi32, #tpu.memory_space<vmem>> -> memref<128xi32, #tpu.memory_space<vmem>>
    %dma_wait3A_85 = arith.constant 0 : i32
    %dma_wait3A_86 = arith.constant 0 : i32
    %dma_wait3A_87 = tpu.memref_slice %arg2[%dma_wait3A_85, %dma_wait3A_86] : memref<4096x128xf32, #tpu.memory_space<hbm>> -> memref<4096x128xf32, #tpu.memory_space<hbm>>
    tpu.wait_indirect_dma semaphore(%arg7 : memref<!tpu.dma_semaphore, #tpu.memory_space<semaphore_mem>>) src(%dma_wait3A_87 : memref<4096x128xf32, #tpu.memory_space<hbm>>) dst(%dma_wait3A_81 : memref<128x128xf32, #tpu.memory_space<vmem>>)
    %dma_wait3A_88 = arith.constant 3 : i32
    %dma_wait3A_89 = arith.constant 384 : i32
    %dma_wait3A_90 = arith.constant 0 : i32
    %dma_wait3A_91 = tpu.memref_slice %arg6[%dma_wait3A_89, %dma_wait3A_90] : memref<512x128xf32, #tpu.memory_space<vmem>> -> memref<128x128xf32, #tpu.memory_space<vmem>>
    %dma_wait3A_92 = arith.constant 0 : i32
    %dma_wait3A_93 = tpu.memref_slice %arg5[%dma_wait3A_88, %dma_wait3A_92] : memref<32x128xi32, #tpu.memory_space<vmem>> -> memref<1x128xi32, #tpu.memory_space<vmem>>
    %dma_wait3A_94 = tpu.memref_squeeze %dma_wait3A_93 : memref<1x128xi32, #tpu.memory_space<vmem>> -> memref<128xi32, #tpu.memory_space<vmem>>
    %dma_wait3A_95 = arith.constant 0 : i32
    %dma_wait3A_96 = arith.constant 0 : i32
    %dma_wait3A_97 = tpu.memref_slice %arg2[%dma_wait3A_95, %dma_wait3A_96] : memref<4096x128xf32, #tpu.memory_space<hbm>> -> memref<4096x128xf32, #tpu.memory_space<hbm>>
    tpu.wait_indirect_dma semaphore(%arg7 : memref<!tpu.dma_semaphore, #tpu.memory_space<semaphore_mem>>) src(%dma_wait3A_97 : memref<4096x128xf32, #tpu.memory_space<hbm>>) dst(%dma_wait3A_91 : memref<128x128xf32, #tpu.memory_space<vmem>>)
    %add3A_98 = arith.constant 0 : i32
    %add3A_99 = arith.addi %multiple_of3A, %add3A_98 : i32
    "tpu.region"() ({
      %run_scoped3A = tpu.sem_alloc : memref<!tpu.dma_semaphore, #tpu.memory_space<semaphore_mem>>
      %dma_start3A_674 = arith.constant 0 : i32
      %dma_start3A_675 = tpu.memref_slice %arg4[%add3A_99, %dma_start3A_674] : memref<131072x128xf32, #tpu.memory_space<hbm>> -> memref<512x128xf32, #tpu.memory_space<hbm>>
      %dma_start3A_676 = arith.constant 0 : i32
      %dma_start3A_677 = tpu.memref_slice %arg4[%add3A_99, %dma_start3A_676] : memref<131072x128xf32, #tpu.memory_space<hbm>> -> memref<512x128xf32, #tpu.memory_space<hbm>>
      tpu.enqueue_dma source(%arg6 : memref<512x128xf32, #tpu.memory_space<vmem>>) target(%dma_start3A_677 : memref<512x128xf32, #tpu.memory_space<hbm>>) target_semaphore(%run_scoped3A : memref<!tpu.dma_semaphore, #tpu.memory_space<semaphore_mem>>)
      %dma_wait3A_678 = arith.constant 0 : i32
      %dma_wait3A_679 = tpu.memref_slice %arg4[%add3A_99, %dma_wait3A_678] : memref<131072x128xf32, #tpu.memory_space<hbm>> -> memref<512x128xf32, #tpu.memory_space<hbm>>
      %dma_wait3A_680 = arith.constant 0 : i32
      %dma_wait3A_681 = tpu.memref_slice %arg4[%add3A_99, %dma_wait3A_680] : memref<131072x128xf32, #tpu.memory_space<hbm>> -> memref<512x128xf32, #tpu.memory_space<hbm>>
      tpu.wait_dma2 semaphore(%run_scoped3A : memref<!tpu.dma_semaphore, #tpu.memory_space<semaphore_mem>>) src(%arg6 : memref<512x128xf32, #tpu.memory_space<vmem>>) dst(%dma_wait3A_681 : memref<512x128xf32, #tpu.memory_space<hbm>>)
      tpu.yield
    }) : () -> ()
    %dma_start3A_100 = arith.constant 4 : i32
    %dma_start3A_101 = arith.constant 0 : i32
    %dma_start3A_102 = arith.constant 0 : i32
    %dma_start3A_103 = tpu.memref_slice %arg6[%dma_start3A_101, %dma_start3A_102] : memref<512x128xf32, #tpu.memory_space<vmem>> -> memref<128x128xf32, #tpu.memory_space<vmem>>
    %dma_start3A_104 = arith.constant 0 : i32
    %dma_start3A_105 = tpu.memref_slice %arg5[%dma_start3A_100, %dma_start3A_104] : memref<32x128xi32, #tpu.memory_space<vmem>> -> memref<1x128xi32, #tpu.memory_space<vmem>>
    %dma_start3A_106 = tpu.memref_squeeze %dma_start3A_105 : memref<1x128xi32, #tpu.memory_space<vmem>> -> memref<128xi32, #tpu.memory_space<vmem>>
    %dma_start3A_107 = arith.constant 0 : i32
    %dma_start3A_108 = arith.constant 0 : i32
    %dma_start3A_109 = tpu.memref_slice %arg2[%dma_start3A_107, %dma_start3A_108] : memref<4096x128xf32, #tpu.memory_space<hbm>> -> memref<4096x128xf32, #tpu.memory_space<hbm>>
    tpu.enqueue_indirect_dma source(%dma_start3A_109 : memref<4096x128xf32, #tpu.memory_space<hbm>>) target(%dma_start3A_103 : memref<128x128xf32, #tpu.memory_space<vmem>>) offsets(%dma_start3A_106 : memref<128xi32, #tpu.memory_space<vmem>>) semaphore(%arg7 : memref<!tpu.dma_semaphore, #tpu.memory_space<semaphore_mem>>)
    %dma_start3A_110 = arith.constant 5 : i32
    %dma_start3A_111 = arith.constant 128 : i32
    %dma_start3A_112 = arith.constant 0 : i32
    %dma_start3A_113 = tpu.memref_slice %arg6[%dma_start3A_111, %dma_start3A_112] : memref<512x128xf32, #tpu.memory_space<vmem>> -> memref<128x128xf32, #tpu.memory_space<vmem>>
    %dma_start3A_114 = arith.constant 0 : i32
    %dma_start3A_115 = tpu.memref_slice %arg5[%dma_start3A_110, %dma_start3A_114] : memref<32x128xi32, #tpu.memory_space<vmem>> -> memref<1x128xi32, #tpu.memory_space<vmem>>
    %dma_start3A_116 = tpu.memref_squeeze %dma_start3A_115 : memref<1x128xi32, #tpu.memory_space<vmem>> -> memref<128xi32, #tpu.memory_space<vmem>>
    %dma_start3A_117 = arith.constant 0 : i32
    %dma_start3A_118 = arith.constant 0 : i32
    %dma_start3A_119 = tpu.memref_slice %arg2[%dma_start3A_117, %dma_start3A_118] : memref<4096x128xf32, #tpu.memory_space<hbm>> -> memref<4096x128xf32, #tpu.memory_space<hbm>>
    tpu.enqueue_indirect_dma source(%dma_start3A_119 : memref<4096x128xf32, #tpu.memory_space<hbm>>) target(%dma_start3A_113 : memref<128x128xf32, #tpu.memory_space<vmem>>) offsets(%dma_start3A_116 : memref<128xi32, #tpu.memory_space<vmem>>) semaphore(%arg7 : memref<!tpu.dma_semaphore, #tpu.memory_space<semaphore_mem>>)
    %dma_start3A_120 = arith.constant 6 : i32
    %dma_start3A_121 = arith.constant 256 : i32
    %dma_start3A_122 = arith.constant 0 : i32
    %dma_start3A_123 = tpu.memref_slice %arg6[%dma_start3A_121, %dma_start3A_122] : memref<512x128xf32, #tpu.memory_space<vmem>> -> memref<128x128xf32, #tpu.memory_space<vmem>>
    %dma_start3A_124 = arith.constant 0 : i32
    %dma_start3A_125 = tpu.memref_slice %arg5[%dma_start3A_120, %dma_start3A_124] : memref<32x128xi32, #tpu.memory_space<vmem>> -> memref<1x128xi32, #tpu.memory_space<vmem>>
    %dma_start3A_126 = tpu.memref_squeeze %dma_start3A_125 : memref<1x128xi32, #tpu.memory_space<vmem>> -> memref<128xi32, #tpu.memory_space<vmem>>
    %dma_start3A_127 = arith.constant 0 : i32
    %dma_start3A_128 = arith.constant 0 : i32
    %dma_start3A_129 = tpu.memref_slice %arg2[%dma_start3A_127, %dma_start3A_128] : memref<4096x128xf32, #tpu.memory_space<hbm>> -> memref<4096x128xf32, #tpu.memory_space<hbm>>
    tpu.enqueue_indirect_dma source(%dma_start3A_129 : memref<4096x128xf32, #tpu.memory_space<hbm>>) target(%dma_start3A_123 : memref<128x128xf32, #tpu.memory_space<vmem>>) offsets(%dma_start3A_126 : memref<128xi32, #tpu.memory_space<vmem>>) semaphore(%arg7 : memref<!tpu.dma_semaphore, #tpu.memory_space<semaphore_mem>>)
    %dma_start3A_130 = arith.constant 7 : i32
    %dma_start3A_131 = arith.constant 384 : i32
    %dma_start3A_132 = arith.constant 0 : i32
    %dma_start3A_133 = tpu.memref_slice %arg6[%dma_start3A_131, %dma_start3A_132] : memref<512x128xf32, #tpu.memory_space<vmem>> -> memref<128x128xf32, #tpu.memory_space<vmem>>
    %dma_start3A_134 = arith.constant 0 : i32
    %dma_start3A_135 = tpu.memref_slice %arg5[%dma_start3A_130, %dma_start3A_134] : memref<32x128xi32, #tpu.memory_space<vmem>> -> memref<1x128xi32, #tpu.memory_space<vmem>>
    %dma_start3A_136 = tpu.memref_squeeze %dma_start3A_135 : memref<1x128xi32, #tpu.memory_space<vmem>> -> memref<128xi32, #tpu.memory_space<vmem>>
    %dma_start3A_137 = arith.constant 0 : i32
    %dma_start3A_138 = arith.constant 0 : i32
    %dma_start3A_139 = tpu.memref_slice %arg2[%dma_start3A_137, %dma_start3A_138] : memref<4096x128xf32, #tpu.memory_space<hbm>> -> memref<4096x128xf32, #tpu.memory_space<hbm>>
    tpu.enqueue_indirect_dma source(%dma_start3A_139 : memref<4096x128xf32, #tpu.memory_space<hbm>>) target(%dma_start3A_133 : memref<128x128xf32, #tpu.memory_space<vmem>>) offsets(%dma_start3A_136 : memref<128xi32, #tpu.memory_space<vmem>>) semaphore(%arg7 : memref<!tpu.dma_semaphore, #tpu.memory_space<semaphore_mem>>)
    %dma_wait3A_140 = arith.constant 4 : i32
    %dma_wait3A_141 = arith.constant 0 : i32
    %dma_wait3A_142 = arith.constant 0 : i32
    %dma_wait3A_143 = tpu.memref_slice %arg6[%dma_wait3A_141, %dma_wait3A_142] : memref<512x128xf32, #tpu.memory_space<vmem>> -> memref<128x128xf32, #tpu.memory_space<vmem>>
    %dma_wait3A_144 = arith.constant 0 : i32
    %dma_wait3A_145 = tpu.memref_slice %arg5[%dma_wait3A_140, %dma_wait3A_144] : memref<32x128xi32, #tpu.memory_space<vmem>> -> memref<1x128xi32, #tpu.memory_space<vmem>>
    %dma_wait3A_146 = tpu.memref_squeeze %dma_wait3A_145 : memref<1x128xi32, #tpu.memory_space<vmem>> -> memref<128xi32, #tpu.memory_space<vmem>>
    %dma_wait3A_147 = arith.constant 0 : i32
    %dma_wait3A_148 = arith.constant 0 : i32
    %dma_wait3A_149 = tpu.memref_slice %arg2[%dma_wait3A_147, %dma_wait3A_148] : memref<4096x128xf32, #tpu.memory_space<hbm>> -> memref<4096x128xf32, #tpu.memory_space<hbm>>
    tpu.wait_indirect_dma semaphore(%arg7 : memref<!tpu.dma_semaphore, #tpu.memory_space<semaphore_mem>>) src(%dma_wait3A_149 : memref<4096x128xf32, #tpu.memory_space<hbm>>) dst(%dma_wait3A_143 : memref<128x128xf32, #tpu.memory_space<vmem>>)
    %dma_wait3A_150 = arith.constant 5 : i32
    %dma_wait3A_151 = arith.constant 128 : i32
    %dma_wait3A_152 = arith.constant 0 : i32
    %dma_wait3A_153 = tpu.memref_slice %arg6[%dma_wait3A_151, %dma_wait3A_152] : memref<512x128xf32, #tpu.memory_space<vmem>> -> memref<128x128xf32, #tpu.memory_space<vmem>>
    %dma_wait3A_154 = arith.constant 0 : i32
    %dma_wait3A_155 = tpu.memref_slice %arg5[%dma_wait3A_150, %dma_wait3A_154] : memref<32x128xi32, #tpu.memory_space<vmem>> -> memref<1x128xi32, #tpu.memory_space<vmem>>
    %dma_wait3A_156 = tpu.memref_squeeze %dma_wait3A_155 : memref<1x128xi32, #tpu.memory_space<vmem>> -> memref<128xi32, #tpu.memory_space<vmem>>
    %dma_wait3A_157 = arith.constant 0 : i32
    %dma_wait3A_158 = arith.constant 0 : i32
    %dma_wait3A_159 = tpu.memref_slice %arg2[%dma_wait3A_157, %dma_wait3A_158] : memref<4096x128xf32, #tpu.memory_space<hbm>> -> memref<4096x128xf32, #tpu.memory_space<hbm>>
    tpu.wait_indirect_dma semaphore(%arg7 : memref<!tpu.dma_semaphore, #tpu.memory_space<semaphore_mem>>) src(%dma_wait3A_159 : memref<4096x128xf32, #tpu.memory_space<hbm>>) dst(%dma_wait3A_153 : memref<128x128xf32, #tpu.memory_space<vmem>>)
    %dma_wait3A_160 = arith.constant 6 : i32
    %dma_wait3A_161 = arith.constant 256 : i32
    %dma_wait3A_162 = arith.constant 0 : i32
    %dma_wait3A_163 = tpu.memref_slice %arg6[%dma_wait3A_161, %dma_wait3A_162] : memref<512x128xf32, #tpu.memory_space<vmem>> -> memref<128x128xf32, #tpu.memory_space<vmem>>
    %dma_wait3A_164 = arith.constant 0 : i32
    %dma_wait3A_165 = tpu.memref_slice %arg5[%dma_wait3A_160, %dma_wait3A_164] : memref<32x128xi32, #tpu.memory_space<vmem>> -> memref<1x128xi32, #tpu.memory_space<vmem>>
    %dma_wait3A_166 = tpu.memref_squeeze %dma_wait3A_165 : memref<1x128xi32, #tpu.memory_space<vmem>> -> memref<128xi32, #tpu.memory_space<vmem>>
    %dma_wait3A_167 = arith.constant 0 : i32
    %dma_wait3A_168 = arith.constant 0 : i32
    %dma_wait3A_169 = tpu.memref_slice %arg2[%dma_wait3A_167, %dma_wait3A_168] : memref<4096x128xf32, #tpu.memory_space<hbm>> -> memref<4096x128xf32, #tpu.memory_space<hbm>>
    tpu.wait_indirect_dma semaphore(%arg7 : memref<!tpu.dma_semaphore, #tpu.memory_space<semaphore_mem>>) src(%dma_wait3A_169 : memref<4096x128xf32, #tpu.memory_space<hbm>>) dst(%dma_wait3A_163 : memref<128x128xf32, #tpu.memory_space<vmem>>)
    %dma_wait3A_170 = arith.constant 7 : i32
    %dma_wait3A_171 = arith.constant 384 : i32
    %dma_wait3A_172 = arith.constant 0 : i32
    %dma_wait3A_173 = tpu.memref_slice %arg6[%dma_wait3A_171, %dma_wait3A_172] : memref<512x128xf32, #tpu.memory_space<vmem>> -> memref<128x128xf32, #tpu.memory_space<vmem>>
    %dma_wait3A_174 = arith.constant 0 : i32
    %dma_wait3A_175 = tpu.memref_slice %arg5[%dma_wait3A_170, %dma_wait3A_174] : memref<32x128xi32, #tpu.memory_space<vmem>> -> memref<1x128xi32, #tpu.memory_space<vmem>>
    %dma_wait3A_176 = tpu.memref_squeeze %dma_wait3A_175 : memref<1x128xi32, #tpu.memory_space<vmem>> -> memref<128xi32, #tpu.memory_space<vmem>>
    %dma_wait3A_177 = arith.constant 0 : i32
    %dma_wait3A_178 = arith.constant 0 : i32
    %dma_wait3A_179 = tpu.memref_slice %arg2[%dma_wait3A_177, %dma_wait3A_178] : memref<4096x128xf32, #tpu.memory_space<hbm>> -> memref<4096x128xf32, #tpu.memory_space<hbm>>
    tpu.wait_indirect_dma semaphore(%arg7 : memref<!tpu.dma_semaphore, #tpu.memory_space<semaphore_mem>>) src(%dma_wait3A_179 : memref<4096x128xf32, #tpu.memory_space<hbm>>) dst(%dma_wait3A_173 : memref<128x128xf32, #tpu.memory_space<vmem>>)
    %add3A_180 = arith.constant 512 : i32
    %add3A_181 = arith.addi %multiple_of3A, %add3A_180 : i32
    "tpu.region"() ({
      %run_scoped3A = tpu.sem_alloc : memref<!tpu.dma_semaphore, #tpu.memory_space<semaphore_mem>>
      %dma_start3A_674 = arith.constant 0 : i32
      %dma_start3A_675 = tpu.memref_slice %arg4[%add3A_181, %dma_start3A_674] : memref<131072x128xf32, #tpu.memory_space<hbm>> -> memref<512x128xf32, #tpu.memory_space<hbm>>
      %dma_start3A_676 = arith.constant 0 : i32
      %dma_start3A_677 = tpu.memref_slice %arg4[%add3A_181, %dma_start3A_676] : memref<131072x128xf32, #tpu.memory_space<hbm>> -> memref<512x128xf32, #tpu.memory_space<hbm>>
      tpu.enqueue_dma source(%arg6 : memref<512x128xf32, #tpu.memory_space<vmem>>) target(%dma_start3A_677 : memref<512x128xf32, #tpu.memory_space<hbm>>) target_semaphore(%run_scoped3A : memref<!tpu.dma_semaphore, #tpu.memory_space<semaphore_mem>>)
      %dma_wait3A_678 = arith.constant 0 : i32
      %dma_wait3A_679 = tpu.memref_slice %arg4[%add3A_181, %dma_wait3A_678] : memref<131072x128xf32, #tpu.memory_space<hbm>> -> memref<512x128xf32, #tpu.memory_space<hbm>>
      %dma_wait3A_680 = arith.constant 0 : i32
      %dma_wait3A_681 = tpu.memref_slice %arg4[%add3A_181, %dma_wait3A_680] : memref<131072x128xf32, #tpu.memory_space<hbm>> -> memref<512x128xf32, #tpu.memory_space<hbm>>
      tpu.wait_dma2 semaphore(%run_scoped3A : memref<!tpu.dma_semaphore, #tpu.memory_space<semaphore_mem>>) src(%arg6 : memref<512x128xf32, #tpu.memory_space<vmem>>) dst(%dma_wait3A_681 : memref<512x128xf32, #tpu.memory_space<hbm>>)
      tpu.yield
    }) : () -> ()
    %dma_start3A_182 = arith.constant 8 : i32
    %dma_start3A_183 = arith.constant 0 : i32
    %dma_start3A_184 = arith.constant 0 : i32
    %dma_start3A_185 = tpu.memref_slice %arg6[%dma_start3A_183, %dma_start3A_184] : memref<512x128xf32, #tpu.memory_space<vmem>> -> memref<128x128xf32, #tpu.memory_space<vmem>>
    %dma_start3A_186 = arith.constant 0 : i32
    %dma_start3A_187 = tpu.memref_slice %arg5[%dma_start3A_182, %dma_start3A_186] : memref<32x128xi32, #tpu.memory_space<vmem>> -> memref<1x128xi32, #tpu.memory_space<vmem>>
    %dma_start3A_188 = tpu.memref_squeeze %dma_start3A_187 : memref<1x128xi32, #tpu.memory_space<vmem>> -> memref<128xi32, #tpu.memory_space<vmem>>
    %dma_start3A_189 = arith.constant 0 : i32
    %dma_start3A_190 = arith.constant 0 : i32
    %dma_start3A_191 = tpu.memref_slice %arg2[%dma_start3A_189, %dma_start3A_190] : memref<4096x128xf32, #tpu.memory_space<hbm>> -> memref<4096x128xf32, #tpu.memory_space<hbm>>
    tpu.enqueue_indirect_dma source(%dma_start3A_191 : memref<4096x128xf32, #tpu.memory_space<hbm>>) target(%dma_start3A_185 : memref<128x128xf32, #tpu.memory_space<vmem>>) offsets(%dma_start3A_188 : memref<128xi32, #tpu.memory_space<vmem>>) semaphore(%arg7 : memref<!tpu.dma_semaphore, #tpu.memory_space<semaphore_mem>>)
    %dma_start3A_192 = arith.constant 9 : i32
    %dma_start3A_193 = arith.constant 128 : i32
    %dma_start3A_194 = arith.constant 0 : i32
    %dma_start3A_195 = tpu.memref_slice %arg6[%dma_start3A_193, %dma_start3A_194] : memref<512x128xf32, #tpu.memory_space<vmem>> -> memref<128x128xf32, #tpu.memory_space<vmem>>
    %dma_start3A_196 = arith.constant 0 : i32
    %dma_start3A_197 = tpu.memref_slice %arg5[%dma_start3A_192, %dma_start3A_196] : memref<32x128xi32, #tpu.memory_space<vmem>> -> memref<1x128xi32, #tpu.memory_space<vmem>>
    %dma_start3A_198 = tpu.memref_squeeze %dma_start3A_197 : memref<1x128xi32, #tpu.memory_space<vmem>> -> memref<128xi32, #tpu.memory_space<vmem>>
    %dma_start3A_199 = arith.constant 0 : i32
    %dma_start3A_200 = arith.constant 0 : i32
    %dma_start3A_201 = tpu.memref_slice %arg2[%dma_start3A_199, %dma_start3A_200] : memref<4096x128xf32, #tpu.memory_space<hbm>> -> memref<4096x128xf32, #tpu.memory_space<hbm>>
    tpu.enqueue_indirect_dma source(%dma_start3A_201 : memref<4096x128xf32, #tpu.memory_space<hbm>>) target(%dma_start3A_195 : memref<128x128xf32, #tpu.memory_space<vmem>>) offsets(%dma_start3A_198 : memref<128xi32, #tpu.memory_space<vmem>>) semaphore(%arg7 : memref<!tpu.dma_semaphore, #tpu.memory_space<semaphore_mem>>)
    %dma_start3A_202 = arith.constant 10 : i32
    %dma_start3A_203 = arith.constant 256 : i32
    %dma_start3A_204 = arith.constant 0 : i32
    %dma_start3A_205 = tpu.memref_slice %arg6[%dma_start3A_203, %dma_start3A_204] : memref<512x128xf32, #tpu.memory_space<vmem>> -> memref<128x128xf32, #tpu.memory_space<vmem>>
    %dma_start3A_206 = arith.constant 0 : i32
    %dma_start3A_207 = tpu.memref_slice %arg5[%dma_start3A_202, %dma_start3A_206] : memref<32x128xi32, #tpu.memory_space<vmem>> -> memref<1x128xi32, #tpu.memory_space<vmem>>
    %dma_start3A_208 = tpu.memref_squeeze %dma_start3A_207 : memref<1x128xi32, #tpu.memory_space<vmem>> -> memref<128xi32, #tpu.memory_space<vmem>>
    %dma_start3A_209 = arith.constant 0 : i32
    %dma_start3A_210 = arith.constant 0 : i32
    %dma_start3A_211 = tpu.memref_slice %arg2[%dma_start3A_209, %dma_start3A_210] : memref<4096x128xf32, #tpu.memory_space<hbm>> -> memref<4096x128xf32, #tpu.memory_space<hbm>>
    tpu.enqueue_indirect_dma source(%dma_start3A_211 : memref<4096x128xf32, #tpu.memory_space<hbm>>) target(%dma_start3A_205 : memref<128x128xf32, #tpu.memory_space<vmem>>) offsets(%dma_start3A_208 : memref<128xi32, #tpu.memory_space<vmem>>) semaphore(%arg7 : memref<!tpu.dma_semaphore, #tpu.memory_space<semaphore_mem>>)
    %dma_start3A_212 = arith.constant 11 : i32
    %dma_start3A_213 = arith.constant 384 : i32
    %dma_start3A_214 = arith.constant 0 : i32
    %dma_start3A_215 = tpu.memref_slice %arg6[%dma_start3A_213, %dma_start3A_214] : memref<512x128xf32, #tpu.memory_space<vmem>> -> memref<128x128xf32, #tpu.memory_space<vmem>>
    %dma_start3A_216 = arith.constant 0 : i32
    %dma_start3A_217 = tpu.memref_slice %arg5[%dma_start3A_212, %dma_start3A_216] : memref<32x128xi32, #tpu.memory_space<vmem>> -> memref<1x128xi32, #tpu.memory_space<vmem>>
    %dma_start3A_218 = tpu.memref_squeeze %dma_start3A_217 : memref<1x128xi32, #tpu.memory_space<vmem>> -> memref<128xi32, #tpu.memory_space<vmem>>
    %dma_start3A_219 = arith.constant 0 : i32
    %dma_start3A_220 = arith.constant 0 : i32
    %dma_start3A_221 = tpu.memref_slice %arg2[%dma_start3A_219, %dma_start3A_220] : memref<4096x128xf32, #tpu.memory_space<hbm>> -> memref<4096x128xf32, #tpu.memory_space<hbm>>
    tpu.enqueue_indirect_dma source(%dma_start3A_221 : memref<4096x128xf32, #tpu.memory_space<hbm>>) target(%dma_start3A_215 : memref<128x128xf32, #tpu.memory_space<vmem>>) offsets(%dma_start3A_218 : memref<128xi32, #tpu.memory_space<vmem>>) semaphore(%arg7 : memref<!tpu.dma_semaphore, #tpu.memory_space<semaphore_mem>>)
    %dma_wait3A_222 = arith.constant 8 : i32
    %dma_wait3A_223 = arith.constant 0 : i32
    %dma_wait3A_224 = arith.constant 0 : i32
    %dma_wait3A_225 = tpu.memref_slice %arg6[%dma_wait3A_223, %dma_wait3A_224] : memref<512x128xf32, #tpu.memory_space<vmem>> -> memref<128x128xf32, #tpu.memory_space<vmem>>
    %dma_wait3A_226 = arith.constant 0 : i32
    %dma_wait3A_227 = tpu.memref_slice %arg5[%dma_wait3A_222, %dma_wait3A_226] : memref<32x128xi32, #tpu.memory_space<vmem>> -> memref<1x128xi32, #tpu.memory_space<vmem>>
    %dma_wait3A_228 = tpu.memref_squeeze %dma_wait3A_227 : memref<1x128xi32, #tpu.memory_space<vmem>> -> memref<128xi32, #tpu.memory_space<vmem>>
    %dma_wait3A_229 = arith.constant 0 : i32
    %dma_wait3A_230 = arith.constant 0 : i32
    %dma_wait3A_231 = tpu.memref_slice %arg2[%dma_wait3A_229, %dma_wait3A_230] : memref<4096x128xf32, #tpu.memory_space<hbm>> -> memref<4096x128xf32, #tpu.memory_space<hbm>>
    tpu.wait_indirect_dma semaphore(%arg7 : memref<!tpu.dma_semaphore, #tpu.memory_space<semaphore_mem>>) src(%dma_wait3A_231 : memref<4096x128xf32, #tpu.memory_space<hbm>>) dst(%dma_wait3A_225 : memref<128x128xf32, #tpu.memory_space<vmem>>)
    %dma_wait3A_232 = arith.constant 9 : i32
    %dma_wait3A_233 = arith.constant 128 : i32
    %dma_wait3A_234 = arith.constant 0 : i32
    %dma_wait3A_235 = tpu.memref_slice %arg6[%dma_wait3A_233, %dma_wait3A_234] : memref<512x128xf32, #tpu.memory_space<vmem>> -> memref<128x128xf32, #tpu.memory_space<vmem>>
    %dma_wait3A_236 = arith.constant 0 : i32
    %dma_wait3A_237 = tpu.memref_slice %arg5[%dma_wait3A_232, %dma_wait3A_236] : memref<32x128xi32, #tpu.memory_space<vmem>> -> memref<1x128xi32, #tpu.memory_space<vmem>>
    %dma_wait3A_238 = tpu.memref_squeeze %dma_wait3A_237 : memref<1x128xi32, #tpu.memory_space<vmem>> -> memref<128xi32, #tpu.memory_space<vmem>>
    %dma_wait3A_239 = arith.constant 0 : i32
    %dma_wait3A_240 = arith.constant 0 : i32
    %dma_wait3A_241 = tpu.memref_slice %arg2[%dma_wait3A_239, %dma_wait3A_240] : memref<4096x128xf32, #tpu.memory_space<hbm>> -> memref<4096x128xf32, #tpu.memory_space<hbm>>
    tpu.wait_indirect_dma semaphore(%arg7 : memref<!tpu.dma_semaphore, #tpu.memory_space<semaphore_mem>>) src(%dma_wait3A_241 : memref<4096x128xf32, #tpu.memory_space<hbm>>) dst(%dma_wait3A_235 : memref<128x128xf32, #tpu.memory_space<vmem>>)
    %dma_wait3A_242 = arith.constant 10 : i32
    %dma_wait3A_243 = arith.constant 256 : i32
    %dma_wait3A_244 = arith.constant 0 : i32
    %dma_wait3A_245 = tpu.memref_slice %arg6[%dma_wait3A_243, %dma_wait3A_244] : memref<512x128xf32, #tpu.memory_space<vmem>> -> memref<128x128xf32, #tpu.memory_space<vmem>>
    %dma_wait3A_246 = arith.constant 0 : i32
    %dma_wait3A_247 = tpu.memref_slice %arg5[%dma_wait3A_242, %dma_wait3A_246] : memref<32x128xi32, #tpu.memory_space<vmem>> -> memref<1x128xi32, #tpu.memory_space<vmem>>
    %dma_wait3A_248 = tpu.memref_squeeze %dma_wait3A_247 : memref<1x128xi32, #tpu.memory_space<vmem>> -> memref<128xi32, #tpu.memory_space<vmem>>
    %dma_wait3A_249 = arith.constant 0 : i32
    %dma_wait3A_250 = arith.constant 0 : i32
    %dma_wait3A_251 = tpu.memref_slice %arg2[%dma_wait3A_249, %dma_wait3A_250] : memref<4096x128xf32, #tpu.memory_space<hbm>> -> memref<4096x128xf32, #tpu.memory_space<hbm>>
    tpu.wait_indirect_dma semaphore(%arg7 : memref<!tpu.dma_semaphore, #tpu.memory_space<semaphore_mem>>) src(%dma_wait3A_251 : memref<4096x128xf32, #tpu.memory_space<hbm>>) dst(%dma_wait3A_245 : memref<128x128xf32, #tpu.memory_space<vmem>>)
    %dma_wait3A_252 = arith.constant 11 : i32
    %dma_wait3A_253 = arith.constant 384 : i32
    %dma_wait3A_254 = arith.constant 0 : i32
    %dma_wait3A_255 = tpu.memref_slice %arg6[%dma_wait3A_253, %dma_wait3A_254] : memref<512x128xf32, #tpu.memory_space<vmem>> -> memref<128x128xf32, #tpu.memory_space<vmem>>
    %dma_wait3A_256 = arith.constant 0 : i32
    %dma_wait3A_257 = tpu.memref_slice %arg5[%dma_wait3A_252, %dma_wait3A_256] : memref<32x128xi32, #tpu.memory_space<vmem>> -> memref<1x128xi32, #tpu.memory_space<vmem>>
    %dma_wait3A_258 = tpu.memref_squeeze %dma_wait3A_257 : memref<1x128xi32, #tpu.memory_space<vmem>> -> memref<128xi32, #tpu.memory_space<vmem>>
    %dma_wait3A_259 = arith.constant 0 : i32
    %dma_wait3A_260 = arith.constant 0 : i32
    %dma_wait3A_261 = tpu.memref_slice %arg2[%dma_wait3A_259, %dma_wait3A_260] : memref<4096x128xf32, #tpu.memory_space<hbm>> -> memref<4096x128xf32, #tpu.memory_space<hbm>>
    tpu.wait_indirect_dma semaphore(%arg7 : memref<!tpu.dma_semaphore, #tpu.memory_space<semaphore_mem>>) src(%dma_wait3A_261 : memref<4096x128xf32, #tpu.memory_space<hbm>>) dst(%dma_wait3A_255 : memref<128x128xf32, #tpu.memory_space<vmem>>)
    %add3A_262 = arith.constant 1024 : i32
    %add3A_263 = arith.addi %multiple_of3A, %add3A_262 : i32
    "tpu.region"() ({
      %run_scoped3A = tpu.sem_alloc : memref<!tpu.dma_semaphore, #tpu.memory_space<semaphore_mem>>
      %dma_start3A_674 = arith.constant 0 : i32
      %dma_start3A_675 = tpu.memref_slice %arg4[%add3A_263, %dma_start3A_674] : memref<131072x128xf32, #tpu.memory_space<hbm>> -> memref<512x128xf32, #tpu.memory_space<hbm>>
      %dma_start3A_676 = arith.constant 0 : i32
      %dma_start3A_677 = tpu.memref_slice %arg4[%add3A_263, %dma_start3A_676] : memref<131072x128xf32, #tpu.memory_space<hbm>> -> memref<512x128xf32, #tpu.memory_space<hbm>>
      tpu.enqueue_dma source(%arg6 : memref<512x128xf32, #tpu.memory_space<vmem>>) target(%dma_start3A_677 : memref<512x128xf32, #tpu.memory_space<hbm>>) target_semaphore(%run_scoped3A : memref<!tpu.dma_semaphore, #tpu.memory_space<semaphore_mem>>)
      %dma_wait3A_678 = arith.constant 0 : i32
      %dma_wait3A_679 = tpu.memref_slice %arg4[%add3A_263, %dma_wait3A_678] : memref<131072x128xf32, #tpu.memory_space<hbm>> -> memref<512x128xf32, #tpu.memory_space<hbm>>
      %dma_wait3A_680 = arith.constant 0 : i32
      %dma_wait3A_681 = tpu.memref_slice %arg4[%add3A_263, %dma_wait3A_680] : memref<131072x128xf32, #tpu.memory_space<hbm>> -> memref<512x128xf32, #tpu.memory_space<hbm>>
      tpu.wait_dma2 semaphore(%run_scoped3A : memref<!tpu.dma_semaphore, #tpu.memory_space<semaphore_mem>>) src(%arg6 : memref<512x128xf32, #tpu.memory_space<vmem>>) dst(%dma_wait3A_681 : memref<512x128xf32, #tpu.memory_space<hbm>>)
      tpu.yield
    }) : () -> ()
    %dma_start3A_264 = arith.constant 12 : i32
    %dma_start3A_265 = arith.constant 0 : i32
    %dma_start3A_266 = arith.constant 0 : i32
    %dma_start3A_267 = tpu.memref_slice %arg6[%dma_start3A_265, %dma_start3A_266] : memref<512x128xf32, #tpu.memory_space<vmem>> -> memref<128x128xf32, #tpu.memory_space<vmem>>
    %dma_start3A_268 = arith.constant 0 : i32
    %dma_start3A_269 = tpu.memref_slice %arg5[%dma_start3A_264, %dma_start3A_268] : memref<32x128xi32, #tpu.memory_space<vmem>> -> memref<1x128xi32, #tpu.memory_space<vmem>>
    %dma_start3A_270 = tpu.memref_squeeze %dma_start3A_269 : memref<1x128xi32, #tpu.memory_space<vmem>> -> memref<128xi32, #tpu.memory_space<vmem>>
    %dma_start3A_271 = arith.constant 0 : i32
    %dma_start3A_272 = arith.constant 0 : i32
    %dma_start3A_273 = tpu.memref_slice %arg2[%dma_start3A_271, %dma_start3A_272] : memref<4096x128xf32, #tpu.memory_space<hbm>> -> memref<4096x128xf32, #tpu.memory_space<hbm>>
    tpu.enqueue_indirect_dma source(%dma_start3A_273 : memref<4096x128xf32, #tpu.memory_space<hbm>>) target(%dma_start3A_267 : memref<128x128xf32, #tpu.memory_space<vmem>>) offsets(%dma_start3A_270 : memref<128xi32, #tpu.memory_space<vmem>>) semaphore(%arg7 : memref<!tpu.dma_semaphore, #tpu.memory_space<semaphore_mem>>)
    %dma_start3A_274 = arith.constant 13 : i32
    %dma_start3A_275 = arith.constant 128 : i32
    %dma_start3A_276 = arith.constant 0 : i32
    %dma_start3A_277 = tpu.memref_slice %arg6[%dma_start3A_275, %dma_start3A_276] : memref<512x128xf32, #tpu.memory_space<vmem>> -> memref<128x128xf32, #tpu.memory_space<vmem>>
    %dma_start3A_278 = arith.constant 0 : i32
    %dma_start3A_279 = tpu.memref_slice %arg5[%dma_start3A_274, %dma_start3A_278] : memref<32x128xi32, #tpu.memory_space<vmem>> -> memref<1x128xi32, #tpu.memory_space<vmem>>
    %dma_start3A_280 = tpu.memref_squeeze %dma_start3A_279 : memref<1x128xi32, #tpu.memory_space<vmem>> -> memref<128xi32, #tpu.memory_space<vmem>>
    %dma_start3A_281 = arith.constant 0 : i32
    %dma_start3A_282 = arith.constant 0 : i32
    %dma_start3A_283 = tpu.memref_slice %arg2[%dma_start3A_281, %dma_start3A_282] : memref<4096x128xf32, #tpu.memory_space<hbm>> -> memref<4096x128xf32, #tpu.memory_space<hbm>>
    tpu.enqueue_indirect_dma source(%dma_start3A_283 : memref<4096x128xf32, #tpu.memory_space<hbm>>) target(%dma_start3A_277 : memref<128x128xf32, #tpu.memory_space<vmem>>) offsets(%dma_start3A_280 : memref<128xi32, #tpu.memory_space<vmem>>) semaphore(%arg7 : memref<!tpu.dma_semaphore, #tpu.memory_space<semaphore_mem>>)
    %dma_start3A_284 = arith.constant 14 : i32
    %dma_start3A_285 = arith.constant 256 : i32
    %dma_start3A_286 = arith.constant 0 : i32
    %dma_start3A_287 = tpu.memref_slice %arg6[%dma_start3A_285, %dma_start3A_286] : memref<512x128xf32, #tpu.memory_space<vmem>> -> memref<128x128xf32, #tpu.memory_space<vmem>>
    %dma_start3A_288 = arith.constant 0 : i32
    %dma_start3A_289 = tpu.memref_slice %arg5[%dma_start3A_284, %dma_start3A_288] : memref<32x128xi32, #tpu.memory_space<vmem>> -> memref<1x128xi32, #tpu.memory_space<vmem>>
    %dma_start3A_290 = tpu.memref_squeeze %dma_start3A_289 : memref<1x128xi32, #tpu.memory_space<vmem>> -> memref<128xi32, #tpu.memory_space<vmem>>
    %dma_start3A_291 = arith.constant 0 : i32
    %dma_start3A_292 = arith.constant 0 : i32
    %dma_start3A_293 = tpu.memref_slice %arg2[%dma_start3A_291, %dma_start3A_292] : memref<4096x128xf32, #tpu.memory_space<hbm>> -> memref<4096x128xf32, #tpu.memory_space<hbm>>
    tpu.enqueue_indirect_dma source(%dma_start3A_293 : memref<4096x128xf32, #tpu.memory_space<hbm>>) target(%dma_start3A_287 : memref<128x128xf32, #tpu.memory_space<vmem>>) offsets(%dma_start3A_290 : memref<128xi32, #tpu.memory_space<vmem>>) semaphore(%arg7 : memref<!tpu.dma_semaphore, #tpu.memory_space<semaphore_mem>>)
    %dma_start3A_294 = arith.constant 15 : i32
    %dma_start3A_295 = arith.constant 384 : i32
    %dma_start3A_296 = arith.constant 0 : i32
    %dma_start3A_297 = tpu.memref_slice %arg6[%dma_start3A_295, %dma_start3A_296] : memref<512x128xf32, #tpu.memory_space<vmem>> -> memref<128x128xf32, #tpu.memory_space<vmem>>
    %dma_start3A_298 = arith.constant 0 : i32
    %dma_start3A_299 = tpu.memref_slice %arg5[%dma_start3A_294, %dma_start3A_298] : memref<32x128xi32, #tpu.memory_space<vmem>> -> memref<1x128xi32, #tpu.memory_space<vmem>>
    %dma_start3A_300 = tpu.memref_squeeze %dma_start3A_299 : memref<1x128xi32, #tpu.memory_space<vmem>> -> memref<128xi32, #tpu.memory_space<vmem>>
    %dma_start3A_301 = arith.constant 0 : i32
    %dma_start3A_302 = arith.constant 0 : i32
    %dma_start3A_303 = tpu.memref_slice %arg2[%dma_start3A_301, %dma_start3A_302] : memref<4096x128xf32, #tpu.memory_space<hbm>> -> memref<4096x128xf32, #tpu.memory_space<hbm>>
    tpu.enqueue_indirect_dma source(%dma_start3A_303 : memref<4096x128xf32, #tpu.memory_space<hbm>>) target(%dma_start3A_297 : memref<128x128xf32, #tpu.memory_space<vmem>>) offsets(%dma_start3A_300 : memref<128xi32, #tpu.memory_space<vmem>>) semaphore(%arg7 : memref<!tpu.dma_semaphore, #tpu.memory_space<semaphore_mem>>)
    %dma_wait3A_304 = arith.constant 12 : i32
    %dma_wait3A_305 = arith.constant 0 : i32
    %dma_wait3A_306 = arith.constant 0 : i32
    %dma_wait3A_307 = tpu.memref_slice %arg6[%dma_wait3A_305, %dma_wait3A_306] : memref<512x128xf32, #tpu.memory_space<vmem>> -> memref<128x128xf32, #tpu.memory_space<vmem>>
    %dma_wait3A_308 = arith.constant 0 : i32
    %dma_wait3A_309 = tpu.memref_slice %arg5[%dma_wait3A_304, %dma_wait3A_308] : memref<32x128xi32, #tpu.memory_space<vmem>> -> memref<1x128xi32, #tpu.memory_space<vmem>>
    %dma_wait3A_310 = tpu.memref_squeeze %dma_wait3A_309 : memref<1x128xi32, #tpu.memory_space<vmem>> -> memref<128xi32, #tpu.memory_space<vmem>>
    %dma_wait3A_311 = arith.constant 0 : i32
    %dma_wait3A_312 = arith.constant 0 : i32
    %dma_wait3A_313 = tpu.memref_slice %arg2[%dma_wait3A_311, %dma_wait3A_312] : memref<4096x128xf32, #tpu.memory_space<hbm>> -> memref<4096x128xf32, #tpu.memory_space<hbm>>
    tpu.wait_indirect_dma semaphore(%arg7 : memref<!tpu.dma_semaphore, #tpu.memory_space<semaphore_mem>>) src(%dma_wait3A_313 : memref<4096x128xf32, #tpu.memory_space<hbm>>) dst(%dma_wait3A_307 : memref<128x128xf32, #tpu.memory_space<vmem>>)
    %dma_wait3A_314 = arith.constant 13 : i32
    %dma_wait3A_315 = arith.constant 128 : i32
    %dma_wait3A_316 = arith.constant 0 : i32
    %dma_wait3A_317 = tpu.memref_slice %arg6[%dma_wait3A_315, %dma_wait3A_316] : memref<512x128xf32, #tpu.memory_space<vmem>> -> memref<128x128xf32, #tpu.memory_space<vmem>>
    %dma_wait3A_318 = arith.constant 0 : i32
    %dma_wait3A_319 = tpu.memref_slice %arg5[%dma_wait3A_314, %dma_wait3A_318] : memref<32x128xi32, #tpu.memory_space<vmem>> -> memref<1x128xi32, #tpu.memory_space<vmem>>
    %dma_wait3A_320 = tpu.memref_squeeze %dma_wait3A_319 : memref<1x128xi32, #tpu.memory_space<vmem>> -> memref<128xi32, #tpu.memory_space<vmem>>
    %dma_wait3A_321 = arith.constant 0 : i32
    %dma_wait3A_322 = arith.constant 0 : i32
    %dma_wait3A_323 = tpu.memref_slice %arg2[%dma_wait3A_321, %dma_wait3A_322] : memref<4096x128xf32, #tpu.memory_space<hbm>> -> memref<4096x128xf32, #tpu.memory_space<hbm>>
    tpu.wait_indirect_dma semaphore(%arg7 : memref<!tpu.dma_semaphore, #tpu.memory_space<semaphore_mem>>) src(%dma_wait3A_323 : memref<4096x128xf32, #tpu.memory_space<hbm>>) dst(%dma_wait3A_317 : memref<128x128xf32, #tpu.memory_space<vmem>>)
    %dma_wait3A_324 = arith.constant 14 : i32
    %dma_wait3A_325 = arith.constant 256 : i32
    %dma_wait3A_326 = arith.constant 0 : i32
    %dma_wait3A_327 = tpu.memref_slice %arg6[%dma_wait3A_325, %dma_wait3A_326] : memref<512x128xf32, #tpu.memory_space<vmem>> -> memref<128x128xf32, #tpu.memory_space<vmem>>
    %dma_wait3A_328 = arith.constant 0 : i32
    %dma_wait3A_329 = tpu.memref_slice %arg5[%dma_wait3A_324, %dma_wait3A_328] : memref<32x128xi32, #tpu.memory_space<vmem>> -> memref<1x128xi32, #tpu.memory_space<vmem>>
    %dma_wait3A_330 = tpu.memref_squeeze %dma_wait3A_329 : memref<1x128xi32, #tpu.memory_space<vmem>> -> memref<128xi32, #tpu.memory_space<vmem>>
    %dma_wait3A_331 = arith.constant 0 : i32
    %dma_wait3A_332 = arith.constant 0 : i32
    %dma_wait3A_333 = tpu.memref_slice %arg2[%dma_wait3A_331, %dma_wait3A_332] : memref<4096x128xf32, #tpu.memory_space<hbm>> -> memref<4096x128xf32, #tpu.memory_space<hbm>>
    tpu.wait_indirect_dma semaphore(%arg7 : memref<!tpu.dma_semaphore, #tpu.memory_space<semaphore_mem>>) src(%dma_wait3A_333 : memref<4096x128xf32, #tpu.memory_space<hbm>>) dst(%dma_wait3A_327 : memref<128x128xf32, #tpu.memory_space<vmem>>)
    %dma_wait3A_334 = arith.constant 15 : i32
    %dma_wait3A_335 = arith.constant 384 : i32
    %dma_wait3A_336 = arith.constant 0 : i32
    %dma_wait3A_337 = tpu.memref_slice %arg6[%dma_wait3A_335, %dma_wait3A_336] : memref<512x128xf32, #tpu.memory_space<vmem>> -> memref<128x128xf32, #tpu.memory_space<vmem>>
    %dma_wait3A_338 = arith.constant 0 : i32
    %dma_wait3A_339 = tpu.memref_slice %arg5[%dma_wait3A_334, %dma_wait3A_338] : memref<32x128xi32, #tpu.memory_space<vmem>> -> memref<1x128xi32, #tpu.memory_space<vmem>>
    %dma_wait3A_340 = tpu.memref_squeeze %dma_wait3A_339 : memref<1x128xi32, #tpu.memory_space<vmem>> -> memref<128xi32, #tpu.memory_space<vmem>>
    %dma_wait3A_341 = arith.constant 0 : i32
    %dma_wait3A_342 = arith.constant 0 : i32
    %dma_wait3A_343 = tpu.memref_slice %arg2[%dma_wait3A_341, %dma_wait3A_342] : memref<4096x128xf32, #tpu.memory_space<hbm>> -> memref<4096x128xf32, #tpu.memory_space<hbm>>
    tpu.wait_indirect_dma semaphore(%arg7 : memref<!tpu.dma_semaphore, #tpu.memory_space<semaphore_mem>>) src(%dma_wait3A_343 : memref<4096x128xf32, #tpu.memory_space<hbm>>) dst(%dma_wait3A_337 : memref<128x128xf32, #tpu.memory_space<vmem>>)
    %add3A_344 = arith.constant 1536 : i32
    %add3A_345 = arith.addi %multiple_of3A, %add3A_344 : i32
    "tpu.region"() ({
      %run_scoped3A = tpu.sem_alloc : memref<!tpu.dma_semaphore, #tpu.memory_space<semaphore_mem>>
      %dma_start3A_674 = arith.constant 0 : i32
      %dma_start3A_675 = tpu.memref_slice %arg4[%add3A_345, %dma_start3A_674] : memref<131072x128xf32, #tpu.memory_space<hbm>> -> memref<512x128xf32, #tpu.memory_space<hbm>>
      %dma_start3A_676 = arith.constant 0 : i32
      %dma_start3A_677 = tpu.memref_slice %arg4[%add3A_345, %dma_start3A_676] : memref<131072x128xf32, #tpu.memory_space<hbm>> -> memref<512x128xf32, #tpu.memory_space<hbm>>
      tpu.enqueue_dma source(%arg6 : memref<512x128xf32, #tpu.memory_space<vmem>>) target(%dma_start3A_677 : memref<512x128xf32, #tpu.memory_space<hbm>>) target_semaphore(%run_scoped3A : memref<!tpu.dma_semaphore, #tpu.memory_space<semaphore_mem>>)
      %dma_wait3A_678 = arith.constant 0 : i32
      %dma_wait3A_679 = tpu.memref_slice %arg4[%add3A_345, %dma_wait3A_678] : memref<131072x128xf32, #tpu.memory_space<hbm>> -> memref<512x128xf32, #tpu.memory_space<hbm>>
      %dma_wait3A_680 = arith.constant 0 : i32
      %dma_wait3A_681 = tpu.memref_slice %arg4[%add3A_345, %dma_wait3A_680] : memref<131072x128xf32, #tpu.memory_space<hbm>> -> memref<512x128xf32, #tpu.memory_space<hbm>>
      tpu.wait_dma2 semaphore(%run_scoped3A : memref<!tpu.dma_semaphore, #tpu.memory_space<semaphore_mem>>) src(%arg6 : memref<512x128xf32, #tpu.memory_space<vmem>>) dst(%dma_wait3A_681 : memref<512x128xf32, #tpu.memory_space<hbm>>)
      tpu.yield
    }) : () -> ()
    %dma_start3A_346 = arith.constant 16 : i32
    %dma_start3A_347 = arith.constant 0 : i32
    %dma_start3A_348 = arith.constant 0 : i32
    %dma_start3A_349 = tpu.memref_slice %arg6[%dma_start3A_347, %dma_start3A_348] : memref<512x128xf32, #tpu.memory_space<vmem>> -> memref<128x128xf32, #tpu.memory_space<vmem>>
    %dma_start3A_350 = arith.constant 0 : i32
    %dma_start3A_351 = tpu.memref_slice %arg5[%dma_start3A_346, %dma_start3A_350] : memref<32x128xi32, #tpu.memory_space<vmem>> -> memref<1x128xi32, #tpu.memory_space<vmem>>
    %dma_start3A_352 = tpu.memref_squeeze %dma_start3A_351 : memref<1x128xi32, #tpu.memory_space<vmem>> -> memref<128xi32, #tpu.memory_space<vmem>>
    %dma_start3A_353 = arith.constant 0 : i32
    %dma_start3A_354 = arith.constant 0 : i32
    %dma_start3A_355 = tpu.memref_slice %arg2[%dma_start3A_353, %dma_start3A_354] : memref<4096x128xf32, #tpu.memory_space<hbm>> -> memref<4096x128xf32, #tpu.memory_space<hbm>>
    tpu.enqueue_indirect_dma source(%dma_start3A_355 : memref<4096x128xf32, #tpu.memory_space<hbm>>) target(%dma_start3A_349 : memref<128x128xf32, #tpu.memory_space<vmem>>) offsets(%dma_start3A_352 : memref<128xi32, #tpu.memory_space<vmem>>) semaphore(%arg7 : memref<!tpu.dma_semaphore, #tpu.memory_space<semaphore_mem>>)
    %dma_start3A_356 = arith.constant 17 : i32
    %dma_start3A_357 = arith.constant 128 : i32
    %dma_start3A_358 = arith.constant 0 : i32
    %dma_start3A_359 = tpu.memref_slice %arg6[%dma_start3A_357, %dma_start3A_358] : memref<512x128xf32, #tpu.memory_space<vmem>> -> memref<128x128xf32, #tpu.memory_space<vmem>>
    %dma_start3A_360 = arith.constant 0 : i32
    %dma_start3A_361 = tpu.memref_slice %arg5[%dma_start3A_356, %dma_start3A_360] : memref<32x128xi32, #tpu.memory_space<vmem>> -> memref<1x128xi32, #tpu.memory_space<vmem>>
    %dma_start3A_362 = tpu.memref_squeeze %dma_start3A_361 : memref<1x128xi32, #tpu.memory_space<vmem>> -> memref<128xi32, #tpu.memory_space<vmem>>
    %dma_start3A_363 = arith.constant 0 : i32
    %dma_start3A_364 = arith.constant 0 : i32
    %dma_start3A_365 = tpu.memref_slice %arg2[%dma_start3A_363, %dma_start3A_364] : memref<4096x128xf32, #tpu.memory_space<hbm>> -> memref<4096x128xf32, #tpu.memory_space<hbm>>
    tpu.enqueue_indirect_dma source(%dma_start3A_365 : memref<4096x128xf32, #tpu.memory_space<hbm>>) target(%dma_start3A_359 : memref<128x128xf32, #tpu.memory_space<vmem>>) offsets(%dma_start3A_362 : memref<128xi32, #tpu.memory_space<vmem>>) semaphore(%arg7 : memref<!tpu.dma_semaphore, #tpu.memory_space<semaphore_mem>>)
    %dma_start3A_366 = arith.constant 18 : i32
    %dma_start3A_367 = arith.constant 256 : i32
    %dma_start3A_368 = arith.constant 0 : i32
    %dma_start3A_369 = tpu.memref_slice %arg6[%dma_start3A_367, %dma_start3A_368] : memref<512x128xf32, #tpu.memory_space<vmem>> -> memref<128x128xf32, #tpu.memory_space<vmem>>
    %dma_start3A_370 = arith.constant 0 : i32
    %dma_start3A_371 = tpu.memref_slice %arg5[%dma_start3A_366, %dma_start3A_370] : memref<32x128xi32, #tpu.memory_space<vmem>> -> memref<1x128xi32, #tpu.memory_space<vmem>>
    %dma_start3A_372 = tpu.memref_squeeze %dma_start3A_371 : memref<1x128xi32, #tpu.memory_space<vmem>> -> memref<128xi32, #tpu.memory_space<vmem>>
    %dma_start3A_373 = arith.constant 0 : i32
    %dma_start3A_374 = arith.constant 0 : i32
    %dma_start3A_375 = tpu.memref_slice %arg2[%dma_start3A_373, %dma_start3A_374] : memref<4096x128xf32, #tpu.memory_space<hbm>> -> memref<4096x128xf32, #tpu.memory_space<hbm>>
    tpu.enqueue_indirect_dma source(%dma_start3A_375 : memref<4096x128xf32, #tpu.memory_space<hbm>>) target(%dma_start3A_369 : memref<128x128xf32, #tpu.memory_space<vmem>>) offsets(%dma_start3A_372 : memref<128xi32, #tpu.memory_space<vmem>>) semaphore(%arg7 : memref<!tpu.dma_semaphore, #tpu.memory_space<semaphore_mem>>)
    %dma_start3A_376 = arith.constant 19 : i32
    %dma_start3A_377 = arith.constant 384 : i32
    %dma_start3A_378 = arith.constant 0 : i32
    %dma_start3A_379 = tpu.memref_slice %arg6[%dma_start3A_377, %dma_start3A_378] : memref<512x128xf32, #tpu.memory_space<vmem>> -> memref<128x128xf32, #tpu.memory_space<vmem>>
    %dma_start3A_380 = arith.constant 0 : i32
    %dma_start3A_381 = tpu.memref_slice %arg5[%dma_start3A_376, %dma_start3A_380] : memref<32x128xi32, #tpu.memory_space<vmem>> -> memref<1x128xi32, #tpu.memory_space<vmem>>
    %dma_start3A_382 = tpu.memref_squeeze %dma_start3A_381 : memref<1x128xi32, #tpu.memory_space<vmem>> -> memref<128xi32, #tpu.memory_space<vmem>>
    %dma_start3A_383 = arith.constant 0 : i32
    %dma_start3A_384 = arith.constant 0 : i32
    %dma_start3A_385 = tpu.memref_slice %arg2[%dma_start3A_383, %dma_start3A_384] : memref<4096x128xf32, #tpu.memory_space<hbm>> -> memref<4096x128xf32, #tpu.memory_space<hbm>>
    tpu.enqueue_indirect_dma source(%dma_start3A_385 : memref<4096x128xf32, #tpu.memory_space<hbm>>) target(%dma_start3A_379 : memref<128x128xf32, #tpu.memory_space<vmem>>) offsets(%dma_start3A_382 : memref<128xi32, #tpu.memory_space<vmem>>) semaphore(%arg7 : memref<!tpu.dma_semaphore, #tpu.memory_space<semaphore_mem>>)
    %dma_wait3A_386 = arith.constant 16 : i32
    %dma_wait3A_387 = arith.constant 0 : i32
    %dma_wait3A_388 = arith.constant 0 : i32
    %dma_wait3A_389 = tpu.memref_slice %arg6[%dma_wait3A_387, %dma_wait3A_388] : memref<512x128xf32, #tpu.memory_space<vmem>> -> memref<128x128xf32, #tpu.memory_space<vmem>>
    %dma_wait3A_390 = arith.constant 0 : i32
    %dma_wait3A_391 = tpu.memref_slice %arg5[%dma_wait3A_386, %dma_wait3A_390] : memref<32x128xi32, #tpu.memory_space<vmem>> -> memref<1x128xi32, #tpu.memory_space<vmem>>
    %dma_wait3A_392 = tpu.memref_squeeze %dma_wait3A_391 : memref<1x128xi32, #tpu.memory_space<vmem>> -> memref<128xi32, #tpu.memory_space<vmem>>
    %dma_wait3A_393 = arith.constant 0 : i32
    %dma_wait3A_394 = arith.constant 0 : i32
    %dma_wait3A_395 = tpu.memref_slice %arg2[%dma_wait3A_393, %dma_wait3A_394] : memref<4096x128xf32, #tpu.memory_space<hbm>> -> memref<4096x128xf32, #tpu.memory_space<hbm>>
    tpu.wait_indirect_dma semaphore(%arg7 : memref<!tpu.dma_semaphore, #tpu.memory_space<semaphore_mem>>) src(%dma_wait3A_395 : memref<4096x128xf32, #tpu.memory_space<hbm>>) dst(%dma_wait3A_389 : memref<128x128xf32, #tpu.memory_space<vmem>>)
    %dma_wait3A_396 = arith.constant 17 : i32
    %dma_wait3A_397 = arith.constant 128 : i32
    %dma_wait3A_398 = arith.constant 0 : i32
    %dma_wait3A_399 = tpu.memref_slice %arg6[%dma_wait3A_397, %dma_wait3A_398] : memref<512x128xf32, #tpu.memory_space<vmem>> -> memref<128x128xf32, #tpu.memory_space<vmem>>
    %dma_wait3A_400 = arith.constant 0 : i32
    %dma_wait3A_401 = tpu.memref_slice %arg5[%dma_wait3A_396, %dma_wait3A_400] : memref<32x128xi32, #tpu.memory_space<vmem>> -> memref<1x128xi32, #tpu.memory_space<vmem>>
    %dma_wait3A_402 = tpu.memref_squeeze %dma_wait3A_401 : memref<1x128xi32, #tpu.memory_space<vmem>> -> memref<128xi32, #tpu.memory_space<vmem>>
    %dma_wait3A_403 = arith.constant 0 : i32
    %dma_wait3A_404 = arith.constant 0 : i32
    %dma_wait3A_405 = tpu.memref_slice %arg2[%dma_wait3A_403, %dma_wait3A_404] : memref<4096x128xf32, #tpu.memory_space<hbm>> -> memref<4096x128xf32, #tpu.memory_space<hbm>>
    tpu.wait_indirect_dma semaphore(%arg7 : memref<!tpu.dma_semaphore, #tpu.memory_space<semaphore_mem>>) src(%dma_wait3A_405 : memref<4096x128xf32, #tpu.memory_space<hbm>>) dst(%dma_wait3A_399 : memref<128x128xf32, #tpu.memory_space<vmem>>)
    %dma_wait3A_406 = arith.constant 18 : i32
    %dma_wait3A_407 = arith.constant 256 : i32
    %dma_wait3A_408 = arith.constant 0 : i32
    %dma_wait3A_409 = tpu.memref_slice %arg6[%dma_wait3A_407, %dma_wait3A_408] : memref<512x128xf32, #tpu.memory_space<vmem>> -> memref<128x128xf32, #tpu.memory_space<vmem>>
    %dma_wait3A_410 = arith.constant 0 : i32
    %dma_wait3A_411 = tpu.memref_slice %arg5[%dma_wait3A_406, %dma_wait3A_410] : memref<32x128xi32, #tpu.memory_space<vmem>> -> memref<1x128xi32, #tpu.memory_space<vmem>>
    %dma_wait3A_412 = tpu.memref_squeeze %dma_wait3A_411 : memref<1x128xi32, #tpu.memory_space<vmem>> -> memref<128xi32, #tpu.memory_space<vmem>>
    %dma_wait3A_413 = arith.constant 0 : i32
    %dma_wait3A_414 = arith.constant 0 : i32
    %dma_wait3A_415 = tpu.memref_slice %arg2[%dma_wait3A_413, %dma_wait3A_414] : memref<4096x128xf32, #tpu.memory_space<hbm>> -> memref<4096x128xf32, #tpu.memory_space<hbm>>
    tpu.wait_indirect_dma semaphore(%arg7 : memref<!tpu.dma_semaphore, #tpu.memory_space<semaphore_mem>>) src(%dma_wait3A_415 : memref<4096x128xf32, #tpu.memory_space<hbm>>) dst(%dma_wait3A_409 : memref<128x128xf32, #tpu.memory_space<vmem>>)
    %dma_wait3A_416 = arith.constant 19 : i32
    %dma_wait3A_417 = arith.constant 384 : i32
    %dma_wait3A_418 = arith.constant 0 : i32
    %dma_wait3A_419 = tpu.memref_slice %arg6[%dma_wait3A_417, %dma_wait3A_418] : memref<512x128xf32, #tpu.memory_space<vmem>> -> memref<128x128xf32, #tpu.memory_space<vmem>>
    %dma_wait3A_420 = arith.constant 0 : i32
    %dma_wait3A_421 = tpu.memref_slice %arg5[%dma_wait3A_416, %dma_wait3A_420] : memref<32x128xi32, #tpu.memory_space<vmem>> -> memref<1x128xi32, #tpu.memory_space<vmem>>
    %dma_wait3A_422 = tpu.memref_squeeze %dma_wait3A_421 : memref<1x128xi32, #tpu.memory_space<vmem>> -> memref<128xi32, #tpu.memory_space<vmem>>
    %dma_wait3A_423 = arith.constant 0 : i32
    %dma_wait3A_424 = arith.constant 0 : i32
    %dma_wait3A_425 = tpu.memref_slice %arg2[%dma_wait3A_423, %dma_wait3A_424] : memref<4096x128xf32, #tpu.memory_space<hbm>> -> memref<4096x128xf32, #tpu.memory_space<hbm>>
    tpu.wait_indirect_dma semaphore(%arg7 : memref<!tpu.dma_semaphore, #tpu.memory_space<semaphore_mem>>) src(%dma_wait3A_425 : memref<4096x128xf32, #tpu.memory_space<hbm>>) dst(%dma_wait3A_419 : memref<128x128xf32, #tpu.memory_space<vmem>>)
    %add3A_426 = arith.constant 2048 : i32
    %add3A_427 = arith.addi %multiple_of3A, %add3A_426 : i32
    "tpu.region"() ({
      %run_scoped3A = tpu.sem_alloc : memref<!tpu.dma_semaphore, #tpu.memory_space<semaphore_mem>>
      %dma_start3A_674 = arith.constant 0 : i32
      %dma_start3A_675 = tpu.memref_slice %arg4[%add3A_427, %dma_start3A_674] : memref<131072x128xf32, #tpu.memory_space<hbm>> -> memref<512x128xf32, #tpu.memory_space<hbm>>
      %dma_start3A_676 = arith.constant 0 : i32
      %dma_start3A_677 = tpu.memref_slice %arg4[%add3A_427, %dma_start3A_676] : memref<131072x128xf32, #tpu.memory_space<hbm>> -> memref<512x128xf32, #tpu.memory_space<hbm>>
      tpu.enqueue_dma source(%arg6 : memref<512x128xf32, #tpu.memory_space<vmem>>) target(%dma_start3A_677 : memref<512x128xf32, #tpu.memory_space<hbm>>) target_semaphore(%run_scoped3A : memref<!tpu.dma_semaphore, #tpu.memory_space<semaphore_mem>>)
      %dma_wait3A_678 = arith.constant 0 : i32
      %dma_wait3A_679 = tpu.memref_slice %arg4[%add3A_427, %dma_wait3A_678] : memref<131072x128xf32, #tpu.memory_space<hbm>> -> memref<512x128xf32, #tpu.memory_space<hbm>>
      %dma_wait3A_680 = arith.constant 0 : i32
      %dma_wait3A_681 = tpu.memref_slice %arg4[%add3A_427, %dma_wait3A_680] : memref<131072x128xf32, #tpu.memory_space<hbm>> -> memref<512x128xf32, #tpu.memory_space<hbm>>
      tpu.wait_dma2 semaphore(%run_scoped3A : memref<!tpu.dma_semaphore, #tpu.memory_space<semaphore_mem>>) src(%arg6 : memref<512x128xf32, #tpu.memory_space<vmem>>) dst(%dma_wait3A_681 : memref<512x128xf32, #tpu.memory_space<hbm>>)
      tpu.yield
    }) : () -> ()
    %dma_start3A_428 = arith.constant 20 : i32
    %dma_start3A_429 = arith.constant 0 : i32
    %dma_start3A_430 = arith.constant 0 : i32
    %dma_start3A_431 = tpu.memref_slice %arg6[%dma_start3A_429, %dma_start3A_430] : memref<512x128xf32, #tpu.memory_space<vmem>> -> memref<128x128xf32, #tpu.memory_space<vmem>>
    %dma_start3A_432 = arith.constant 0 : i32
    %dma_start3A_433 = tpu.memref_slice %arg5[%dma_start3A_428, %dma_start3A_432] : memref<32x128xi32, #tpu.memory_space<vmem>> -> memref<1x128xi32, #tpu.memory_space<vmem>>
    %dma_start3A_434 = tpu.memref_squeeze %dma_start3A_433 : memref<1x128xi32, #tpu.memory_space<vmem>> -> memref<128xi32, #tpu.memory_space<vmem>>
    %dma_start3A_435 = arith.constant 0 : i32
    %dma_start3A_436 = arith.constant 0 : i32
    %dma_start3A_437 = tpu.memref_slice %arg2[%dma_start3A_435, %dma_start3A_436] : memref<4096x128xf32, #tpu.memory_space<hbm>> -> memref<4096x128xf32, #tpu.memory_space<hbm>>
    tpu.enqueue_indirect_dma source(%dma_start3A_437 : memref<4096x128xf32, #tpu.memory_space<hbm>>) target(%dma_start3A_431 : memref<128x128xf32, #tpu.memory_space<vmem>>) offsets(%dma_start3A_434 : memref<128xi32, #tpu.memory_space<vmem>>) semaphore(%arg7 : memref<!tpu.dma_semaphore, #tpu.memory_space<semaphore_mem>>)
    %dma_start3A_438 = arith.constant 21 : i32
    %dma_start3A_439 = arith.constant 128 : i32
    %dma_start3A_440 = arith.constant 0 : i32
    %dma_start3A_441 = tpu.memref_slice %arg6[%dma_start3A_439, %dma_start3A_440] : memref<512x128xf32, #tpu.memory_space<vmem>> -> memref<128x128xf32, #tpu.memory_space<vmem>>
    %dma_start3A_442 = arith.constant 0 : i32
    %dma_start3A_443 = tpu.memref_slice %arg5[%dma_start3A_438, %dma_start3A_442] : memref<32x128xi32, #tpu.memory_space<vmem>> -> memref<1x128xi32, #tpu.memory_space<vmem>>
    %dma_start3A_444 = tpu.memref_squeeze %dma_start3A_443 : memref<1x128xi32, #tpu.memory_space<vmem>> -> memref<128xi32, #tpu.memory_space<vmem>>
    %dma_start3A_445 = arith.constant 0 : i32
    %dma_start3A_446 = arith.constant 0 : i32
    %dma_start3A_447 = tpu.memref_slice %arg2[%dma_start3A_445, %dma_start3A_446] : memref<4096x128xf32, #tpu.memory_space<hbm>> -> memref<4096x128xf32, #tpu.memory_space<hbm>>
    tpu.enqueue_indirect_dma source(%dma_start3A_447 : memref<4096x128xf32, #tpu.memory_space<hbm>>) target(%dma_start3A_441 : memref<128x128xf32, #tpu.memory_space<vmem>>) offsets(%dma_start3A_444 : memref<128xi32, #tpu.memory_space<vmem>>) semaphore(%arg7 : memref<!tpu.dma_semaphore, #tpu.memory_space<semaphore_mem>>)
    %dma_start3A_448 = arith.constant 22 : i32
    %dma_start3A_449 = arith.constant 256 : i32
    %dma_start3A_450 = arith.constant 0 : i32
    %dma_start3A_451 = tpu.memref_slice %arg6[%dma_start3A_449, %dma_start3A_450] : memref<512x128xf32, #tpu.memory_space<vmem>> -> memref<128x128xf32, #tpu.memory_space<vmem>>
    %dma_start3A_452 = arith.constant 0 : i32
    %dma_start3A_453 = tpu.memref_slice %arg5[%dma_start3A_448, %dma_start3A_452] : memref<32x128xi32, #tpu.memory_space<vmem>> -> memref<1x128xi32, #tpu.memory_space<vmem>>
    %dma_start3A_454 = tpu.memref_squeeze %dma_start3A_453 : memref<1x128xi32, #tpu.memory_space<vmem>> -> memref<128xi32, #tpu.memory_space<vmem>>
    %dma_start3A_455 = arith.constant 0 : i32
    %dma_start3A_456 = arith.constant 0 : i32
    %dma_start3A_457 = tpu.memref_slice %arg2[%dma_start3A_455, %dma_start3A_456] : memref<4096x128xf32, #tpu.memory_space<hbm>> -> memref<4096x128xf32, #tpu.memory_space<hbm>>
    tpu.enqueue_indirect_dma source(%dma_start3A_457 : memref<4096x128xf32, #tpu.memory_space<hbm>>) target(%dma_start3A_451 : memref<128x128xf32, #tpu.memory_space<vmem>>) offsets(%dma_start3A_454 : memref<128xi32, #tpu.memory_space<vmem>>) semaphore(%arg7 : memref<!tpu.dma_semaphore, #tpu.memory_space<semaphore_mem>>)
    %dma_start3A_458 = arith.constant 23 : i32
    %dma_start3A_459 = arith.constant 384 : i32
    %dma_start3A_460 = arith.constant 0 : i32
    %dma_start3A_461 = tpu.memref_slice %arg6[%dma_start3A_459, %dma_start3A_460] : memref<512x128xf32, #tpu.memory_space<vmem>> -> memref<128x128xf32, #tpu.memory_space<vmem>>
    %dma_start3A_462 = arith.constant 0 : i32
    %dma_start3A_463 = tpu.memref_slice %arg5[%dma_start3A_458, %dma_start3A_462] : memref<32x128xi32, #tpu.memory_space<vmem>> -> memref<1x128xi32, #tpu.memory_space<vmem>>
    %dma_start3A_464 = tpu.memref_squeeze %dma_start3A_463 : memref<1x128xi32, #tpu.memory_space<vmem>> -> memref<128xi32, #tpu.memory_space<vmem>>
    %dma_start3A_465 = arith.constant 0 : i32
    %dma_start3A_466 = arith.constant 0 : i32
    %dma_start3A_467 = tpu.memref_slice %arg2[%dma_start3A_465, %dma_start3A_466] : memref<4096x128xf32, #tpu.memory_space<hbm>> -> memref<4096x128xf32, #tpu.memory_space<hbm>>
    tpu.enqueue_indirect_dma source(%dma_start3A_467 : memref<4096x128xf32, #tpu.memory_space<hbm>>) target(%dma_start3A_461 : memref<128x128xf32, #tpu.memory_space<vmem>>) offsets(%dma_start3A_464 : memref<128xi32, #tpu.memory_space<vmem>>) semaphore(%arg7 : memref<!tpu.dma_semaphore, #tpu.memory_space<semaphore_mem>>)
    %dma_wait3A_468 = arith.constant 20 : i32
    %dma_wait3A_469 = arith.constant 0 : i32
    %dma_wait3A_470 = arith.constant 0 : i32
    %dma_wait3A_471 = tpu.memref_slice %arg6[%dma_wait3A_469, %dma_wait3A_470] : memref<512x128xf32, #tpu.memory_space<vmem>> -> memref<128x128xf32, #tpu.memory_space<vmem>>
    %dma_wait3A_472 = arith.constant 0 : i32
    %dma_wait3A_473 = tpu.memref_slice %arg5[%dma_wait3A_468, %dma_wait3A_472] : memref<32x128xi32, #tpu.memory_space<vmem>> -> memref<1x128xi32, #tpu.memory_space<vmem>>
    %dma_wait3A_474 = tpu.memref_squeeze %dma_wait3A_473 : memref<1x128xi32, #tpu.memory_space<vmem>> -> memref<128xi32, #tpu.memory_space<vmem>>
    %dma_wait3A_475 = arith.constant 0 : i32
    %dma_wait3A_476 = arith.constant 0 : i32
    %dma_wait3A_477 = tpu.memref_slice %arg2[%dma_wait3A_475, %dma_wait3A_476] : memref<4096x128xf32, #tpu.memory_space<hbm>> -> memref<4096x128xf32, #tpu.memory_space<hbm>>
    tpu.wait_indirect_dma semaphore(%arg7 : memref<!tpu.dma_semaphore, #tpu.memory_space<semaphore_mem>>) src(%dma_wait3A_477 : memref<4096x128xf32, #tpu.memory_space<hbm>>) dst(%dma_wait3A_471 : memref<128x128xf32, #tpu.memory_space<vmem>>)
    %dma_wait3A_478 = arith.constant 21 : i32
    %dma_wait3A_479 = arith.constant 128 : i32
    %dma_wait3A_480 = arith.constant 0 : i32
    %dma_wait3A_481 = tpu.memref_slice %arg6[%dma_wait3A_479, %dma_wait3A_480] : memref<512x128xf32, #tpu.memory_space<vmem>> -> memref<128x128xf32, #tpu.memory_space<vmem>>
    %dma_wait3A_482 = arith.constant 0 : i32
    %dma_wait3A_483 = tpu.memref_slice %arg5[%dma_wait3A_478, %dma_wait3A_482] : memref<32x128xi32, #tpu.memory_space<vmem>> -> memref<1x128xi32, #tpu.memory_space<vmem>>
    %dma_wait3A_484 = tpu.memref_squeeze %dma_wait3A_483 : memref<1x128xi32, #tpu.memory_space<vmem>> -> memref<128xi32, #tpu.memory_space<vmem>>
    %dma_wait3A_485 = arith.constant 0 : i32
    %dma_wait3A_486 = arith.constant 0 : i32
    %dma_wait3A_487 = tpu.memref_slice %arg2[%dma_wait3A_485, %dma_wait3A_486] : memref<4096x128xf32, #tpu.memory_space<hbm>> -> memref<4096x128xf32, #tpu.memory_space<hbm>>
    tpu.wait_indirect_dma semaphore(%arg7 : memref<!tpu.dma_semaphore, #tpu.memory_space<semaphore_mem>>) src(%dma_wait3A_487 : memref<4096x128xf32, #tpu.memory_space<hbm>>) dst(%dma_wait3A_481 : memref<128x128xf32, #tpu.memory_space<vmem>>)
    %dma_wait3A_488 = arith.constant 22 : i32
    %dma_wait3A_489 = arith.constant 256 : i32
    %dma_wait3A_490 = arith.constant 0 : i32
    %dma_wait3A_491 = tpu.memref_slice %arg6[%dma_wait3A_489, %dma_wait3A_490] : memref<512x128xf32, #tpu.memory_space<vmem>> -> memref<128x128xf32, #tpu.memory_space<vmem>>
    %dma_wait3A_492 = arith.constant 0 : i32
    %dma_wait3A_493 = tpu.memref_slice %arg5[%dma_wait3A_488, %dma_wait3A_492] : memref<32x128xi32, #tpu.memory_space<vmem>> -> memref<1x128xi32, #tpu.memory_space<vmem>>
    %dma_wait3A_494 = tpu.memref_squeeze %dma_wait3A_493 : memref<1x128xi32, #tpu.memory_space<vmem>> -> memref<128xi32, #tpu.memory_space<vmem>>
    %dma_wait3A_495 = arith.constant 0 : i32
    %dma_wait3A_496 = arith.constant 0 : i32
    %dma_wait3A_497 = tpu.memref_slice %arg2[%dma_wait3A_495, %dma_wait3A_496] : memref<4096x128xf32, #tpu.memory_space<hbm>> -> memref<4096x128xf32, #tpu.memory_space<hbm>>
    tpu.wait_indirect_dma semaphore(%arg7 : memref<!tpu.dma_semaphore, #tpu.memory_space<semaphore_mem>>) src(%dma_wait3A_497 : memref<4096x128xf32, #tpu.memory_space<hbm>>) dst(%dma_wait3A_491 : memref<128x128xf32, #tpu.memory_space<vmem>>)
    %dma_wait3A_498 = arith.constant 23 : i32
    %dma_wait3A_499 = arith.constant 384 : i32
    %dma_wait3A_500 = arith.constant 0 : i32
    %dma_wait3A_501 = tpu.memref_slice %arg6[%dma_wait3A_499, %dma_wait3A_500] : memref<512x128xf32, #tpu.memory_space<vmem>> -> memref<128x128xf32, #tpu.memory_space<vmem>>
    %dma_wait3A_502 = arith.constant 0 : i32
    %dma_wait3A_503 = tpu.memref_slice %arg5[%dma_wait3A_498, %dma_wait3A_502] : memref<32x128xi32, #tpu.memory_space<vmem>> -> memref<1x128xi32, #tpu.memory_space<vmem>>
    %dma_wait3A_504 = tpu.memref_squeeze %dma_wait3A_503 : memref<1x128xi32, #tpu.memory_space<vmem>> -> memref<128xi32, #tpu.memory_space<vmem>>
    %dma_wait3A_505 = arith.constant 0 : i32
    %dma_wait3A_506 = arith.constant 0 : i32
    %dma_wait3A_507 = tpu.memref_slice %arg2[%dma_wait3A_505, %dma_wait3A_506] : memref<4096x128xf32, #tpu.memory_space<hbm>> -> memref<4096x128xf32, #tpu.memory_space<hbm>>
    tpu.wait_indirect_dma semaphore(%arg7 : memref<!tpu.dma_semaphore, #tpu.memory_space<semaphore_mem>>) src(%dma_wait3A_507 : memref<4096x128xf32, #tpu.memory_space<hbm>>) dst(%dma_wait3A_501 : memref<128x128xf32, #tpu.memory_space<vmem>>)
    %add3A_508 = arith.constant 2560 : i32
    %add3A_509 = arith.addi %multiple_of3A, %add3A_508 : i32
    "tpu.region"() ({
      %run_scoped3A = tpu.sem_alloc : memref<!tpu.dma_semaphore, #tpu.memory_space<semaphore_mem>>
      %dma_start3A_674 = arith.constant 0 : i32
      %dma_start3A_675 = tpu.memref_slice %arg4[%add3A_509, %dma_start3A_674] : memref<131072x128xf32, #tpu.memory_space<hbm>> -> memref<512x128xf32, #tpu.memory_space<hbm>>
      %dma_start3A_676 = arith.constant 0 : i32
      %dma_start3A_677 = tpu.memref_slice %arg4[%add3A_509, %dma_start3A_676] : memref<131072x128xf32, #tpu.memory_space<hbm>> -> memref<512x128xf32, #tpu.memory_space<hbm>>
      tpu.enqueue_dma source(%arg6 : memref<512x128xf32, #tpu.memory_space<vmem>>) target(%dma_start3A_677 : memref<512x128xf32, #tpu.memory_space<hbm>>) target_semaphore(%run_scoped3A : memref<!tpu.dma_semaphore, #tpu.memory_space<semaphore_mem>>)
      %dma_wait3A_678 = arith.constant 0 : i32
      %dma_wait3A_679 = tpu.memref_slice %arg4[%add3A_509, %dma_wait3A_678] : memref<131072x128xf32, #tpu.memory_space<hbm>> -> memref<512x128xf32, #tpu.memory_space<hbm>>
      %dma_wait3A_680 = arith.constant 0 : i32
      %dma_wait3A_681 = tpu.memref_slice %arg4[%add3A_509, %dma_wait3A_680] : memref<131072x128xf32, #tpu.memory_space<hbm>> -> memref<512x128xf32, #tpu.memory_space<hbm>>
      tpu.wait_dma2 semaphore(%run_scoped3A : memref<!tpu.dma_semaphore, #tpu.memory_space<semaphore_mem>>) src(%arg6 : memref<512x128xf32, #tpu.memory_space<vmem>>) dst(%dma_wait3A_681 : memref<512x128xf32, #tpu.memory_space<hbm>>)
      tpu.yield
    }) : () -> ()
    %dma_start3A_510 = arith.constant 24 : i32
    %dma_start3A_511 = arith.constant 0 : i32
    %dma_start3A_512 = arith.constant 0 : i32
    %dma_start3A_513 = tpu.memref_slice %arg6[%dma_start3A_511, %dma_start3A_512] : memref<512x128xf32, #tpu.memory_space<vmem>> -> memref<128x128xf32, #tpu.memory_space<vmem>>
    %dma_start3A_514 = arith.constant 0 : i32
    %dma_start3A_515 = tpu.memref_slice %arg5[%dma_start3A_510, %dma_start3A_514] : memref<32x128xi32, #tpu.memory_space<vmem>> -> memref<1x128xi32, #tpu.memory_space<vmem>>
    %dma_start3A_516 = tpu.memref_squeeze %dma_start3A_515 : memref<1x128xi32, #tpu.memory_space<vmem>> -> memref<128xi32, #tpu.memory_space<vmem>>
    %dma_start3A_517 = arith.constant 0 : i32
    %dma_start3A_518 = arith.constant 0 : i32
    %dma_start3A_519 = tpu.memref_slice %arg2[%dma_start3A_517, %dma_start3A_518] : memref<4096x128xf32, #tpu.memory_space<hbm>> -> memref<4096x128xf32, #tpu.memory_space<hbm>>
    tpu.enqueue_indirect_dma source(%dma_start3A_519 : memref<4096x128xf32, #tpu.memory_space<hbm>>) target(%dma_start3A_513 : memref<128x128xf32, #tpu.memory_space<vmem>>) offsets(%dma_start3A_516 : memref<128xi32, #tpu.memory_space<vmem>>) semaphore(%arg7 : memref<!tpu.dma_semaphore, #tpu.memory_space<semaphore_mem>>)
    %dma_start3A_520 = arith.constant 25 : i32
    %dma_start3A_521 = arith.constant 128 : i32
    %dma_start3A_522 = arith.constant 0 : i32
    %dma_start3A_523 = tpu.memref_slice %arg6[%dma_start3A_521, %dma_start3A_522] : memref<512x128xf32, #tpu.memory_space<vmem>> -> memref<128x128xf32, #tpu.memory_space<vmem>>
    %dma_start3A_524 = arith.constant 0 : i32
    %dma_start3A_525 = tpu.memref_slice %arg5[%dma_start3A_520, %dma_start3A_524] : memref<32x128xi32, #tpu.memory_space<vmem>> -> memref<1x128xi32, #tpu.memory_space<vmem>>
    %dma_start3A_526 = tpu.memref_squeeze %dma_start3A_525 : memref<1x128xi32, #tpu.memory_space<vmem>> -> memref<128xi32, #tpu.memory_space<vmem>>
    %dma_start3A_527 = arith.constant 0 : i32
    %dma_start3A_528 = arith.constant 0 : i32
    %dma_start3A_529 = tpu.memref_slice %arg2[%dma_start3A_527, %dma_start3A_528] : memref<4096x128xf32, #tpu.memory_space<hbm>> -> memref<4096x128xf32, #tpu.memory_space<hbm>>
    tpu.enqueue_indirect_dma source(%dma_start3A_529 : memref<4096x128xf32, #tpu.memory_space<hbm>>) target(%dma_start3A_523 : memref<128x128xf32, #tpu.memory_space<vmem>>) offsets(%dma_start3A_526 : memref<128xi32, #tpu.memory_space<vmem>>) semaphore(%arg7 : memref<!tpu.dma_semaphore, #tpu.memory_space<semaphore_mem>>)
    %dma_start3A_530 = arith.constant 26 : i32
    %dma_start3A_531 = arith.constant 256 : i32
    %dma_start3A_532 = arith.constant 0 : i32
    %dma_start3A_533 = tpu.memref_slice %arg6[%dma_start3A_531, %dma_start3A_532] : memref<512x128xf32, #tpu.memory_space<vmem>> -> memref<128x128xf32, #tpu.memory_space<vmem>>
    %dma_start3A_534 = arith.constant 0 : i32
    %dma_start3A_535 = tpu.memref_slice %arg5[%dma_start3A_530, %dma_start3A_534] : memref<32x128xi32, #tpu.memory_space<vmem>> -> memref<1x128xi32, #tpu.memory_space<vmem>>
    %dma_start3A_536 = tpu.memref_squeeze %dma_start3A_535 : memref<1x128xi32, #tpu.memory_space<vmem>> -> memref<128xi32, #tpu.memory_space<vmem>>
    %dma_start3A_537 = arith.constant 0 : i32
    %dma_start3A_538 = arith.constant 0 : i32
    %dma_start3A_539 = tpu.memref_slice %arg2[%dma_start3A_537, %dma_start3A_538] : memref<4096x128xf32, #tpu.memory_space<hbm>> -> memref<4096x128xf32, #tpu.memory_space<hbm>>
    tpu.enqueue_indirect_dma source(%dma_start3A_539 : memref<4096x128xf32, #tpu.memory_space<hbm>>) target(%dma_start3A_533 : memref<128x128xf32, #tpu.memory_space<vmem>>) offsets(%dma_start3A_536 : memref<128xi32, #tpu.memory_space<vmem>>) semaphore(%arg7 : memref<!tpu.dma_semaphore, #tpu.memory_space<semaphore_mem>>)
    %dma_start3A_540 = arith.constant 27 : i32
    %dma_start3A_541 = arith.constant 384 : i32
    %dma_start3A_542 = arith.constant 0 : i32
    %dma_start3A_543 = tpu.memref_slice %arg6[%dma_start3A_541, %dma_start3A_542] : memref<512x128xf32, #tpu.memory_space<vmem>> -> memref<128x128xf32, #tpu.memory_space<vmem>>
    %dma_start3A_544 = arith.constant 0 : i32
    %dma_start3A_545 = tpu.memref_slice %arg5[%dma_start3A_540, %dma_start3A_544] : memref<32x128xi32, #tpu.memory_space<vmem>> -> memref<1x128xi32, #tpu.memory_space<vmem>>
    %dma_start3A_546 = tpu.memref_squeeze %dma_start3A_545 : memref<1x128xi32, #tpu.memory_space<vmem>> -> memref<128xi32, #tpu.memory_space<vmem>>
    %dma_start3A_547 = arith.constant 0 : i32
    %dma_start3A_548 = arith.constant 0 : i32
    %dma_start3A_549 = tpu.memref_slice %arg2[%dma_start3A_547, %dma_start3A_548] : memref<4096x128xf32, #tpu.memory_space<hbm>> -> memref<4096x128xf32, #tpu.memory_space<hbm>>
    tpu.enqueue_indirect_dma source(%dma_start3A_549 : memref<4096x128xf32, #tpu.memory_space<hbm>>) target(%dma_start3A_543 : memref<128x128xf32, #tpu.memory_space<vmem>>) offsets(%dma_start3A_546 : memref<128xi32, #tpu.memory_space<vmem>>) semaphore(%arg7 : memref<!tpu.dma_semaphore, #tpu.memory_space<semaphore_mem>>)
    %dma_wait3A_550 = arith.constant 24 : i32
    %dma_wait3A_551 = arith.constant 0 : i32
    %dma_wait3A_552 = arith.constant 0 : i32
    %dma_wait3A_553 = tpu.memref_slice %arg6[%dma_wait3A_551, %dma_wait3A_552] : memref<512x128xf32, #tpu.memory_space<vmem>> -> memref<128x128xf32, #tpu.memory_space<vmem>>
    %dma_wait3A_554 = arith.constant 0 : i32
    %dma_wait3A_555 = tpu.memref_slice %arg5[%dma_wait3A_550, %dma_wait3A_554] : memref<32x128xi32, #tpu.memory_space<vmem>> -> memref<1x128xi32, #tpu.memory_space<vmem>>
    %dma_wait3A_556 = tpu.memref_squeeze %dma_wait3A_555 : memref<1x128xi32, #tpu.memory_space<vmem>> -> memref<128xi32, #tpu.memory_space<vmem>>
    %dma_wait3A_557 = arith.constant 0 : i32
    %dma_wait3A_558 = arith.constant 0 : i32
    %dma_wait3A_559 = tpu.memref_slice %arg2[%dma_wait3A_557, %dma_wait3A_558] : memref<4096x128xf32, #tpu.memory_space<hbm>> -> memref<4096x128xf32, #tpu.memory_space<hbm>>
    tpu.wait_indirect_dma semaphore(%arg7 : memref<!tpu.dma_semaphore, #tpu.memory_space<semaphore_mem>>) src(%dma_wait3A_559 : memref<4096x128xf32, #tpu.memory_space<hbm>>) dst(%dma_wait3A_553 : memref<128x128xf32, #tpu.memory_space<vmem>>)
    %dma_wait3A_560 = arith.constant 25 : i32
    %dma_wait3A_561 = arith.constant 128 : i32
    %dma_wait3A_562 = arith.constant 0 : i32
    %dma_wait3A_563 = tpu.memref_slice %arg6[%dma_wait3A_561, %dma_wait3A_562] : memref<512x128xf32, #tpu.memory_space<vmem>> -> memref<128x128xf32, #tpu.memory_space<vmem>>
    %dma_wait3A_564 = arith.constant 0 : i32
    %dma_wait3A_565 = tpu.memref_slice %arg5[%dma_wait3A_560, %dma_wait3A_564] : memref<32x128xi32, #tpu.memory_space<vmem>> -> memref<1x128xi32, #tpu.memory_space<vmem>>
    %dma_wait3A_566 = tpu.memref_squeeze %dma_wait3A_565 : memref<1x128xi32, #tpu.memory_space<vmem>> -> memref<128xi32, #tpu.memory_space<vmem>>
    %dma_wait3A_567 = arith.constant 0 : i32
    %dma_wait3A_568 = arith.constant 0 : i32
    %dma_wait3A_569 = tpu.memref_slice %arg2[%dma_wait3A_567, %dma_wait3A_568] : memref<4096x128xf32, #tpu.memory_space<hbm>> -> memref<4096x128xf32, #tpu.memory_space<hbm>>
    tpu.wait_indirect_dma semaphore(%arg7 : memref<!tpu.dma_semaphore, #tpu.memory_space<semaphore_mem>>) src(%dma_wait3A_569 : memref<4096x128xf32, #tpu.memory_space<hbm>>) dst(%dma_wait3A_563 : memref<128x128xf32, #tpu.memory_space<vmem>>)
    %dma_wait3A_570 = arith.constant 26 : i32
    %dma_wait3A_571 = arith.constant 256 : i32
    %dma_wait3A_572 = arith.constant 0 : i32
    %dma_wait3A_573 = tpu.memref_slice %arg6[%dma_wait3A_571, %dma_wait3A_572] : memref<512x128xf32, #tpu.memory_space<vmem>> -> memref<128x128xf32, #tpu.memory_space<vmem>>
    %dma_wait3A_574 = arith.constant 0 : i32
    %dma_wait3A_575 = tpu.memref_slice %arg5[%dma_wait3A_570, %dma_wait3A_574] : memref<32x128xi32, #tpu.memory_space<vmem>> -> memref<1x128xi32, #tpu.memory_space<vmem>>
    %dma_wait3A_576 = tpu.memref_squeeze %dma_wait3A_575 : memref<1x128xi32, #tpu.memory_space<vmem>> -> memref<128xi32, #tpu.memory_space<vmem>>
    %dma_wait3A_577 = arith.constant 0 : i32
    %dma_wait3A_578 = arith.constant 0 : i32
    %dma_wait3A_579 = tpu.memref_slice %arg2[%dma_wait3A_577, %dma_wait3A_578] : memref<4096x128xf32, #tpu.memory_space<hbm>> -> memref<4096x128xf32, #tpu.memory_space<hbm>>
    tpu.wait_indirect_dma semaphore(%arg7 : memref<!tpu.dma_semaphore, #tpu.memory_space<semaphore_mem>>) src(%dma_wait3A_579 : memref<4096x128xf32, #tpu.memory_space<hbm>>) dst(%dma_wait3A_573 : memref<128x128xf32, #tpu.memory_space<vmem>>)
    %dma_wait3A_580 = arith.constant 27 : i32
    %dma_wait3A_581 = arith.constant 384 : i32
    %dma_wait3A_582 = arith.constant 0 : i32
    %dma_wait3A_583 = tpu.memref_slice %arg6[%dma_wait3A_581, %dma_wait3A_582] : memref<512x128xf32, #tpu.memory_space<vmem>> -> memref<128x128xf32, #tpu.memory_space<vmem>>
    %dma_wait3A_584 = arith.constant 0 : i32
    %dma_wait3A_585 = tpu.memref_slice %arg5[%dma_wait3A_580, %dma_wait3A_584] : memref<32x128xi32, #tpu.memory_space<vmem>> -> memref<1x128xi32, #tpu.memory_space<vmem>>
    %dma_wait3A_586 = tpu.memref_squeeze %dma_wait3A_585 : memref<1x128xi32, #tpu.memory_space<vmem>> -> memref<128xi32, #tpu.memory_space<vmem>>
    %dma_wait3A_587 = arith.constant 0 : i32
    %dma_wait3A_588 = arith.constant 0 : i32
    %dma_wait3A_589 = tpu.memref_slice %arg2[%dma_wait3A_587, %dma_wait3A_588] : memref<4096x128xf32, #tpu.memory_space<hbm>> -> memref<4096x128xf32, #tpu.memory_space<hbm>>
    tpu.wait_indirect_dma semaphore(%arg7 : memref<!tpu.dma_semaphore, #tpu.memory_space<semaphore_mem>>) src(%dma_wait3A_589 : memref<4096x128xf32, #tpu.memory_space<hbm>>) dst(%dma_wait3A_583 : memref<128x128xf32, #tpu.memory_space<vmem>>)
    %add3A_590 = arith.constant 3072 : i32
    %add3A_591 = arith.addi %multiple_of3A, %add3A_590 : i32
    "tpu.region"() ({
      %run_scoped3A = tpu.sem_alloc : memref<!tpu.dma_semaphore, #tpu.memory_space<semaphore_mem>>
      %dma_start3A_674 = arith.constant 0 : i32
      %dma_start3A_675 = tpu.memref_slice %arg4[%add3A_591, %dma_start3A_674] : memref<131072x128xf32, #tpu.memory_space<hbm>> -> memref<512x128xf32, #tpu.memory_space<hbm>>
      %dma_start3A_676 = arith.constant 0 : i32
      %dma_start3A_677 = tpu.memref_slice %arg4[%add3A_591, %dma_start3A_676] : memref<131072x128xf32, #tpu.memory_space<hbm>> -> memref<512x128xf32, #tpu.memory_space<hbm>>
      tpu.enqueue_dma source(%arg6 : memref<512x128xf32, #tpu.memory_space<vmem>>) target(%dma_start3A_677 : memref<512x128xf32, #tpu.memory_space<hbm>>) target_semaphore(%run_scoped3A : memref<!tpu.dma_semaphore, #tpu.memory_space<semaphore_mem>>)
      %dma_wait3A_678 = arith.constant 0 : i32
      %dma_wait3A_679 = tpu.memref_slice %arg4[%add3A_591, %dma_wait3A_678] : memref<131072x128xf32, #tpu.memory_space<hbm>> -> memref<512x128xf32, #tpu.memory_space<hbm>>
      %dma_wait3A_680 = arith.constant 0 : i32
      %dma_wait3A_681 = tpu.memref_slice %arg4[%add3A_591, %dma_wait3A_680] : memref<131072x128xf32, #tpu.memory_space<hbm>> -> memref<512x128xf32, #tpu.memory_space<hbm>>
      tpu.wait_dma2 semaphore(%run_scoped3A : memref<!tpu.dma_semaphore, #tpu.memory_space<semaphore_mem>>) src(%arg6 : memref<512x128xf32, #tpu.memory_space<vmem>>) dst(%dma_wait3A_681 : memref<512x128xf32, #tpu.memory_space<hbm>>)
      tpu.yield
    }) : () -> ()
    %dma_start3A_592 = arith.constant 28 : i32
    %dma_start3A_593 = arith.constant 0 : i32
    %dma_start3A_594 = arith.constant 0 : i32
    %dma_start3A_595 = tpu.memref_slice %arg6[%dma_start3A_593, %dma_start3A_594] : memref<512x128xf32, #tpu.memory_space<vmem>> -> memref<128x128xf32, #tpu.memory_space<vmem>>
    %dma_start3A_596 = arith.constant 0 : i32
    %dma_start3A_597 = tpu.memref_slice %arg5[%dma_start3A_592, %dma_start3A_596] : memref<32x128xi32, #tpu.memory_space<vmem>> -> memref<1x128xi32, #tpu.memory_space<vmem>>
    %dma_start3A_598 = tpu.memref_squeeze %dma_start3A_597 : memref<1x128xi32, #tpu.memory_space<vmem>> -> memref<128xi32, #tpu.memory_space<vmem>>
    %dma_start3A_599 = arith.constant 0 : i32
    %dma_start3A_600 = arith.constant 0 : i32
    %dma_start3A_601 = tpu.memref_slice %arg2[%dma_start3A_599, %dma_start3A_600] : memref<4096x128xf32, #tpu.memory_space<hbm>> -> memref<4096x128xf32, #tpu.memory_space<hbm>>
    tpu.enqueue_indirect_dma source(%dma_start3A_601 : memref<4096x128xf32, #tpu.memory_space<hbm>>) target(%dma_start3A_595 : memref<128x128xf32, #tpu.memory_space<vmem>>) offsets(%dma_start3A_598 : memref<128xi32, #tpu.memory_space<vmem>>) semaphore(%arg7 : memref<!tpu.dma_semaphore, #tpu.memory_space<semaphore_mem>>)
    %dma_start3A_602 = arith.constant 29 : i32
    %dma_start3A_603 = arith.constant 128 : i32
    %dma_start3A_604 = arith.constant 0 : i32
    %dma_start3A_605 = tpu.memref_slice %arg6[%dma_start3A_603, %dma_start3A_604] : memref<512x128xf32, #tpu.memory_space<vmem>> -> memref<128x128xf32, #tpu.memory_space<vmem>>
    %dma_start3A_606 = arith.constant 0 : i32
    %dma_start3A_607 = tpu.memref_slice %arg5[%dma_start3A_602, %dma_start3A_606] : memref<32x128xi32, #tpu.memory_space<vmem>> -> memref<1x128xi32, #tpu.memory_space<vmem>>
    %dma_start3A_608 = tpu.memref_squeeze %dma_start3A_607 : memref<1x128xi32, #tpu.memory_space<vmem>> -> memref<128xi32, #tpu.memory_space<vmem>>
    %dma_start3A_609 = arith.constant 0 : i32
    %dma_start3A_610 = arith.constant 0 : i32
    %dma_start3A_611 = tpu.memref_slice %arg2[%dma_start3A_609, %dma_start3A_610] : memref<4096x128xf32, #tpu.memory_space<hbm>> -> memref<4096x128xf32, #tpu.memory_space<hbm>>
    tpu.enqueue_indirect_dma source(%dma_start3A_611 : memref<4096x128xf32, #tpu.memory_space<hbm>>) target(%dma_start3A_605 : memref<128x128xf32, #tpu.memory_space<vmem>>) offsets(%dma_start3A_608 : memref<128xi32, #tpu.memory_space<vmem>>) semaphore(%arg7 : memref<!tpu.dma_semaphore, #tpu.memory_space<semaphore_mem>>)
    %dma_start3A_612 = arith.constant 30 : i32
    %dma_start3A_613 = arith.constant 256 : i32
    %dma_start3A_614 = arith.constant 0 : i32
    %dma_start3A_615 = tpu.memref_slice %arg6[%dma_start3A_613, %dma_start3A_614] : memref<512x128xf32, #tpu.memory_space<vmem>> -> memref<128x128xf32, #tpu.memory_space<vmem>>
    %dma_start3A_616 = arith.constant 0 : i32
    %dma_start3A_617 = tpu.memref_slice %arg5[%dma_start3A_612, %dma_start3A_616] : memref<32x128xi32, #tpu.memory_space<vmem>> -> memref<1x128xi32, #tpu.memory_space<vmem>>
    %dma_start3A_618 = tpu.memref_squeeze %dma_start3A_617 : memref<1x128xi32, #tpu.memory_space<vmem>> -> memref<128xi32, #tpu.memory_space<vmem>>
    %dma_start3A_619 = arith.constant 0 : i32
    %dma_start3A_620 = arith.constant 0 : i32
    %dma_start3A_621 = tpu.memref_slice %arg2[%dma_start3A_619, %dma_start3A_620] : memref<4096x128xf32, #tpu.memory_space<hbm>> -> memref<4096x128xf32, #tpu.memory_space<hbm>>
    tpu.enqueue_indirect_dma source(%dma_start3A_621 : memref<4096x128xf32, #tpu.memory_space<hbm>>) target(%dma_start3A_615 : memref<128x128xf32, #tpu.memory_space<vmem>>) offsets(%dma_start3A_618 : memref<128xi32, #tpu.memory_space<vmem>>) semaphore(%arg7 : memref<!tpu.dma_semaphore, #tpu.memory_space<semaphore_mem>>)
    %dma_start3A_622 = arith.constant 31 : i32
    %dma_start3A_623 = arith.constant 384 : i32
    %dma_start3A_624 = arith.constant 0 : i32
    %dma_start3A_625 = tpu.memref_slice %arg6[%dma_start3A_623, %dma_start3A_624] : memref<512x128xf32, #tpu.memory_space<vmem>> -> memref<128x128xf32, #tpu.memory_space<vmem>>
    %dma_start3A_626 = arith.constant 0 : i32
    %dma_start3A_627 = tpu.memref_slice %arg5[%dma_start3A_622, %dma_start3A_626] : memref<32x128xi32, #tpu.memory_space<vmem>> -> memref<1x128xi32, #tpu.memory_space<vmem>>
    %dma_start3A_628 = tpu.memref_squeeze %dma_start3A_627 : memref<1x128xi32, #tpu.memory_space<vmem>> -> memref<128xi32, #tpu.memory_space<vmem>>
    %dma_start3A_629 = arith.constant 0 : i32
    %dma_start3A_630 = arith.constant 0 : i32
    %dma_start3A_631 = tpu.memref_slice %arg2[%dma_start3A_629, %dma_start3A_630] : memref<4096x128xf32, #tpu.memory_space<hbm>> -> memref<4096x128xf32, #tpu.memory_space<hbm>>
    tpu.enqueue_indirect_dma source(%dma_start3A_631 : memref<4096x128xf32, #tpu.memory_space<hbm>>) target(%dma_start3A_625 : memref<128x128xf32, #tpu.memory_space<vmem>>) offsets(%dma_start3A_628 : memref<128xi32, #tpu.memory_space<vmem>>) semaphore(%arg7 : memref<!tpu.dma_semaphore, #tpu.memory_space<semaphore_mem>>)
    %dma_wait3A_632 = arith.constant 28 : i32
    %dma_wait3A_633 = arith.constant 0 : i32
    %dma_wait3A_634 = arith.constant 0 : i32
    %dma_wait3A_635 = tpu.memref_slice %arg6[%dma_wait3A_633, %dma_wait3A_634] : memref<512x128xf32, #tpu.memory_space<vmem>> -> memref<128x128xf32, #tpu.memory_space<vmem>>
    %dma_wait3A_636 = arith.constant 0 : i32
    %dma_wait3A_637 = tpu.memref_slice %arg5[%dma_wait3A_632, %dma_wait3A_636] : memref<32x128xi32, #tpu.memory_space<vmem>> -> memref<1x128xi32, #tpu.memory_space<vmem>>
    %dma_wait3A_638 = tpu.memref_squeeze %dma_wait3A_637 : memref<1x128xi32, #tpu.memory_space<vmem>> -> memref<128xi32, #tpu.memory_space<vmem>>
    %dma_wait3A_639 = arith.constant 0 : i32
    %dma_wait3A_640 = arith.constant 0 : i32
    %dma_wait3A_641 = tpu.memref_slice %arg2[%dma_wait3A_639, %dma_wait3A_640] : memref<4096x128xf32, #tpu.memory_space<hbm>> -> memref<4096x128xf32, #tpu.memory_space<hbm>>
    tpu.wait_indirect_dma semaphore(%arg7 : memref<!tpu.dma_semaphore, #tpu.memory_space<semaphore_mem>>) src(%dma_wait3A_641 : memref<4096x128xf32, #tpu.memory_space<hbm>>) dst(%dma_wait3A_635 : memref<128x128xf32, #tpu.memory_space<vmem>>)
    %dma_wait3A_642 = arith.constant 29 : i32
    %dma_wait3A_643 = arith.constant 128 : i32
    %dma_wait3A_644 = arith.constant 0 : i32
    %dma_wait3A_645 = tpu.memref_slice %arg6[%dma_wait3A_643, %dma_wait3A_644] : memref<512x128xf32, #tpu.memory_space<vmem>> -> memref<128x128xf32, #tpu.memory_space<vmem>>
    %dma_wait3A_646 = arith.constant 0 : i32
    %dma_wait3A_647 = tpu.memref_slice %arg5[%dma_wait3A_642, %dma_wait3A_646] : memref<32x128xi32, #tpu.memory_space<vmem>> -> memref<1x128xi32, #tpu.memory_space<vmem>>
    %dma_wait3A_648 = tpu.memref_squeeze %dma_wait3A_647 : memref<1x128xi32, #tpu.memory_space<vmem>> -> memref<128xi32, #tpu.memory_space<vmem>>
    %dma_wait3A_649 = arith.constant 0 : i32
    %dma_wait3A_650 = arith.constant 0 : i32
    %dma_wait3A_651 = tpu.memref_slice %arg2[%dma_wait3A_649, %dma_wait3A_650] : memref<4096x128xf32, #tpu.memory_space<hbm>> -> memref<4096x128xf32, #tpu.memory_space<hbm>>
    tpu.wait_indirect_dma semaphore(%arg7 : memref<!tpu.dma_semaphore, #tpu.memory_space<semaphore_mem>>) src(%dma_wait3A_651 : memref<4096x128xf32, #tpu.memory_space<hbm>>) dst(%dma_wait3A_645 : memref<128x128xf32, #tpu.memory_space<vmem>>)
    %dma_wait3A_652 = arith.constant 30 : i32
    %dma_wait3A_653 = arith.constant 256 : i32
    %dma_wait3A_654 = arith.constant 0 : i32
    %dma_wait3A_655 = tpu.memref_slice %arg6[%dma_wait3A_653, %dma_wait3A_654] : memref<512x128xf32, #tpu.memory_space<vmem>> -> memref<128x128xf32, #tpu.memory_space<vmem>>
    %dma_wait3A_656 = arith.constant 0 : i32
    %dma_wait3A_657 = tpu.memref_slice %arg5[%dma_wait3A_652, %dma_wait3A_656] : memref<32x128xi32, #tpu.memory_space<vmem>> -> memref<1x128xi32, #tpu.memory_space<vmem>>
    %dma_wait3A_658 = tpu.memref_squeeze %dma_wait3A_657 : memref<1x128xi32, #tpu.memory_space<vmem>> -> memref<128xi32, #tpu.memory_space<vmem>>
    %dma_wait3A_659 = arith.constant 0 : i32
    %dma_wait3A_660 = arith.constant 0 : i32
    %dma_wait3A_661 = tpu.memref_slice %arg2[%dma_wait3A_659, %dma_wait3A_660] : memref<4096x128xf32, #tpu.memory_space<hbm>> -> memref<4096x128xf32, #tpu.memory_space<hbm>>
    tpu.wait_indirect_dma semaphore(%arg7 : memref<!tpu.dma_semaphore, #tpu.memory_space<semaphore_mem>>) src(%dma_wait3A_661 : memref<4096x128xf32, #tpu.memory_space<hbm>>) dst(%dma_wait3A_655 : memref<128x128xf32, #tpu.memory_space<vmem>>)
    %dma_wait3A_662 = arith.constant 31 : i32
    %dma_wait3A_663 = arith.constant 384 : i32
    %dma_wait3A_664 = arith.constant 0 : i32
    %dma_wait3A_665 = tpu.memref_slice %arg6[%dma_wait3A_663, %dma_wait3A_664] : memref<512x128xf32, #tpu.memory_space<vmem>> -> memref<128x128xf32, #tpu.memory_space<vmem>>
    %dma_wait3A_666 = arith.constant 0 : i32
    %dma_wait3A_667 = tpu.memref_slice %arg5[%dma_wait3A_662, %dma_wait3A_666] : memref<32x128xi32, #tpu.memory_space<vmem>> -> memref<1x128xi32, #tpu.memory_space<vmem>>
    %dma_wait3A_668 = tpu.memref_squeeze %dma_wait3A_667 : memref<1x128xi32, #tpu.memory_space<vmem>> -> memref<128xi32, #tpu.memory_space<vmem>>
    %dma_wait3A_669 = arith.constant 0 : i32
    %dma_wait3A_670 = arith.constant 0 : i32
    %dma_wait3A_671 = tpu.memref_slice %arg2[%dma_wait3A_669, %dma_wait3A_670] : memref<4096x128xf32, #tpu.memory_space<hbm>> -> memref<4096x128xf32, #tpu.memory_space<hbm>>
    tpu.wait_indirect_dma semaphore(%arg7 : memref<!tpu.dma_semaphore, #tpu.memory_space<semaphore_mem>>) src(%dma_wait3A_671 : memref<4096x128xf32, #tpu.memory_space<hbm>>) dst(%dma_wait3A_665 : memref<128x128xf32, #tpu.memory_space<vmem>>)
    %add3A_672 = arith.constant 3584 : i32
    %add3A_673 = arith.addi %multiple_of3A, %add3A_672 : i32
    "tpu.region"() ({
      %run_scoped3A = tpu.sem_alloc : memref<!tpu.dma_semaphore, #tpu.memory_space<semaphore_mem>>
      %dma_start3A_674 = arith.constant 0 : i32
      %dma_start3A_675 = tpu.memref_slice %arg4[%add3A_673, %dma_start3A_674] : memref<131072x128xf32, #tpu.memory_space<hbm>> -> memref<512x128xf32, #tpu.memory_space<hbm>>
      %dma_start3A_676 = arith.constant 0 : i32
      %dma_start3A_677 = tpu.memref_slice %arg4[%add3A_673, %dma_start3A_676] : memref<131072x128xf32, #tpu.memory_space<hbm>> -> memref<512x128xf32, #tpu.memory_space<hbm>>
      tpu.enqueue_dma source(%arg6 : memref<512x128xf32, #tpu.memory_space<vmem>>) target(%dma_start3A_677 : memref<512x128xf32, #tpu.memory_space<hbm>>) target_semaphore(%run_scoped3A : memref<!tpu.dma_semaphore, #tpu.memory_space<semaphore_mem>>)
      %dma_wait3A_678 = arith.constant 0 : i32
      %dma_wait3A_679 = tpu.memref_slice %arg4[%add3A_673, %dma_wait3A_678] : memref<131072x128xf32, #tpu.memory_space<hbm>> -> memref<512x128xf32, #tpu.memory_space<hbm>>
      %dma_wait3A_680 = arith.constant 0 : i32
      %dma_wait3A_681 = tpu.memref_slice %arg4[%add3A_673, %dma_wait3A_680] : memref<131072x128xf32, #tpu.memory_space<hbm>> -> memref<512x128xf32, #tpu.memory_space<hbm>>
      tpu.wait_dma2 semaphore(%run_scoped3A : memref<!tpu.dma_semaphore, #tpu.memory_space<semaphore_mem>>) src(%arg6 : memref<512x128xf32, #tpu.memory_space<vmem>>) dst(%dma_wait3A_681 : memref<512x128xf32, #tpu.memory_space<hbm>>)
      tpu.yield
    }) : () -> ()
    return
  }
}

module attributes {stable_mosaic.version = 14 : i64} {
  func.func @_prep_body(%arg0: i32, %arg1: memref<512x33xf32, #tpu.memory_space<vmem>>, %arg2: memref<33x32xf32, #tpu.memory_space<vmem>>, %arg3: memref<1x32xf32, #tpu.memory_space<vmem>>, %arg4: memref<32x32xf32, #tpu.memory_space<vmem>>, %arg5: memref<1x32xf32, #tpu.memory_space<vmem>>, %arg6: memref<1x32xf32, #tpu.memory_space<vmem>>, %arg7: memref<1x32xf32, #tpu.memory_space<vmem>>, %arg8: memref<32x64xf32, #tpu.memory_space<vmem>>, %arg9: memref<32x64xf32, #tpu.memory_space<vmem>>, %arg10: memref<32x64xf32, #tpu.memory_space<vmem>>, %arg11: memref<1x64xf32, #tpu.memory_space<vmem>>, %arg12: memref<1x64xf32, #tpu.memory_space<vmem>>, %arg13: memref<1x64xf32, #tpu.memory_space<vmem>>, %arg14: memref<1x64xf32, #tpu.memory_space<vmem>>, %arg15: memref<1x64xf32, #tpu.memory_space<vmem>>, %arg16: memref<1x64xf32, #tpu.memory_space<vmem>>, %arg17: memref<64x64xf32, #tpu.memory_space<vmem>>, %arg18: memref<64x64xf32, #tpu.memory_space<vmem>>, %arg19: memref<64x32xf32, #tpu.memory_space<vmem>>, %arg20: memref<32x4xf32, #tpu.memory_space<vmem>>, %arg21: memref<32x4xf32, #tpu.memory_space<vmem>>, %arg22: memref<1x64xf32, #tpu.memory_space<vmem>>, %arg23: memref<512x128xf32, #tpu.memory_space<vmem>>, %arg24: memref<512x128xf32, #tpu.memory_space<vmem>>, %arg25: memref<512x32xf32, #tpu.memory_space<vmem>>, %arg26: memref<512x4xf32, #tpu.memory_space<vmem>>, %arg27: memref<512x4xf32, #tpu.memory_space<vmem>>, %arg28: memref<8x4xf32, #tpu.memory_space<vmem>>) attributes {dimension_semantics = [#tpu.dimension_semantics<arbitrary>], iteration_bounds = array<i64: 8>, scalar_prefetch = 0 : i64, scratch_operands = 0 : i64, tpu.core_type = #tpu.core_type<tc>, window_params = [{transform_indices = @transform_0, window_bounds = array<i64: 512, 33>}, {pipeline_mode = #tpu.pipeline_mode<synchronous>, transform_indices = @transform_1, window_bounds = array<i64: 33, 32>}, {pipeline_mode = #tpu.pipeline_mode<synchronous>, transform_indices = @transform_2, window_bounds = array<i64: 1, 32>}, {pipeline_mode = #tpu.pipeline_mode<synchronous>, transform_indices = @transform_3, window_bounds = array<i64: 32, 32>}, {pipeline_mode = #tpu.pipeline_mode<synchronous>, transform_indices = @transform_4, window_bounds = array<i64: 1, 32>}, {pipeline_mode = #tpu.pipeline_mode<synchronous>, transform_indices = @transform_5, window_bounds = array<i64: 1, 32>}, {pipeline_mode = #tpu.pipeline_mode<synchronous>, transform_indices = @transform_6, window_bounds = array<i64: 1, 32>}, {pipeline_mode = #tpu.pipeline_mode<synchronous>, transform_indices = @transform_7, window_bounds = array<i64: 32, 64>}, {pipeline_mode = #tpu.pipeline_mode<synchronous>, transform_indices = @transform_8, window_bounds = array<i64: 32, 64>}, {pipeline_mode = #tpu.pipeline_mode<synchronous>, transform_indices = @transform_9, window_bounds = array<i64: 32, 64>}, {pipeline_mode = #tpu.pipeline_mode<synchronous>, transform_indices = @transform_10, window_bounds = array<i64: 1, 64>}, {pipeline_mode = #tpu.pipeline_mode<synchronous>, transform_indices = @transform_11, window_bounds = array<i64: 1, 64>}, {pipeline_mode = #tpu.pipeline_mode<synchronous>, transform_indices = @transform_12, window_bounds = array<i64: 1, 64>}, {pipeline_mode = #tpu.pipeline_mode<synchronous>, transform_indices = @transform_13, window_bounds = array<i64: 1, 64>}, {pipeline_mode = #tpu.pipeline_mode<synchronous>, transform_indices = @transform_14, window_bounds = array<i64: 1, 64>}, {pipeline_mode = #tpu.pipeline_mode<synchronous>, transform_indices = @transform_15, window_bounds = array<i64: 1, 64>}, {pipeline_mode = #tpu.pipeline_mode<synchronous>, transform_indices = @transform_16, window_bounds = array<i64: 64, 64>}, {pipeline_mode = #tpu.pipeline_mode<synchronous>, transform_indices = @transform_17, window_bounds = array<i64: 64, 64>}, {pipeline_mode = #tpu.pipeline_mode<synchronous>, transform_indices = @transform_18, window_bounds = array<i64: 64, 32>}, {pipeline_mode = #tpu.pipeline_mode<synchronous>, transform_indices = @transform_19, window_bounds = array<i64: 32, 4>}, {pipeline_mode = #tpu.pipeline_mode<synchronous>, transform_indices = @transform_20, window_bounds = array<i64: 32, 4>}, {pipeline_mode = #tpu.pipeline_mode<synchronous>, transform_indices = @transform_21, window_bounds = array<i64: 1, 64>}, {transform_indices = @transform_22, window_bounds = array<i64: 512, 128>}, {transform_indices = @transform_23, window_bounds = array<i64: 512, 128>}, {transform_indices = @transform_24, window_bounds = array<i64: 512, 32>}, {transform_indices = @transform_25, window_bounds = array<i64: 512, 4>}, {transform_indices = @transform_26, window_bounds = array<i64: 512, 4>}, {pipeline_mode = #tpu.pipeline_mode<synchronous>, transform_indices = @transform_27, window_bounds = array<i64: 8, 4>}]} {
    %get3A = arith.constant 0 : index
    %get3A_0 = arith.constant 0 : index
    %get3A_1 = vector.load %arg1[%get3A, %get3A_0] : memref<512x33xf32, #tpu.memory_space<vmem>>, vector<512x33xf32>
    %get3A_2 = arith.constant 0 : index
    %get3A_3 = arith.constant 0 : index
    %get3A_4 = vector.load %arg2[%get3A_2, %get3A_3] : memref<33x32xf32, #tpu.memory_space<vmem>>, vector<33x32xf32>
    %dot_general3A = arith.constant dense<0.000000e+00> : vector<512x32xf32>
    %dot_general3A_5 = tpu.matmul %get3A_1, %get3A_4, %dot_general3A {dimension_numbers = #tpu.dot_dimension_numbers<[1], [0], [0], [1], [0, 0, 1, 1], [], []>, transpose_lhs_hint = false} : vector<512x33xf32>, vector<33x32xf32>, vector<512x32xf32> -> vector<512x32xf32>
    %get3A_6 = arith.constant 0 : index
    %get3A_7 = arith.constant 0 : index
    %get3A_8 = vector.load %arg3[%get3A_6, %get3A_7] : memref<1x32xf32, #tpu.memory_space<vmem>>, vector<1x32xf32>
    %add3A = vector.broadcast %get3A_8 : vector<1x32xf32> to vector<512x32xf32>
    %add3A_9 = arith.addf %dot_general3A_5, %add3A : vector<512x32xf32>
    %max3A = arith.constant 0.000000e+00 : f32
    %max3A_10 = vector.broadcast %max3A : f32 to vector<512x32xf32>
    %max3A_11 = arith.maximumf %add3A_9, %max3A_10 : vector<512x32xf32>
    %get3A_12 = arith.constant 0 : index
    %get3A_13 = arith.constant 0 : index
    %get3A_14 = vector.load %arg4[%get3A_12, %get3A_13] : memref<32x32xf32, #tpu.memory_space<vmem>>, vector<32x32xf32>
    %dot_general3A_15 = arith.constant dense<0.000000e+00> : vector<512x32xf32>
    %dot_general3A_16 = tpu.matmul %max3A_11, %get3A_14, %dot_general3A_15 {dimension_numbers = #tpu.dot_dimension_numbers<[1], [0], [0], [1], [0, 0, 1, 1], [], []>, transpose_lhs_hint = false} : vector<512x32xf32>, vector<32x32xf32>, vector<512x32xf32> -> vector<512x32xf32>
    %get3A_17 = arith.constant 0 : index
    %get3A_18 = arith.constant 0 : index
    %get3A_19 = vector.load %arg5[%get3A_17, %get3A_18] : memref<1x32xf32, #tpu.memory_space<vmem>>, vector<1x32xf32>
    %add3A_20 = vector.broadcast %get3A_19 : vector<1x32xf32> to vector<512x32xf32>
    %add3A_21 = arith.addf %dot_general3A_16, %add3A_20 : vector<512x32xf32>
    %max3A_22 = arith.constant 0.000000e+00 : f32
    %max3A_23 = vector.broadcast %max3A_22 : f32 to vector<512x32xf32>
    %max3A_24 = arith.maximumf %add3A_21, %max3A_23 : vector<512x32xf32>
    %reduce_sum3A = arith.constant dense<0.000000e+00> : vector<512xf32>
    %reduce_sum3A_25 = vector.multi_reduction <add>, %max3A_24, %reduce_sum3A [1] : vector<512x32xf32> to vector<512xf32>
    %broadcast_in_dim3A = vector.shape_cast %reduce_sum3A_25 : vector<512xf32> to vector<512x1xf32>
    %div3A = arith.constant 3.200000e+01 : f32
    %div3A_26 = vector.broadcast %div3A : f32 to vector<512x1xf32>
    %div3A_27 = arith.divf %broadcast_in_dim3A, %div3A_26 : vector<512x1xf32>
    %sub3A = vector.broadcast %div3A_27 : vector<512x1xf32> to vector<512x32xf32>
    %sub3A_28 = arith.subf %max3A_24, %sub3A : vector<512x32xf32>
    %integer_pow3A = arith.mulf %sub3A_28, %sub3A_28 : vector<512x32xf32>
    %reduce_sum3A_29 = arith.constant dense<0.000000e+00> : vector<512xf32>
    %reduce_sum3A_30 = vector.multi_reduction <add>, %integer_pow3A, %reduce_sum3A_29 [1] : vector<512x32xf32> to vector<512xf32>
    %broadcast_in_dim3A_31 = vector.shape_cast %reduce_sum3A_30 : vector<512xf32> to vector<512x1xf32>
    %div3A_32 = arith.constant 3.200000e+01 : f32
    %div3A_33 = vector.broadcast %div3A_32 : f32 to vector<512x1xf32>
    %div3A_34 = arith.divf %broadcast_in_dim3A_31, %div3A_33 : vector<512x1xf32>
    %sub3A_35 = vector.broadcast %div3A_27 : vector<512x1xf32> to vector<512x32xf32>
    %sub3A_36 = arith.subf %max3A_24, %sub3A_35 : vector<512x32xf32>
    %add3A_37 = arith.constant 9.99999974E-6 : f32
    %add3A_38 = vector.broadcast %add3A_37 : f32 to vector<512x1xf32>
    %add3A_39 = arith.addf %div3A_34, %add3A_38 : vector<512x1xf32>
    %sqrt3A = math.sqrt %add3A_39 : vector<512x1xf32>
    %div3A_40 = vector.broadcast %sqrt3A : vector<512x1xf32> to vector<512x32xf32>
    %div3A_41 = arith.divf %sub3A_36, %div3A_40 : vector<512x32xf32>
    %get3A_42 = arith.constant 0 : index
    %get3A_43 = arith.constant 0 : index
    %get3A_44 = vector.load %arg6[%get3A_42, %get3A_43] : memref<1x32xf32, #tpu.memory_space<vmem>>, vector<1x32xf32>
    %mul3A = vector.broadcast %get3A_44 : vector<1x32xf32> to vector<512x32xf32>
    %mul3A_45 = arith.mulf %div3A_41, %mul3A : vector<512x32xf32>
    %get3A_46 = arith.constant 0 : index
    %get3A_47 = arith.constant 0 : index
    %get3A_48 = vector.load %arg7[%get3A_46, %get3A_47] : memref<1x32xf32, #tpu.memory_space<vmem>>, vector<1x32xf32>
    %add3A_49 = vector.broadcast %get3A_48 : vector<1x32xf32> to vector<512x32xf32>
    %add3A_50 = arith.addf %mul3A_45, %add3A_49 : vector<512x32xf32>
    %get3A_51 = arith.constant 0 : index
    %get3A_52 = arith.constant 0 : index
    %get3A_53 = vector.load %arg8[%get3A_51, %get3A_52] : memref<32x64xf32, #tpu.memory_space<vmem>>, vector<32x64xf32>
    %dot_general3A_54 = arith.constant dense<0.000000e+00> : vector<512x64xf32>
    %dot_general3A_55 = tpu.matmul %add3A_50, %get3A_53, %dot_general3A_54 {dimension_numbers = #tpu.dot_dimension_numbers<[1], [0], [0], [1], [0, 0, 1, 1], [], []>, transpose_lhs_hint = false} : vector<512x32xf32>, vector<32x64xf32>, vector<512x64xf32> -> vector<512x64xf32>
    %get3A_56 = arith.constant 0 : index
    %get3A_57 = arith.constant 0 : index
    %get3A_58 = vector.load %arg11[%get3A_56, %get3A_57] : memref<1x64xf32, #tpu.memory_space<vmem>>, vector<1x64xf32>
    %add3A_59 = vector.broadcast %get3A_58 : vector<1x64xf32> to vector<512x64xf32>
    %add3A_60 = arith.addf %dot_general3A_55, %add3A_59 : vector<512x64xf32>
    %get3A_61 = arith.constant 0 : index
    %get3A_62 = arith.constant 0 : index
    %get3A_63 = vector.load %arg9[%get3A_61, %get3A_62] : memref<32x64xf32, #tpu.memory_space<vmem>>, vector<32x64xf32>
    %dot_general3A_64 = arith.constant dense<0.000000e+00> : vector<512x64xf32>
    %dot_general3A_65 = tpu.matmul %add3A_50, %get3A_63, %dot_general3A_64 {dimension_numbers = #tpu.dot_dimension_numbers<[1], [0], [0], [1], [0, 0, 1, 1], [], []>, transpose_lhs_hint = false} : vector<512x32xf32>, vector<32x64xf32>, vector<512x64xf32> -> vector<512x64xf32>
    %get3A_66 = arith.constant 0 : index
    %get3A_67 = arith.constant 0 : index
    %get3A_68 = vector.load %arg12[%get3A_66, %get3A_67] : memref<1x64xf32, #tpu.memory_space<vmem>>, vector<1x64xf32>
    %add3A_69 = vector.broadcast %get3A_68 : vector<1x64xf32> to vector<512x64xf32>
    %add3A_70 = arith.addf %dot_general3A_65, %add3A_69 : vector<512x64xf32>
    %get3A_71 = arith.constant 0 : index
    %get3A_72 = arith.constant 0 : index
    %get3A_73 = vector.load %arg10[%get3A_71, %get3A_72] : memref<32x64xf32, #tpu.memory_space<vmem>>, vector<32x64xf32>
    %dot_general3A_74 = arith.constant dense<0.000000e+00> : vector<512x64xf32>
    %dot_general3A_75 = tpu.matmul %add3A_50, %get3A_73, %dot_general3A_74 {dimension_numbers = #tpu.dot_dimension_numbers<[1], [0], [0], [1], [0, 0, 1, 1], [], []>, transpose_lhs_hint = false} : vector<512x32xf32>, vector<32x64xf32>, vector<512x64xf32> -> vector<512x64xf32>
    %get3A_76 = arith.constant 0 : index
    %get3A_77 = arith.constant 0 : index
    %get3A_78 = vector.load %arg13[%get3A_76, %get3A_77] : memref<1x64xf32, #tpu.memory_space<vmem>>, vector<1x64xf32>
    %add3A_79 = vector.broadcast %get3A_78 : vector<1x64xf32> to vector<512x64xf32>
    %add3A_80 = arith.addf %dot_general3A_75, %add3A_79 : vector<512x64xf32>
    %get3A_81 = arith.constant 0 : index
    %get3A_82 = arith.constant 0 : index
    %get3A_83 = vector.load %arg14[%get3A_81, %get3A_82] : memref<1x64xf32, #tpu.memory_space<vmem>>, vector<1x64xf32>
    %add3A_84 = vector.broadcast %get3A_83 : vector<1x64xf32> to vector<512x64xf32>
    %add3A_85 = arith.addf %add3A_60, %add3A_84 : vector<512x64xf32>
    %logistic3A = arith.negf %add3A_85 : vector<512x64xf32>
    %logistic3A_86 = math.exp %logistic3A : vector<512x64xf32>
    %logistic3A_87 = arith.constant 1.000000e+00 : f32
    %logistic3A_88 = vector.broadcast %logistic3A_87 : f32 to vector<512x64xf32>
    %logistic3A_89 = arith.addf %logistic3A_88, %logistic3A_86 : vector<512x64xf32>
    %logistic3A_90 = arith.divf %logistic3A_88, %logistic3A_89 : vector<512x64xf32>
    %get3A_91 = arith.constant 0 : index
    %get3A_92 = arith.constant 0 : index
    %get3A_93 = vector.load %arg15[%get3A_91, %get3A_92] : memref<1x64xf32, #tpu.memory_space<vmem>>, vector<1x64xf32>
    %add3A_94 = vector.broadcast %get3A_93 : vector<1x64xf32> to vector<512x64xf32>
    %add3A_95 = arith.addf %add3A_70, %add3A_94 : vector<512x64xf32>
    %logistic3A_96 = arith.negf %add3A_95 : vector<512x64xf32>
    %logistic3A_97 = math.exp %logistic3A_96 : vector<512x64xf32>
    %logistic3A_98 = arith.constant 1.000000e+00 : f32
    %logistic3A_99 = vector.broadcast %logistic3A_98 : f32 to vector<512x64xf32>
    %logistic3A_100 = arith.addf %logistic3A_99, %logistic3A_97 : vector<512x64xf32>
    %logistic3A_101 = arith.divf %logistic3A_99, %logistic3A_100 : vector<512x64xf32>
    %get3A_102 = arith.constant 0 : index
    %get3A_103 = arith.constant 0 : index
    %get3A_104 = vector.load %arg16[%get3A_102, %get3A_103] : memref<1x64xf32, #tpu.memory_space<vmem>>, vector<1x64xf32>
    %mul3A_105 = vector.broadcast %get3A_104 : vector<1x64xf32> to vector<512x64xf32>
    %mul3A_106 = arith.mulf %logistic3A_90, %mul3A_105 : vector<512x64xf32>
    %add3A_107 = arith.addf %add3A_80, %mul3A_106 : vector<512x64xf32>
    %tanh3A = math.tanh %add3A_107 : vector<512x64xf32>
    %sub3A_108 = arith.constant 1.000000e+00 : f32
    %sub3A_109 = vector.broadcast %sub3A_108 : f32 to vector<512x64xf32>
    %sub3A_110 = arith.subf %sub3A_109, %logistic3A_101 : vector<512x64xf32>
    %mul3A_111 = arith.mulf %sub3A_110, %tanh3A : vector<512x64xf32>
    %broadcast_in_dim3A_112 = arith.constant 0.000000e+00 : f32
    %broadcast_in_dim3A_113 = vector.broadcast %broadcast_in_dim3A_112 : f32 to vector<512x64xf32>
    %get3A_114 = arith.constant 0 : index
    %get3A_115 = arith.constant 0 : index
    %get3A_116 = vector.load %arg17[%get3A_114, %get3A_115] : memref<64x64xf32, #tpu.memory_space<vmem>>, vector<64x64xf32>
    %dot_general3A_117 = arith.constant dense<0.000000e+00> : vector<512x64xf32>
    %dot_general3A_118 = tpu.matmul %mul3A_111, %get3A_116, %dot_general3A_117 {dimension_numbers = #tpu.dot_dimension_numbers<[1], [0], [0], [1], [0, 0, 1, 1], [], []>, transpose_lhs_hint = false} : vector<512x64xf32>, vector<64x64xf32>, vector<512x64xf32> -> vector<512x64xf32>
    %get3A_119 = arith.constant 0 : index
    %get3A_120 = arith.constant 0 : index
    %get3A_121 = vector.load %arg22[%get3A_119, %get3A_120] : memref<1x64xf32, #tpu.memory_space<vmem>>, vector<1x64xf32>
    %add3A_122 = vector.broadcast %get3A_121 : vector<1x64xf32> to vector<512x64xf32>
    %add3A_123 = arith.addf %dot_general3A_118, %add3A_122 : vector<512x64xf32>
    %broadcast_in_dim3A_124 = arith.constant 1.000000e+00 : f32
    %broadcast_in_dim3A_125 = vector.broadcast %broadcast_in_dim3A_124 : f32 to vector<512x1xf32>
    %slice3A = vector.extract_strided_slice %broadcast_in_dim3A_113 {offsets = [0, 1], sizes = [512, 63], strides = [1, 1]} : vector<512x64xf32> to vector<512x63xf32>
    %concatenate3A = tpu.concatenate %add3A_123, %broadcast_in_dim3A_125, %slice3A in 1 : vector<512x64xf32>, vector<512x1xf32>, vector<512x63xf32> -> vector<512x128xf32>
    %swap3A = arith.constant 0 : index
    %swap3A_126 = arith.constant 0 : index
    %swap3A_127 = vector.load %arg23[%swap3A, %swap3A_126] : memref<512x128xf32, #tpu.memory_space<vmem>>, vector<512x128xf32>
    tpu.vector_store %arg23[%swap3A, %swap3A_126], %concatenate3A {strides = array<i32>} : memref<512x128xf32, #tpu.memory_space<vmem>>, vector<512x128xf32>,
    %get3A_128 = arith.constant 0 : index
    %get3A_129 = arith.constant 0 : index
    %get3A_130 = vector.load %arg18[%get3A_128, %get3A_129] : memref<64x64xf32, #tpu.memory_space<vmem>>, vector<64x64xf32>
    %dot_general3A_131 = arith.constant dense<0.000000e+00> : vector<512x64xf32>
    %dot_general3A_132 = tpu.matmul %mul3A_111, %get3A_130, %dot_general3A_131 {dimension_numbers = #tpu.dot_dimension_numbers<[1], [0], [0], [1], [0, 0, 1, 1], [], []>, transpose_lhs_hint = false} : vector<512x64xf32>, vector<64x64xf32>, vector<512x64xf32> -> vector<512x64xf32>
    %concatenate3A_133 = tpu.concatenate %dot_general3A_132, %broadcast_in_dim3A_113 in 1 : vector<512x64xf32>, vector<512x64xf32> -> vector<512x128xf32>
    %swap3A_134 = arith.constant 0 : index
    %swap3A_135 = arith.constant 0 : index
    %swap3A_136 = vector.load %arg24[%swap3A_134, %swap3A_135] : memref<512x128xf32, #tpu.memory_space<vmem>>, vector<512x128xf32>
    tpu.vector_store %arg24[%swap3A_134, %swap3A_135], %concatenate3A_133 {strides = array<i32>} : memref<512x128xf32, #tpu.memory_space<vmem>>, vector<512x128xf32>,
    %get3A_137 = arith.constant 0 : index
    %get3A_138 = arith.constant 0 : index
    %get3A_139 = vector.load %arg19[%get3A_137, %get3A_138] : memref<64x32xf32, #tpu.memory_space<vmem>>, vector<64x32xf32>
    %dot_general3A_140 = arith.constant dense<0.000000e+00> : vector<512x32xf32>
    %dot_general3A_141 = tpu.matmul %mul3A_111, %get3A_139, %dot_general3A_140 {dimension_numbers = #tpu.dot_dimension_numbers<[1], [0], [0], [1], [0, 0, 1, 1], [], []>, transpose_lhs_hint = false} : vector<512x64xf32>, vector<64x32xf32>, vector<512x32xf32> -> vector<512x32xf32>
    %swap3A_142 = arith.constant 0 : index
    %swap3A_143 = arith.constant 0 : index
    %swap3A_144 = vector.load %arg25[%swap3A_142, %swap3A_143] : memref<512x32xf32, #tpu.memory_space<vmem>>, vector<512x32xf32>
    tpu.vector_store %arg25[%swap3A_142, %swap3A_143], %dot_general3A_141 {strides = array<i32>} : memref<512x32xf32, #tpu.memory_space<vmem>>, vector<512x32xf32>,
    %get3A_145 = arith.constant 0 : index
    %get3A_146 = arith.constant 0 : index
    %get3A_147 = vector.load %arg20[%get3A_145, %get3A_146] : memref<32x4xf32, #tpu.memory_space<vmem>>, vector<32x4xf32>
    %dot_general3A_148 = arith.constant dense<0.000000e+00> : vector<512x4xf32>
    %dot_general3A_149 = tpu.matmul %dot_general3A_141, %get3A_147, %dot_general3A_148 {dimension_numbers = #tpu.dot_dimension_numbers<[1], [0], [0], [1], [0, 0, 1, 1], [], []>, precision = #tpu.contract_precision<fp32>, transpose_lhs_hint = false} : vector<512x32xf32>, vector<32x4xf32>, vector<512x4xf32> -> vector<512x4xf32>
    %get3A_150 = arith.constant 0 : index
    %get3A_151 = arith.constant 0 : index
    %get3A_152 = vector.load %arg21[%get3A_150, %get3A_151] : memref<32x4xf32, #tpu.memory_space<vmem>>, vector<32x4xf32>
    %dot_general3A_153 = arith.constant dense<0.000000e+00> : vector<512x4xf32>
    %dot_general3A_154 = tpu.matmul %dot_general3A_141, %get3A_152, %dot_general3A_153 {dimension_numbers = #tpu.dot_dimension_numbers<[1], [0], [0], [1], [0, 0, 1, 1], [], []>, precision = #tpu.contract_precision<fp32>, transpose_lhs_hint = false} : vector<512x32xf32>, vector<32x4xf32>, vector<512x4xf32> -> vector<512x4xf32>
    %swap3A_155 = arith.constant 0 : index
    %swap3A_156 = arith.constant 0 : index
    %swap3A_157 = vector.load %arg26[%swap3A_155, %swap3A_156] : memref<512x4xf32, #tpu.memory_space<vmem>>, vector<512x4xf32>
    tpu.vector_store %arg26[%swap3A_155, %swap3A_156], %dot_general3A_149 {strides = array<i32>} : memref<512x4xf32, #tpu.memory_space<vmem>>, vector<512x4xf32>,
    %swap3A_158 = arith.constant 0 : index
    %swap3A_159 = arith.constant 0 : index
    %swap3A_160 = vector.load %arg27[%swap3A_158, %swap3A_159] : memref<512x4xf32, #tpu.memory_space<vmem>>, vector<512x4xf32>
    tpu.vector_store %arg27[%swap3A_158, %swap3A_159], %dot_general3A_154 {strides = array<i32>} : memref<512x4xf32, #tpu.memory_space<vmem>>, vector<512x4xf32>,
    %reduce_max3A = arith.constant dense<0xFF800000> : vector<4xf32>
    %reduce_max3A_161 = vector.multi_reduction <maximumf>, %dot_general3A_149, %reduce_max3A [0] : vector<512x4xf32> to vector<4xf32>
    %broadcast_in_dim3A_162 = vector.shape_cast %reduce_max3A_161 : vector<4xf32> to vector<1x4xf32>
    %reduce_max3A_163 = arith.constant dense<0xFF800000> : vector<4xf32>
    %reduce_max3A_164 = vector.multi_reduction <maximumf>, %dot_general3A_154, %reduce_max3A_163 [0] : vector<512x4xf32> to vector<4xf32>
    %broadcast_in_dim3A_165 = vector.shape_cast %reduce_max3A_164 : vector<4xf32> to vector<1x4xf32>
    %broadcast_in_dim3A_166 = vector.shape_cast %broadcast_in_dim3A_162 : vector<1x4xf32> to vector<1x4xf32>
    %broadcast_in_dim3A_167 = vector.broadcast %broadcast_in_dim3A_166 : vector<1x4xf32> to vector<6x4xf32>
    %concatenate3A_168 = tpu.concatenate %broadcast_in_dim3A_162, %broadcast_in_dim3A_165, %broadcast_in_dim3A_167 in 0 : vector<1x4xf32>, vector<1x4xf32>, vector<6x4xf32> -> vector<8x4xf32>
    %eq3A = arith.constant 0 : i32
    %eq3A_169 = arith.cmpi eq, %arg0, %eq3A : i32
    %convert_element_type3A = arith.extui %eq3A_169 : i1 to i32
    %cond3A = arith.constant 0 : i32
    %cond3A_170 = arith.cmpi ne, %convert_element_type3A, %cond3A : i32
    scf.if %cond3A_170 {
      %swap3A_175 = arith.constant 0 : index
      %swap3A_176 = arith.constant 0 : index
      %swap3A_177 = vector.load %arg28[%swap3A_175, %swap3A_176] : memref<8x4xf32, #tpu.memory_space<vmem>>, vector<8x4xf32>
      tpu.vector_store %arg28[%swap3A_175, %swap3A_176], %concatenate3A_168 {strides = array<i32>} : memref<8x4xf32, #tpu.memory_space<vmem>>, vector<8x4xf32>,
    } else {
    }
    %ne3A = arith.constant 0 : i32
    %ne3A_171 = arith.cmpi ne, %arg0, %ne3A : i32
    %convert_element_type3A_172 = arith.extui %ne3A_171 : i1 to i32
    %cond3A_173 = arith.constant 0 : i32
    %cond3A_174 = arith.cmpi ne, %convert_element_type3A_172, %cond3A_173 : i32
    scf.if %cond3A_174 {
      %get3A_175 = arith.constant 0 : index
      %get3A_176 = arith.constant 0 : index
      %get3A_177 = vector.load %arg28[%get3A_175, %get3A_176] : memref<8x4xf32, #tpu.memory_space<vmem>>, vector<8x4xf32>
      %max3A_178 = arith.maximumf %get3A_177, %concatenate3A_168 : vector<8x4xf32>
      %swap3A_179 = arith.constant 0 : index
      %swap3A_180 = arith.constant 0 : index
      %swap3A_181 = vector.load %arg28[%swap3A_179, %swap3A_180] : memref<8x4xf32, #tpu.memory_space<vmem>>, vector<8x4xf32>
      tpu.vector_store %arg28[%swap3A_179, %swap3A_180], %max3A_178 {strides = array<i32>} : memref<8x4xf32, #tpu.memory_space<vmem>>, vector<8x4xf32>,
    } else {
    }
    return
  }
  func.func @transform_0(%arg0: i32) -> (i32, i32) {
    %c0_i32 = arith.constant 0 : i32
    %c0_i32_0 = arith.constant 0 : i32
    return %arg0, %c0_i32 : i32, i32
  }
  func.func @transform_1(%arg0: i32) -> (i32, i32) {
    %c0_i32 = arith.constant 0 : i32
    %c0_i32_0 = arith.constant 0 : i32
    %c0_i32_1 = arith.constant 0 : i32
    return %c0_i32, %c0_i32_0 : i32, i32
  }
  func.func @transform_2(%arg0: i32) -> (i32, i32) {
    %c0_i32 = arith.constant 0 : i32
    %c0_i32_0 = arith.constant 0 : i32
    %c0_i32_1 = arith.constant 0 : i32
    return %c0_i32, %c0_i32_0 : i32, i32
  }
  func.func @transform_3(%arg0: i32) -> (i32, i32) {
    %c0_i32 = arith.constant 0 : i32
    %c0_i32_0 = arith.constant 0 : i32
    %c0_i32_1 = arith.constant 0 : i32
    return %c0_i32, %c0_i32_0 : i32, i32
  }
  func.func @transform_4(%arg0: i32) -> (i32, i32) {
    %c0_i32 = arith.constant 0 : i32
    %c0_i32_0 = arith.constant 0 : i32
    %c0_i32_1 = arith.constant 0 : i32
    return %c0_i32, %c0_i32_0 : i32, i32
  }
  func.func @transform_5(%arg0: i32) -> (i32, i32) {
    %c0_i32 = arith.constant 0 : i32
    %c0_i32_0 = arith.constant 0 : i32
    %c0_i32_1 = arith.constant 0 : i32
    return %c0_i32, %c0_i32_0 : i32, i32
  }
  func.func @transform_6(%arg0: i32) -> (i32, i32) {
    %c0_i32 = arith.constant 0 : i32
    %c0_i32_0 = arith.constant 0 : i32
    %c0_i32_1 = arith.constant 0 : i32
    return %c0_i32, %c0_i32_0 : i32, i32
  }
  func.func @transform_7(%arg0: i32) -> (i32, i32) {
    %c0_i32 = arith.constant 0 : i32
    %c0_i32_0 = arith.constant 0 : i32
    %c0_i32_1 = arith.constant 0 : i32
    return %c0_i32, %c0_i32_0 : i32, i32
  }
  func.func @transform_8(%arg0: i32) -> (i32, i32) {
    %c0_i32 = arith.constant 0 : i32
    %c0_i32_0 = arith.constant 0 : i32
    %c0_i32_1 = arith.constant 0 : i32
    return %c0_i32, %c0_i32_0 : i32, i32
  }
  func.func @transform_9(%arg0: i32) -> (i32, i32) {
    %c0_i32 = arith.constant 0 : i32
    %c0_i32_0 = arith.constant 0 : i32
    %c0_i32_1 = arith.constant 0 : i32
    return %c0_i32, %c0_i32_0 : i32, i32
  }
  func.func @transform_10(%arg0: i32) -> (i32, i32) {
    %c0_i32 = arith.constant 0 : i32
    %c0_i32_0 = arith.constant 0 : i32
    %c0_i32_1 = arith.constant 0 : i32
    return %c0_i32, %c0_i32_0 : i32, i32
  }
  func.func @transform_11(%arg0: i32) -> (i32, i32) {
    %c0_i32 = arith.constant 0 : i32
    %c0_i32_0 = arith.constant 0 : i32
    %c0_i32_1 = arith.constant 0 : i32
    return %c0_i32, %c0_i32_0 : i32, i32
  }
  func.func @transform_12(%arg0: i32) -> (i32, i32) {
    %c0_i32 = arith.constant 0 : i32
    %c0_i32_0 = arith.constant 0 : i32
    %c0_i32_1 = arith.constant 0 : i32
    return %c0_i32, %c0_i32_0 : i32, i32
  }
  func.func @transform_13(%arg0: i32) -> (i32, i32) {
    %c0_i32 = arith.constant 0 : i32
    %c0_i32_0 = arith.constant 0 : i32
    %c0_i32_1 = arith.constant 0 : i32
    return %c0_i32, %c0_i32_0 : i32, i32
  }
  func.func @transform_14(%arg0: i32) -> (i32, i32) {
    %c0_i32 = arith.constant 0 : i32
    %c0_i32_0 = arith.constant 0 : i32
    %c0_i32_1 = arith.constant 0 : i32
    return %c0_i32, %c0_i32_0 : i32, i32
  }
  func.func @transform_15(%arg0: i32) -> (i32, i32) {
    %c0_i32 = arith.constant 0 : i32
    %c0_i32_0 = arith.constant 0 : i32
    %c0_i32_1 = arith.constant 0 : i32
    return %c0_i32, %c0_i32_0 : i32, i32
  }
  func.func @transform_16(%arg0: i32) -> (i32, i32) {
    %c0_i32 = arith.constant 0 : i32
    %c0_i32_0 = arith.constant 0 : i32
    %c0_i32_1 = arith.constant 0 : i32
    return %c0_i32, %c0_i32_0 : i32, i32
  }
  func.func @transform_17(%arg0: i32) -> (i32, i32) {
    %c0_i32 = arith.constant 0 : i32
    %c0_i32_0 = arith.constant 0 : i32
    %c0_i32_1 = arith.constant 0 : i32
    return %c0_i32, %c0_i32_0 : i32, i32
  }
  func.func @transform_18(%arg0: i32) -> (i32, i32) {
    %c0_i32 = arith.constant 0 : i32
    %c0_i32_0 = arith.constant 0 : i32
    %c0_i32_1 = arith.constant 0 : i32
    return %c0_i32, %c0_i32_0 : i32, i32
  }
  func.func @transform_19(%arg0: i32) -> (i32, i32) {
    %c0_i32 = arith.constant 0 : i32
    %c0_i32_0 = arith.constant 0 : i32
    %c0_i32_1 = arith.constant 0 : i32
    return %c0_i32, %c0_i32_0 : i32, i32
  }
  func.func @transform_20(%arg0: i32) -> (i32, i32) {
    %c0_i32 = arith.constant 0 : i32
    %c0_i32_0 = arith.constant 0 : i32
    %c0_i32_1 = arith.constant 0 : i32
    return %c0_i32, %c0_i32_0 : i32, i32
  }
  func.func @transform_21(%arg0: i32) -> (i32, i32) {
    %c0_i32 = arith.constant 0 : i32
    %c0_i32_0 = arith.constant 0 : i32
    %c0_i32_1 = arith.constant 0 : i32
    return %c0_i32, %c0_i32_0 : i32, i32
  }
  func.func @transform_22(%arg0: i32) -> (i32, i32) {
    %c0_i32 = arith.constant 0 : i32
    %c0_i32_0 = arith.constant 0 : i32
    return %arg0, %c0_i32 : i32, i32
  }
  func.func @transform_23(%arg0: i32) -> (i32, i32) {
    %c0_i32 = arith.constant 0 : i32
    %c0_i32_0 = arith.constant 0 : i32
    return %arg0, %c0_i32 : i32, i32
  }
  func.func @transform_24(%arg0: i32) -> (i32, i32) {
    %c0_i32 = arith.constant 0 : i32
    %c0_i32_0 = arith.constant 0 : i32
    return %arg0, %c0_i32 : i32, i32
  }
  func.func @transform_25(%arg0: i32) -> (i32, i32) {
    %c0_i32 = arith.constant 0 : i32
    %c0_i32_0 = arith.constant 0 : i32
    return %arg0, %c0_i32 : i32, i32
  }
  func.func @transform_26(%arg0: i32) -> (i32, i32) {
    %c0_i32 = arith.constant 0 : i32
    %c0_i32_0 = arith.constant 0 : i32
    return %arg0, %c0_i32 : i32, i32
  }
  func.func @transform_27(%arg0: i32) -> (i32, i32) {
    %c0_i32 = arith.constant 0 : i32
    %c0_i32_0 = arith.constant 0 : i32
    %c0_i32_1 = arith.constant 0 : i32
    return %c0_i32, %c0_i32_0 : i32, i32
  }
}

module attributes {stable_mosaic.version = 14 : i64} {
  func.func @_escore_body(%arg0: i32, %arg1: memref<2048x128xf32, #tpu.memory_space<vmem>>, %arg2: memref<64x128xf32, #tpu.memory_space<vmem>>, %arg3: memref<1x128xf32, #tpu.memory_space<vmem>>, %arg4: memref<2048x1xf32, #tpu.memory_space<vmem>>) attributes {dimension_semantics = [#tpu.dimension_semantics<arbitrary>], iteration_bounds = array<i64: 64>, scalar_prefetch = 0 : i64, scratch_operands = 0 : i64, tpu.core_type = #tpu.core_type<tc>, window_params = [{transform_indices = @transform_0, window_bounds = array<i64: 2048, 128>}, {transform_indices = @transform_1, window_bounds = array<i64: 64, 128>}, {pipeline_mode = #tpu.pipeline_mode<synchronous>, transform_indices = @transform_2, window_bounds = array<i64: 1, 128>}, {transform_indices = @transform_3, window_bounds = array<i64: 2048, 1>}]} {
    %get3A = arith.constant 0 : index
    %get3A_0 = arith.constant 0 : index
    %get3A_1 = vector.load %arg2[%get3A, %get3A_0] : memref<64x128xf32, #tpu.memory_space<vmem>>, vector<64x128xf32>
    %broadcast_in_dim3A = vector.shape_cast %get3A_1 : vector<64x128xf32> to vector<64x1x128xf32>
    %broadcast_in_dim3A_2 = vector.shape_cast %broadcast_in_dim3A : vector<64x1x128xf32> to vector<64x1x128xf32>
    %broadcast_in_dim3A_3 = vector.broadcast %broadcast_in_dim3A_2 : vector<64x1x128xf32> to vector<64x32x128xf32>
    %reshape3A = vector.shape_cast %broadcast_in_dim3A_3 : vector<64x32x128xf32> to vector<2048x128xf32>
    %get3A_4 = arith.constant 0 : index
    %get3A_5 = arith.constant 0 : index
    %get3A_6 = vector.load %arg1[%get3A_4, %get3A_5] : memref<2048x128xf32, #tpu.memory_space<vmem>>, vector<2048x128xf32>
    %add3A = arith.addf %get3A_6, %reshape3A : vector<2048x128xf32>
    %max3A = arith.constant 0.000000e+00 : f32
    %max3A_7 = vector.broadcast %max3A : f32 to vector<2048x128xf32>
    %max3A_8 = arith.maximumf %add3A, %max3A_7 : vector<2048x128xf32>
    %convert_element_type3A = arith.truncf %max3A_8 : vector<2048x128xf32> to vector<2048x128xbf16>
    %convert_element_type3A_9 = arith.extf %convert_element_type3A : vector<2048x128xbf16> to vector<2048x128xf32>
    %get3A_10 = arith.constant 0 : index
    %get3A_11 = arith.constant 0 : index
    %get3A_12 = vector.load %arg3[%get3A_10, %get3A_11] : memref<1x128xf32, #tpu.memory_space<vmem>>, vector<1x128xf32>
    %mul3A = vector.broadcast %get3A_12 : vector<1x128xf32> to vector<2048x128xf32>
    %mul3A_13 = arith.mulf %convert_element_type3A_9, %mul3A : vector<2048x128xf32>
    %reduce_sum3A = arith.constant dense<0.000000e+00> : vector<2048xf32>
    %reduce_sum3A_14 = vector.multi_reduction <add>, %mul3A_13, %reduce_sum3A [1] : vector<2048x128xf32> to vector<2048xf32>
    %broadcast_in_dim3A_15 = vector.shape_cast %reduce_sum3A_14 : vector<2048xf32> to vector<2048x1xf32>
    %logistic3A = arith.negf %broadcast_in_dim3A_15 : vector<2048x1xf32>
    %logistic3A_16 = math.exp %logistic3A : vector<2048x1xf32>
    %logistic3A_17 = arith.constant 1.000000e+00 : f32
    %logistic3A_18 = vector.broadcast %logistic3A_17 : f32 to vector<2048x1xf32>
    %logistic3A_19 = arith.addf %logistic3A_18, %logistic3A_16 : vector<2048x1xf32>
    %logistic3A_20 = arith.divf %logistic3A_18, %logistic3A_19 : vector<2048x1xf32>
    %swap3A = arith.constant 0 : index
    %swap3A_21 = arith.constant 0 : index
    %swap3A_22 = vector.load %arg4[%swap3A, %swap3A_21] : memref<2048x1xf32, #tpu.memory_space<vmem>>, vector<2048x1xf32>
    tpu.vector_store %arg4[%swap3A, %swap3A_21], %logistic3A_20 {strides = array<i32>} : memref<2048x1xf32, #tpu.memory_space<vmem>>, vector<2048x1xf32>,
    return
  }
  func.func @transform_0(%arg0: i32) -> (i32, i32) {
    %c0_i32 = arith.constant 0 : i32
    %c0_i32_0 = arith.constant 0 : i32
    return %arg0, %c0_i32 : i32, i32
  }
  func.func @transform_1(%arg0: i32) -> (i32, i32) {
    %c0_i32 = arith.constant 0 : i32
    %c0_i32_0 = arith.constant 0 : i32
    return %arg0, %c0_i32 : i32, i32
  }
  func.func @transform_2(%arg0: i32) -> (i32, i32) {
    %c0_i32 = arith.constant 0 : i32
    %c0_i32_0 = arith.constant 0 : i32
    %c0_i32_1 = arith.constant 0 : i32
    return %c0_i32, %c0_i32_0 : i32, i32
  }
  func.func @transform_3(%arg0: i32) -> (i32, i32) {
    %c0_i32 = arith.constant 0 : i32
    %c0_i32_0 = arith.constant 0 : i32
    return %arg0, %c0_i32 : i32, i32
  }
}

module attributes {stable_mosaic.version = 14 : i64} {
  func.func @_topk_body(%arg0: i32, %arg1: memref<512x32xf32, #tpu.memory_space<vmem>>, %arg2: memref<512x32xi32, #tpu.memory_space<vmem>>, %arg3: memref<512x4xf32, #tpu.memory_space<vmem>>, %arg4: memref<512x4xi32, #tpu.memory_space<vmem>>) attributes {dimension_semantics = [#tpu.dimension_semantics<arbitrary>], iteration_bounds = array<i64: 8>, scalar_prefetch = 0 : i64, scratch_operands = 0 : i64, tpu.core_type = #tpu.core_type<tc>, window_params = [{transform_indices = @transform_0, window_bounds = array<i64: 512, 32>}, {transform_indices = @transform_1, window_bounds = array<i64: 512, 32>}, {transform_indices = @transform_2, window_bounds = array<i64: 512, 4>}, {transform_indices = @transform_3, window_bounds = array<i64: 512, 4>}]} {
    %get3A = arith.constant 0 : index
    %get3A_0 = arith.constant 0 : index
    %get3A_1 = vector.load %arg1[%get3A, %get3A_0] : memref<512x32xf32, #tpu.memory_space<vmem>>, vector<512x32xf32>
    %get3A_2 = arith.constant 0 : index
    %get3A_3 = arith.constant 0 : index
    %get3A_4 = vector.load %arg2[%get3A_2, %get3A_3] : memref<512x32xi32, #tpu.memory_space<vmem>>, vector<512x32xi32>
    %iota3A = tpu.iota {dimensions = array<i32: 1>} : vector<512x32xi32>
    %reduce_max3A = arith.constant dense<0xFF800000> : vector<512xf32>
    %reduce_max3A_5 = vector.multi_reduction <maximumf>, %get3A_1, %reduce_max3A [1] : vector<512x32xf32> to vector<512xf32>
    %broadcast_in_dim3A = vector.shape_cast %reduce_max3A_5 : vector<512xf32> to vector<512x1xf32>
    %eq3A = vector.broadcast %broadcast_in_dim3A : vector<512x1xf32> to vector<512x32xf32>
    %eq3A_6 = arith.cmpf oeq, %get3A_1, %eq3A : vector<512x32xf32>
    %jit3A = arith.constant 32 : i32
    %broadcast_in_dim3A_7 = vector.broadcast %jit3A : i32 to vector<512x32xi32>
    %select_n3A = arith.select %eq3A_6, %iota3A, %broadcast_in_dim3A_7 : vector<512x32xi1>, vector<512x32xi32>
    %reduce_min3A = arith.constant dense<2147483647> : vector<512xi32>
    %reduce_min3A_8 = vector.multi_reduction <minsi>, %select_n3A, %reduce_min3A [1] : vector<512x32xi32> to vector<512xi32>
    %broadcast_in_dim3A_9 = vector.shape_cast %reduce_min3A_8 : vector<512xi32> to vector<512x1xi32>
    %eq3A_10 = vector.broadcast %broadcast_in_dim3A_9 : vector<512x1xi32> to vector<512x32xi32>
    %eq3A_11 = arith.cmpi eq, %iota3A, %eq3A_10 : vector<512x32xi32>
    %jit3A_12 = arith.constant 0 : i32
    %broadcast_in_dim3A_13 = vector.broadcast %jit3A_12 : i32 to vector<512x32xi32>
    %select_n3A_14 = arith.select %eq3A_11, %get3A_4, %broadcast_in_dim3A_13 : vector<512x32xi1>, vector<512x32xi32>
    %reduce_sum3A = arith.constant dense<0> : vector<512xi32>
    %reduce_sum3A_15 = vector.multi_reduction <add>, %select_n3A_14, %reduce_sum3A [1] : vector<512x32xi32> to vector<512xi32>
    %broadcast_in_dim3A_16 = vector.shape_cast %reduce_sum3A_15 : vector<512xi32> to vector<512x1xi32>
    %jit3A_17 = arith.constant 0xFF800000 : f32
    %broadcast_in_dim3A_18 = vector.broadcast %jit3A_17 : f32 to vector<512x32xf32>
    %select_n3A_19 = arith.select %eq3A_11, %broadcast_in_dim3A_18, %get3A_1 : vector<512x32xi1>, vector<512x32xf32>
    %reduce_max3A_20 = arith.constant dense<0xFF800000> : vector<512xf32>
    %reduce_max3A_21 = vector.multi_reduction <maximumf>, %select_n3A_19, %reduce_max3A_20 [1] : vector<512x32xf32> to vector<512xf32>
    %broadcast_in_dim3A_22 = vector.shape_cast %reduce_max3A_21 : vector<512xf32> to vector<512x1xf32>
    %eq3A_23 = vector.broadcast %broadcast_in_dim3A_22 : vector<512x1xf32> to vector<512x32xf32>
    %eq3A_24 = arith.cmpf oeq, %select_n3A_19, %eq3A_23 : vector<512x32xf32>
    %jit3A_25 = arith.constant 32 : i32
    %broadcast_in_dim3A_26 = vector.broadcast %jit3A_25 : i32 to vector<512x32xi32>
    %select_n3A_27 = arith.select %eq3A_24, %iota3A, %broadcast_in_dim3A_26 : vector<512x32xi1>, vector<512x32xi32>
    %reduce_min3A_28 = arith.constant dense<2147483647> : vector<512xi32>
    %reduce_min3A_29 = vector.multi_reduction <minsi>, %select_n3A_27, %reduce_min3A_28 [1] : vector<512x32xi32> to vector<512xi32>
    %broadcast_in_dim3A_30 = vector.shape_cast %reduce_min3A_29 : vector<512xi32> to vector<512x1xi32>
    %eq3A_31 = vector.broadcast %broadcast_in_dim3A_30 : vector<512x1xi32> to vector<512x32xi32>
    %eq3A_32 = arith.cmpi eq, %iota3A, %eq3A_31 : vector<512x32xi32>
    %jit3A_33 = arith.constant 0 : i32
    %broadcast_in_dim3A_34 = vector.broadcast %jit3A_33 : i32 to vector<512x32xi32>
    %select_n3A_35 = arith.select %eq3A_32, %get3A_4, %broadcast_in_dim3A_34 : vector<512x32xi1>, vector<512x32xi32>
    %reduce_sum3A_36 = arith.constant dense<0> : vector<512xi32>
    %reduce_sum3A_37 = vector.multi_reduction <add>, %select_n3A_35, %reduce_sum3A_36 [1] : vector<512x32xi32> to vector<512xi32>
    %broadcast_in_dim3A_38 = vector.shape_cast %reduce_sum3A_37 : vector<512xi32> to vector<512x1xi32>
    %jit3A_39 = arith.constant 0xFF800000 : f32
    %broadcast_in_dim3A_40 = vector.broadcast %jit3A_39 : f32 to vector<512x32xf32>
    %select_n3A_41 = arith.select %eq3A_32, %broadcast_in_dim3A_40, %select_n3A_19 : vector<512x32xi1>, vector<512x32xf32>
    %reduce_max3A_42 = arith.constant dense<0xFF800000> : vector<512xf32>
    %reduce_max3A_43 = vector.multi_reduction <maximumf>, %select_n3A_41, %reduce_max3A_42 [1] : vector<512x32xf32> to vector<512xf32>
    %broadcast_in_dim3A_44 = vector.shape_cast %reduce_max3A_43 : vector<512xf32> to vector<512x1xf32>
    %eq3A_45 = vector.broadcast %broadcast_in_dim3A_44 : vector<512x1xf32> to vector<512x32xf32>
    %eq3A_46 = arith.cmpf oeq, %select_n3A_41, %eq3A_45 : vector<512x32xf32>
    %jit3A_47 = arith.constant 32 : i32
    %broadcast_in_dim3A_48 = vector.broadcast %jit3A_47 : i32 to vector<512x32xi32>
    %select_n3A_49 = arith.select %eq3A_46, %iota3A, %broadcast_in_dim3A_48 : vector<512x32xi1>, vector<512x32xi32>
    %reduce_min3A_50 = arith.constant dense<2147483647> : vector<512xi32>
    %reduce_min3A_51 = vector.multi_reduction <minsi>, %select_n3A_49, %reduce_min3A_50 [1] : vector<512x32xi32> to vector<512xi32>
    %broadcast_in_dim3A_52 = vector.shape_cast %reduce_min3A_51 : vector<512xi32> to vector<512x1xi32>
    %eq3A_53 = vector.broadcast %broadcast_in_dim3A_52 : vector<512x1xi32> to vector<512x32xi32>
    %eq3A_54 = arith.cmpi eq, %iota3A, %eq3A_53 : vector<512x32xi32>
    %jit3A_55 = arith.constant 0 : i32
    %broadcast_in_dim3A_56 = vector.broadcast %jit3A_55 : i32 to vector<512x32xi32>
    %select_n3A_57 = arith.select %eq3A_54, %get3A_4, %broadcast_in_dim3A_56 : vector<512x32xi1>, vector<512x32xi32>
    %reduce_sum3A_58 = arith.constant dense<0> : vector<512xi32>
    %reduce_sum3A_59 = vector.multi_reduction <add>, %select_n3A_57, %reduce_sum3A_58 [1] : vector<512x32xi32> to vector<512xi32>
    %broadcast_in_dim3A_60 = vector.shape_cast %reduce_sum3A_59 : vector<512xi32> to vector<512x1xi32>
    %jit3A_61 = arith.constant 0xFF800000 : f32
    %broadcast_in_dim3A_62 = vector.broadcast %jit3A_61 : f32 to vector<512x32xf32>
    %select_n3A_63 = arith.select %eq3A_54, %broadcast_in_dim3A_62, %select_n3A_41 : vector<512x32xi1>, vector<512x32xf32>
    %reduce_max3A_64 = arith.constant dense<0xFF800000> : vector<512xf32>
    %reduce_max3A_65 = vector.multi_reduction <maximumf>, %select_n3A_63, %reduce_max3A_64 [1] : vector<512x32xf32> to vector<512xf32>
    %broadcast_in_dim3A_66 = vector.shape_cast %reduce_max3A_65 : vector<512xf32> to vector<512x1xf32>
    %eq3A_67 = vector.broadcast %broadcast_in_dim3A_66 : vector<512x1xf32> to vector<512x32xf32>
    %eq3A_68 = arith.cmpf oeq, %select_n3A_63, %eq3A_67 : vector<512x32xf32>
    %jit3A_69 = arith.constant 32 : i32
    %broadcast_in_dim3A_70 = vector.broadcast %jit3A_69 : i32 to vector<512x32xi32>
    %select_n3A_71 = arith.select %eq3A_68, %iota3A, %broadcast_in_dim3A_70 : vector<512x32xi1>, vector<512x32xi32>
    %reduce_min3A_72 = arith.constant dense<2147483647> : vector<512xi32>
    %reduce_min3A_73 = vector.multi_reduction <minsi>, %select_n3A_71, %reduce_min3A_72 [1] : vector<512x32xi32> to vector<512xi32>
    %broadcast_in_dim3A_74 = vector.shape_cast %reduce_min3A_73 : vector<512xi32> to vector<512x1xi32>
    %eq3A_75 = vector.broadcast %broadcast_in_dim3A_74 : vector<512x1xi32> to vector<512x32xi32>
    %eq3A_76 = arith.cmpi eq, %iota3A, %eq3A_75 : vector<512x32xi32>
    %jit3A_77 = arith.constant 0 : i32
    %broadcast_in_dim3A_78 = vector.broadcast %jit3A_77 : i32 to vector<512x32xi32>
    %select_n3A_79 = arith.select %eq3A_76, %get3A_4, %broadcast_in_dim3A_78 : vector<512x32xi1>, vector<512x32xi32>
    %reduce_sum3A_80 = arith.constant dense<0> : vector<512xi32>
    %reduce_sum3A_81 = vector.multi_reduction <add>, %select_n3A_79, %reduce_sum3A_80 [1] : vector<512x32xi32> to vector<512xi32>
    %broadcast_in_dim3A_82 = vector.shape_cast %reduce_sum3A_81 : vector<512xi32> to vector<512x1xi32>
    %concatenate3A = tpu.concatenate %broadcast_in_dim3A, %broadcast_in_dim3A_22, %broadcast_in_dim3A_44, %broadcast_in_dim3A_66 in 1 : vector<512x1xf32>, vector<512x1xf32>, vector<512x1xf32>, vector<512x1xf32> -> vector<512x4xf32>
    %swap3A = arith.constant 0 : index
    %swap3A_83 = arith.constant 0 : index
    %swap3A_84 = vector.load %arg3[%swap3A, %swap3A_83] : memref<512x4xf32, #tpu.memory_space<vmem>>, vector<512x4xf32>
    tpu.vector_store %arg3[%swap3A, %swap3A_83], %concatenate3A {strides = array<i32>} : memref<512x4xf32, #tpu.memory_space<vmem>>, vector<512x4xf32>,
    %concatenate3A_85 = tpu.concatenate %broadcast_in_dim3A_16, %broadcast_in_dim3A_38, %broadcast_in_dim3A_60, %broadcast_in_dim3A_82 in 1 : vector<512x1xi32>, vector<512x1xi32>, vector<512x1xi32>, vector<512x1xi32> -> vector<512x4xi32>
    %swap3A_86 = arith.constant 0 : index
    %swap3A_87 = arith.constant 0 : index
    %swap3A_88 = vector.load %arg4[%swap3A_86, %swap3A_87] : memref<512x4xi32, #tpu.memory_space<vmem>>, vector<512x4xi32>
    tpu.vector_store %arg4[%swap3A_86, %swap3A_87], %concatenate3A_85 {strides = array<i32>} : memref<512x4xi32, #tpu.memory_space<vmem>>, vector<512x4xi32>,
    return
  }
  func.func @transform_0(%arg0: i32) -> (i32, i32) {
    %c0_i32 = arith.constant 0 : i32
    %c0_i32_0 = arith.constant 0 : i32
    return %arg0, %c0_i32 : i32, i32
  }
  func.func @transform_1(%arg0: i32) -> (i32, i32) {
    %c0_i32 = arith.constant 0 : i32
    %c0_i32_0 = arith.constant 0 : i32
    return %arg0, %c0_i32 : i32, i32
  }
  func.func @transform_2(%arg0: i32) -> (i32, i32) {
    %c0_i32 = arith.constant 0 : i32
    %c0_i32_0 = arith.constant 0 : i32
    return %arg0, %c0_i32 : i32, i32
  }
  func.func @transform_3(%arg0: i32) -> (i32, i32) {
    %c0_i32 = arith.constant 0 : i32
    %c0_i32_0 = arith.constant 0 : i32
    return %arg0, %c0_i32 : i32, i32
  }
}

module attributes {stable_mosaic.version = 14 : i64} {
  func.func @_seg1_body(%arg0: i32, %arg1: memref<256x1xi32, #tpu.memory_space<vmem>>, %arg2: memref<1x256xi32, #tpu.memory_space<vmem>>, %arg3: memref<64x4xf32, #tpu.memory_space<vmem>>, %arg4: memref<4096x4xf32, #tpu.memory_space<vmem>>, %arg5: memref<8x4xf32, #tpu.memory_space<vmem>>, %arg6: memref<256x4xf32, #tpu.memory_space<vmem>>, %arg7: memref<4096x4xf32, #tpu.memory_space<vmem>>) attributes {dimension_semantics = [#tpu.dimension_semantics<arbitrary>], iteration_bounds = array<i64: 64>, scalar_prefetch = 0 : i64, scratch_operands = 0 : i64, tpu.core_type = #tpu.core_type<tc>, window_params = [{transform_indices = @transform_0, window_bounds = array<i64: 256, 1>}, {transform_indices = @transform_1, window_bounds = array<i64: 1, 256>}, {transform_indices = @transform_2, window_bounds = array<i64: 64, 4>}, {pipeline_mode = #tpu.pipeline_mode<synchronous>, transform_indices = @transform_3, window_bounds = array<i64: 4096, 4>}, {pipeline_mode = #tpu.pipeline_mode<synchronous>, transform_indices = @transform_4, window_bounds = array<i64: 8, 4>}, {transform_indices = @transform_5, window_bounds = array<i64: 256, 4>}, {pipeline_mode = #tpu.pipeline_mode<synchronous>, transform_indices = @transform_6, window_bounds = array<i64: 4096, 4>}]} {
    %get3A = arith.constant 0 : index
    %get3A_0 = arith.constant 0 : index
    %get3A_1 = vector.load %arg1[%get3A, %get3A_0] : memref<256x1xi32, #tpu.memory_space<vmem>>, vector<256x1xi32>
    %iota3A = tpu.iota {dimensions = array<i32: 1>} : vector<256x4096xi32>
    %eq3A = vector.broadcast %get3A_1 : vector<256x1xi32> to vector<256x4096xi32>
    %eq3A_2 = arith.cmpi eq, %iota3A, %eq3A : vector<256x4096xi32>
    %convert_element_type3A = arith.extui %eq3A_2 : vector<256x4096xi1> to vector<256x4096xi32>
    %convert_element_type3A_3 = arith.sitofp %convert_element_type3A : vector<256x4096xi32> to vector<256x4096xf32>
    %iota3A_4 = tpu.iota {dimensions = array<i32: 0>} : vector<4096x256xi32>
    %get3A_5 = arith.constant 0 : index
    %get3A_6 = arith.constant 0 : index
    %get3A_7 = vector.load %arg2[%get3A_5, %get3A_6] : memref<1x256xi32, #tpu.memory_space<vmem>>, vector<1x256xi32>
    %eq3A_8 = vector.broadcast %get3A_7 : vector<1x256xi32> to vector<4096x256xi32>
    %eq3A_9 = arith.cmpi eq, %eq3A_8, %iota3A_4 : vector<4096x256xi32>
    %convert_element_type3A_10 = arith.extui %eq3A_9 : vector<4096x256xi1> to vector<4096x256xi32>
    %convert_element_type3A_11 = arith.sitofp %convert_element_type3A_10 : vector<4096x256xi32> to vector<4096x256xf32>
    %get3A_12 = arith.constant 0 : index
    %get3A_13 = arith.constant 0 : index
    %get3A_14 = vector.load %arg4[%get3A_12, %get3A_13] : memref<4096x4xf32, #tpu.memory_space<vmem>>, vector<4096x4xf32>
    %convert_element_type3A_15 = arith.truncf %get3A_14 : vector<4096x4xf32> to vector<4096x4xbf16>
    %convert_element_type3A_16 = arith.extf %convert_element_type3A_15 : vector<4096x4xbf16> to vector<4096x4xf32>
    %sub3A = arith.subf %get3A_14, %convert_element_type3A_16 : vector<4096x4xf32>
    %dot_general3A = arith.constant dense<0.000000e+00> : vector<256x4xf32>
    %dot_general3A_17 = tpu.matmul %convert_element_type3A_3, %convert_element_type3A_16, %dot_general3A {dimension_numbers = #tpu.dot_dimension_numbers<[1], [0], [0], [1], [0, 0, 1, 1], [], []>, transpose_lhs_hint = false} : vector<256x4096xf32>, vector<4096x4xf32>, vector<256x4xf32> -> vector<256x4xf32>
    %dot_general3A_18 = arith.constant dense<0.000000e+00> : vector<256x4xf32>
    %dot_general3A_19 = tpu.matmul %convert_element_type3A_3, %sub3A, %dot_general3A_18 {dimension_numbers = #tpu.dot_dimension_numbers<[1], [0], [0], [1], [0, 0, 1, 1], [], []>, transpose_lhs_hint = false} : vector<256x4096xf32>, vector<4096x4xf32>, vector<256x4xf32> -> vector<256x4xf32>
    %add3A = arith.addf %dot_general3A_17, %dot_general3A_19 : vector<256x4xf32>
    %get3A_20 = arith.constant 0 : index
    %get3A_21 = arith.constant 0 : index
    %get3A_22 = vector.load %arg3[%get3A_20, %get3A_21] : memref<64x4xf32, #tpu.memory_space<vmem>>, vector<64x4xf32>
    %broadcast_in_dim3A = vector.shape_cast %get3A_22 : vector<64x4xf32> to vector<64x1x4xf32>
    %broadcast_in_dim3A_23 = vector.shape_cast %broadcast_in_dim3A : vector<64x1x4xf32> to vector<64x1x4xf32>
    %broadcast_in_dim3A_24 = vector.broadcast %broadcast_in_dim3A_23 : vector<64x1x4xf32> to vector<64x4x4xf32>
    %reshape3A = vector.shape_cast %broadcast_in_dim3A_24 : vector<64x4x4xf32> to vector<256x4xf32>
    %add3A_25 = arith.addf %reshape3A, %add3A : vector<256x4xf32>
    %ge3A = arith.constant 0.000000e+00 : f32
    %ge3A_26 = vector.broadcast %ge3A : f32 to vector<256x4xf32>
    %ge3A_27 = arith.cmpf oge, %add3A_25, %ge3A_26 : vector<256x4xf32>
    %mul3A = arith.constant 2.000000e-01 : f32
    %mul3A_28 = vector.broadcast %mul3A : f32 to vector<256x4xf32>
    %mul3A_29 = arith.mulf %mul3A_28, %add3A_25 : vector<256x4xf32>
    %select_n3A = arith.select %ge3A_27, %add3A_25, %mul3A_29 : vector<256x4xi1>, vector<256x4xf32>
    %get3A_30 = arith.constant 0 : index
    %get3A_31 = arith.constant 0 : index
    %get3A_32 = vector.load %arg5[%get3A_30, %get3A_31] : memref<8x4xf32, #tpu.memory_space<vmem>>, vector<8x4xf32>
    %slice3A = vector.extract_strided_slice %get3A_32 {offsets = [0, 0], sizes = [1, 4], strides = [1, 1]} : vector<8x4xf32> to vector<1x4xf32>
    %slice3A_33 = vector.extract_strided_slice %get3A_32 {offsets = [1, 0], sizes = [1, 4], strides = [1, 1]} : vector<8x4xf32> to vector<1x4xf32>
    %add3A_34 = arith.addf %slice3A, %slice3A_33 : vector<1x4xf32>
    %ge3A_35 = arith.constant 0.000000e+00 : f32
    %ge3A_36 = vector.broadcast %ge3A_35 : f32 to vector<1x4xf32>
    %ge3A_37 = arith.cmpf oge, %add3A_34, %ge3A_36 : vector<1x4xf32>
    %mul3A_38 = arith.constant 2.000000e-01 : f32
    %mul3A_39 = vector.broadcast %mul3A_38 : f32 to vector<1x4xf32>
    %mul3A_40 = arith.mulf %mul3A_39, %add3A_34 : vector<1x4xf32>
    %select_n3A_41 = arith.select %ge3A_37, %add3A_34, %mul3A_40 : vector<1x4xi1>, vector<1x4xf32>
    %sub3A_42 = vector.broadcast %select_n3A_41 : vector<1x4xf32> to vector<256x4xf32>
    %sub3A_43 = arith.subf %select_n3A, %sub3A_42 : vector<256x4xf32>
    %exp3A = math.exp %sub3A_43 : vector<256x4xf32>
    %swap3A = arith.constant 0 : index
    %swap3A_44 = arith.constant 0 : index
    %swap3A_45 = vector.load %arg6[%swap3A, %swap3A_44] : memref<256x4xf32, #tpu.memory_space<vmem>>, vector<256x4xf32>
    tpu.vector_store %arg6[%swap3A, %swap3A_44], %exp3A {strides = array<i32>} : memref<256x4xf32, #tpu.memory_space<vmem>>, vector<256x4xf32>,
    %eq3A_46 = arith.constant 0 : i32
    %eq3A_47 = arith.cmpi eq, %arg0, %eq3A_46 : i32
    %convert_element_type3A_48 = arith.extui %eq3A_47 : i1 to i32
    %cond3A = arith.constant 0 : i32
    %cond3A_49 = arith.cmpi ne, %convert_element_type3A_48, %cond3A : i32
    scf.if %cond3A_49 {
      %broadcast_in_dim3A_65 = arith.constant 0.000000e+00 : f32
      %broadcast_in_dim3A_66 = vector.broadcast %broadcast_in_dim3A_65 : f32 to vector<4096x4xf32>
      %swap3A_67 = arith.constant 0 : index
      %swap3A_68 = arith.constant 0 : index
      %swap3A_69 = vector.load %arg7[%swap3A_67, %swap3A_68] : memref<4096x4xf32, #tpu.memory_space<vmem>>, vector<4096x4xf32>
      tpu.vector_store %arg7[%swap3A_67, %swap3A_68], %broadcast_in_dim3A_66 {strides = array<i32>} : memref<4096x4xf32, #tpu.memory_space<vmem>>, vector<4096x4xf32>,
    } else {
    }
    %get3A_50 = arith.constant 0 : index
    %get3A_51 = arith.constant 0 : index
    %get3A_52 = vector.load %arg7[%get3A_50, %get3A_51] : memref<4096x4xf32, #tpu.memory_space<vmem>>, vector<4096x4xf32>
    %convert_element_type3A_53 = arith.truncf %exp3A : vector<256x4xf32> to vector<256x4xbf16>
    %convert_element_type3A_54 = arith.extf %convert_element_type3A_53 : vector<256x4xbf16> to vector<256x4xf32>
    %sub3A_55 = arith.subf %exp3A, %convert_element_type3A_54 : vector<256x4xf32>
    %dot_general3A_56 = arith.constant dense<0.000000e+00> : vector<4096x4xf32>
    %dot_general3A_57 = tpu.matmul %convert_element_type3A_11, %convert_element_type3A_54, %dot_general3A_56 {dimension_numbers = #tpu.dot_dimension_numbers<[1], [0], [0], [1], [0, 0, 1, 1], [], []>, transpose_lhs_hint = false} : vector<4096x256xf32>, vector<256x4xf32>, vector<4096x4xf32> -> vector<4096x4xf32>
    %dot_general3A_58 = arith.constant dense<0.000000e+00> : vector<4096x4xf32>
    %dot_general3A_59 = tpu.matmul %convert_element_type3A_11, %sub3A_55, %dot_general3A_58 {dimension_numbers = #tpu.dot_dimension_numbers<[1], [0], [0], [1], [0, 0, 1, 1], [], []>, transpose_lhs_hint = false} : vector<4096x256xf32>, vector<256x4xf32>, vector<4096x4xf32> -> vector<4096x4xf32>
    %add3A_60 = arith.addf %dot_general3A_57, %dot_general3A_59 : vector<4096x4xf32>
    %add3A_61 = arith.addf %get3A_52, %add3A_60 : vector<4096x4xf32>
    %swap3A_62 = arith.constant 0 : index
    %swap3A_63 = arith.constant 0 : index
    %swap3A_64 = vector.load %arg7[%swap3A_62, %swap3A_63] : memref<4096x4xf32, #tpu.memory_space<vmem>>, vector<4096x4xf32>
    tpu.vector_store %arg7[%swap3A_62, %swap3A_63], %add3A_61 {strides = array<i32>} : memref<4096x4xf32, #tpu.memory_space<vmem>>, vector<4096x4xf32>,
    return
  }
  func.func @transform_0(%arg0: i32) -> (i32, i32) {
    %c0_i32 = arith.constant 0 : i32
    %c0_i32_0 = arith.constant 0 : i32
    return %arg0, %c0_i32 : i32, i32
  }
  func.func @transform_1(%arg0: i32) -> (i32, i32) {
    %c0_i32 = arith.constant 0 : i32
    %c0_i32_0 = arith.constant 0 : i32
    return %c0_i32, %arg0 : i32, i32
  }
  func.func @transform_2(%arg0: i32) -> (i32, i32) {
    %c0_i32 = arith.constant 0 : i32
    %c0_i32_0 = arith.constant 0 : i32
    return %arg0, %c0_i32 : i32, i32
  }
  func.func @transform_3(%arg0: i32) -> (i32, i32) {
    %c0_i32 = arith.constant 0 : i32
    %c0_i32_0 = arith.constant 0 : i32
    %c0_i32_1 = arith.constant 0 : i32
    return %c0_i32, %c0_i32_0 : i32, i32
  }
  func.func @transform_4(%arg0: i32) -> (i32, i32) {
    %c0_i32 = arith.constant 0 : i32
    %c0_i32_0 = arith.constant 0 : i32
    %c0_i32_1 = arith.constant 0 : i32
    return %c0_i32, %c0_i32_0 : i32, i32
  }
  func.func @transform_5(%arg0: i32) -> (i32, i32) {
    %c0_i32 = arith.constant 0 : i32
    %c0_i32_0 = arith.constant 0 : i32
    return %arg0, %c0_i32 : i32, i32
  }
  func.func @transform_6(%arg0: i32) -> (i32, i32) {
    %c0_i32 = arith.constant 0 : i32
    %c0_i32_0 = arith.constant 0 : i32
    %c0_i32_1 = arith.constant 0 : i32
    return %c0_i32, %c0_i32_0 : i32, i32
  }
}

module attributes {stable_mosaic.version = 14 : i64} {
  func.func @_seg2_body(%arg0: i32, %arg1: memref<256x1xi32, #tpu.memory_space<vmem>>, %arg2: memref<1x256xi32, #tpu.memory_space<vmem>>, %arg3: memref<256x1xf32, #tpu.memory_space<vmem>>, %arg4: memref<256x4xf32, #tpu.memory_space<vmem>>, %arg5: memref<4096x4xf32, #tpu.memory_space<vmem>>, %arg6: memref<64x32xf32, #tpu.memory_space<vmem>>, %arg7: memref<1x32xf32, #tpu.memory_space<vmem>>, %arg8: memref<256x4xf32, #tpu.memory_space<vmem>>, %arg9: memref<4096x32xf32, #tpu.memory_space<vmem>>) attributes {dimension_semantics = [#tpu.dimension_semantics<arbitrary>], iteration_bounds = array<i64: 64>, scalar_prefetch = 0 : i64, scratch_operands = 0 : i64, tpu.core_type = #tpu.core_type<tc>, window_params = [{transform_indices = @transform_0, window_bounds = array<i64: 256, 1>}, {transform_indices = @transform_1, window_bounds = array<i64: 1, 256>}, {transform_indices = @transform_2, window_bounds = array<i64: 256, 1>}, {transform_indices = @transform_3, window_bounds = array<i64: 256, 4>}, {pipeline_mode = #tpu.pipeline_mode<synchronous>, transform_indices = @transform_4, window_bounds = array<i64: 4096, 4>}, {transform_indices = @transform_5, window_bounds = array<i64: 64, 32>}, {pipeline_mode = #tpu.pipeline_mode<synchronous>, transform_indices = @transform_6, window_bounds = array<i64: 1, 32>}, {transform_indices = @transform_7, window_bounds = array<i64: 256, 4>}, {pipeline_mode = #tpu.pipeline_mode<synchronous>, transform_indices = @transform_8, window_bounds = array<i64: 4096, 32>}]} {
    %get3A = arith.constant 0 : index
    %get3A_0 = arith.constant 0 : index
    %get3A_1 = vector.load %arg1[%get3A, %get3A_0] : memref<256x1xi32, #tpu.memory_space<vmem>>, vector<256x1xi32>
    %iota3A = tpu.iota {dimensions = array<i32: 1>} : vector<256x4096xi32>
    %eq3A = vector.broadcast %get3A_1 : vector<256x1xi32> to vector<256x4096xi32>
    %eq3A_2 = arith.cmpi eq, %iota3A, %eq3A : vector<256x4096xi32>
    %convert_element_type3A = arith.extui %eq3A_2 : vector<256x4096xi1> to vector<256x4096xi32>
    %convert_element_type3A_3 = arith.sitofp %convert_element_type3A : vector<256x4096xi32> to vector<256x4096xf32>
    %iota3A_4 = tpu.iota {dimensions = array<i32: 0>} : vector<4096x256xi32>
    %get3A_5 = arith.constant 0 : index
    %get3A_6 = arith.constant 0 : index
    %get3A_7 = vector.load %arg2[%get3A_5, %get3A_6] : memref<1x256xi32, #tpu.memory_space<vmem>>, vector<1x256xi32>
    %eq3A_8 = vector.broadcast %get3A_7 : vector<1x256xi32> to vector<4096x256xi32>
    %eq3A_9 = arith.cmpi eq, %eq3A_8, %iota3A_4 : vector<4096x256xi32>
    %convert_element_type3A_10 = arith.extui %eq3A_9 : vector<4096x256xi1> to vector<4096x256xi32>
    %convert_element_type3A_11 = arith.sitofp %convert_element_type3A_10 : vector<4096x256xi32> to vector<4096x256xf32>
    %get3A_12 = arith.constant 0 : index
    %get3A_13 = arith.constant 0 : index
    %get3A_14 = vector.load %arg5[%get3A_12, %get3A_13] : memref<4096x4xf32, #tpu.memory_space<vmem>>, vector<4096x4xf32>
    %convert_element_type3A_15 = arith.truncf %get3A_14 : vector<4096x4xf32> to vector<4096x4xbf16>
    %convert_element_type3A_16 = arith.extf %convert_element_type3A_15 : vector<4096x4xbf16> to vector<4096x4xf32>
    %sub3A = arith.subf %get3A_14, %convert_element_type3A_16 : vector<4096x4xf32>
    %dot_general3A = arith.constant dense<0.000000e+00> : vector<256x4xf32>
    %dot_general3A_17 = tpu.matmul %convert_element_type3A_3, %convert_element_type3A_16, %dot_general3A {dimension_numbers = #tpu.dot_dimension_numbers<[1], [0], [0], [1], [0, 0, 1, 1], [], []>, transpose_lhs_hint = false} : vector<256x4096xf32>, vector<4096x4xf32>, vector<256x4xf32> -> vector<256x4xf32>
    %dot_general3A_18 = arith.constant dense<0.000000e+00> : vector<256x4xf32>
    %dot_general3A_19 = tpu.matmul %convert_element_type3A_3, %sub3A, %dot_general3A_18 {dimension_numbers = #tpu.dot_dimension_numbers<[1], [0], [0], [1], [0, 0, 1, 1], [], []>, transpose_lhs_hint = false} : vector<256x4096xf32>, vector<4096x4xf32>, vector<256x4xf32> -> vector<256x4xf32>
    %add3A = arith.addf %dot_general3A_17, %dot_general3A_19 : vector<256x4xf32>
    %get3A_20 = arith.constant 0 : index
    %get3A_21 = arith.constant 0 : index
    %get3A_22 = vector.load %arg4[%get3A_20, %get3A_21] : memref<256x4xf32, #tpu.memory_space<vmem>>, vector<256x4xf32>
    %add3A_23 = arith.constant 1.000000e-16 : f32
    %add3A_24 = vector.broadcast %add3A_23 : f32 to vector<256x4xf32>
    %add3A_25 = arith.addf %add3A, %add3A_24 : vector<256x4xf32>
    %div3A = arith.divf %get3A_22, %add3A_25 : vector<256x4xf32>
    %get3A_26 = arith.constant 0 : index
    %get3A_27 = arith.constant 0 : index
    %get3A_28 = vector.load %arg3[%get3A_26, %get3A_27] : memref<256x1xf32, #tpu.memory_space<vmem>>, vector<256x1xf32>
    %mul3A = vector.broadcast %get3A_28 : vector<256x1xf32> to vector<256x4xf32>
    %mul3A_29 = arith.mulf %div3A, %mul3A : vector<256x4xf32>
    %iota3A_30 = tpu.iota {dimensions = array<i32: 1>} : vector<64x256xi32>
    %jit3A = arith.constant 4 : i32
    %div3A_31 = vector.broadcast %jit3A : i32 to vector<64x256xi32>
    %div3A_32 = arith.divsi %iota3A_30, %div3A_31 : vector<64x256xi32>
    %sign3A = arith.constant 0 : i32
    %sign3A_33 = vector.broadcast %sign3A : i32 to vector<64x256xi32>
    %sign3A_34 = arith.cmpi sgt, %iota3A_30, %sign3A_33 : vector<64x256xi32>
    %sign3A_35 = arith.extui %sign3A_34 : vector<64x256xi1> to vector<64x256xi32>
    %sign3A_36 = arith.constant 0 : i32
    %sign3A_37 = vector.broadcast %sign3A_36 : i32 to vector<64x256xi32>
    %sign3A_38 = arith.cmpi slt, %iota3A_30, %sign3A_37 : vector<64x256xi32>
    %sign3A_39 = arith.extui %sign3A_38 : vector<64x256xi1> to vector<64x256xi32>
    %sign3A_40 = arith.subi %sign3A_35, %sign3A_39 : vector<64x256xi32>
    %sign3A_41 = arith.constant 0 : i32
    %sign3A_42 = arith.cmpi sgt, %jit3A, %sign3A_41 : i32
    %sign3A_43 = arith.extui %sign3A_42 : i1 to i32
    %sign3A_44 = arith.constant 0 : i32
    %sign3A_45 = arith.cmpi slt, %jit3A, %sign3A_44 : i32
    %sign3A_46 = arith.extui %sign3A_45 : i1 to i32
    %sign3A_47 = arith.subi %sign3A_43, %sign3A_46 : i32
    %ne3A = vector.broadcast %sign3A_47 : i32 to vector<64x256xi32>
    %ne3A_48 = arith.cmpi ne, %sign3A_40, %ne3A : vector<64x256xi32>
    %rem3A = vector.broadcast %jit3A : i32 to vector<64x256xi32>
    %rem3A_49 = arith.remsi %iota3A_30, %rem3A : vector<64x256xi32>
    %ne3A_50 = arith.constant 0 : i32
    %ne3A_51 = vector.broadcast %ne3A_50 : i32 to vector<64x256xi32>
    %ne3A_52 = arith.cmpi ne, %rem3A_49, %ne3A_51 : vector<64x256xi32>
    %and3A = arith.andi %ne3A_48, %ne3A_52 : vector<64x256xi1>
    %sub3A_53 = arith.constant 1 : i32
    %sub3A_54 = vector.broadcast %sub3A_53 : i32 to vector<64x256xi32>
    %sub3A_55 = arith.subi %div3A_32, %sub3A_54 : vector<64x256xi32>
    %select_n3A = arith.select %and3A, %sub3A_55, %div3A_32 : vector<64x256xi1>, vector<64x256xi32>
    %iota3A_56 = tpu.iota {dimensions = array<i32: 0>} : vector<64x256xi32>
    %eq3A_57 = arith.cmpi eq, %select_n3A, %iota3A_56 : vector<64x256xi32>
    %convert_element_type3A_58 = arith.extui %eq3A_57 : vector<64x256xi1> to vector<64x256xi32>
    %convert_element_type3A_59 = arith.sitofp %convert_element_type3A_58 : vector<64x256xi32> to vector<64x256xf32>
    %dot_general3A_60 = arith.constant dense<0.000000e+00> : vector<64x4xf32>
    %dot_general3A_61 = tpu.matmul %convert_element_type3A_59, %mul3A_29, %dot_general3A_60 {dimension_numbers = #tpu.dot_dimension_numbers<[1], [0], [0], [1], [0, 0, 1, 1], [], []>, precision = #tpu.contract_precision<fp32>, transpose_lhs_hint = false} : vector<64x256xf32>, vector<256x4xf32>, vector<64x4xf32> -> vector<64x4xf32>
    %max3A = arith.constant 9.99999971E-10 : f32
    %max3A_62 = vector.broadcast %max3A : f32 to vector<64x4xf32>
    %max3A_63 = arith.maximumf %dot_general3A_61, %max3A_62 : vector<64x4xf32>
    %broadcast_in_dim3A = vector.shape_cast %max3A_63 : vector<64x4xf32> to vector<64x1x4xf32>
    %broadcast_in_dim3A_64 = vector.shape_cast %broadcast_in_dim3A : vector<64x1x4xf32> to vector<64x1x4xf32>
    %broadcast_in_dim3A_65 = vector.broadcast %broadcast_in_dim3A_64 : vector<64x1x4xf32> to vector<64x4x4xf32>
    %reshape3A = vector.shape_cast %broadcast_in_dim3A_65 : vector<64x4x4xf32> to vector<256x4xf32>
    %div3A_66 = arith.divf %mul3A_29, %reshape3A : vector<256x4xf32>
    %swap3A = arith.constant 0 : index
    %swap3A_67 = arith.constant 0 : index
    %swap3A_68 = vector.load %arg8[%swap3A, %swap3A_67] : memref<256x4xf32, #tpu.memory_space<vmem>>, vector<256x4xf32>
    tpu.vector_store %arg8[%swap3A, %swap3A_67], %div3A_66 {strides = array<i32>} : memref<256x4xf32, #tpu.memory_space<vmem>>, vector<256x4xf32>,
    %get3A_69 = arith.constant 0 : index
    %get3A_70 = arith.constant 0 : index
    %get3A_71 = vector.load %arg6[%get3A_69, %get3A_70] : memref<64x32xf32, #tpu.memory_space<vmem>>, vector<64x32xf32>
    %broadcast_in_dim3A_72 = vector.shape_cast %get3A_71 : vector<64x32xf32> to vector<64x1x32xf32>
    %broadcast_in_dim3A_73 = vector.shape_cast %broadcast_in_dim3A_72 : vector<64x1x32xf32> to vector<64x1x32xf32>
    %broadcast_in_dim3A_74 = vector.broadcast %broadcast_in_dim3A_73 : vector<64x1x32xf32> to vector<64x4x32xf32>
    %reshape3A_75 = vector.shape_cast %broadcast_in_dim3A_74 : vector<64x4x32xf32> to vector<256x32xf32>
    %iota3A_76 = tpu.iota {dimensions = array<i32: 0>} : vector<4x32xi32>
    %iota3A_77 = tpu.iota {dimensions = array<i32: 1>} : vector<4x32xi32>
    %jit3A_78 = arith.constant 8 : i32
    %div3A_79 = vector.broadcast %jit3A_78 : i32 to vector<4x32xi32>
    %div3A_80 = arith.divsi %iota3A_77, %div3A_79 : vector<4x32xi32>
    %sign3A_81 = arith.constant 0 : i32
    %sign3A_82 = vector.broadcast %sign3A_81 : i32 to vector<4x32xi32>
    %sign3A_83 = arith.cmpi sgt, %iota3A_77, %sign3A_82 : vector<4x32xi32>
    %sign3A_84 = arith.extui %sign3A_83 : vector<4x32xi1> to vector<4x32xi32>
    %sign3A_85 = arith.constant 0 : i32
    %sign3A_86 = vector.broadcast %sign3A_85 : i32 to vector<4x32xi32>
    %sign3A_87 = arith.cmpi slt, %iota3A_77, %sign3A_86 : vector<4x32xi32>
    %sign3A_88 = arith.extui %sign3A_87 : vector<4x32xi1> to vector<4x32xi32>
    %sign3A_89 = arith.subi %sign3A_84, %sign3A_88 : vector<4x32xi32>
    %sign3A_90 = arith.constant 0 : i32
    %sign3A_91 = arith.cmpi sgt, %jit3A_78, %sign3A_90 : i32
    %sign3A_92 = arith.extui %sign3A_91 : i1 to i32
    %sign3A_93 = arith.constant 0 : i32
    %sign3A_94 = arith.cmpi slt, %jit3A_78, %sign3A_93 : i32
    %sign3A_95 = arith.extui %sign3A_94 : i1 to i32
    %sign3A_96 = arith.subi %sign3A_92, %sign3A_95 : i32
    %ne3A_97 = vector.broadcast %sign3A_96 : i32 to vector<4x32xi32>
    %ne3A_98 = arith.cmpi ne, %sign3A_89, %ne3A_97 : vector<4x32xi32>
    %rem3A_99 = vector.broadcast %jit3A_78 : i32 to vector<4x32xi32>
    %rem3A_100 = arith.remsi %iota3A_77, %rem3A_99 : vector<4x32xi32>
    %ne3A_101 = arith.constant 0 : i32
    %ne3A_102 = vector.broadcast %ne3A_101 : i32 to vector<4x32xi32>
    %ne3A_103 = arith.cmpi ne, %rem3A_100, %ne3A_102 : vector<4x32xi32>
    %and3A_104 = arith.andi %ne3A_98, %ne3A_103 : vector<4x32xi1>
    %sub3A_105 = arith.constant 1 : i32
    %sub3A_106 = vector.broadcast %sub3A_105 : i32 to vector<4x32xi32>
    %sub3A_107 = arith.subi %div3A_80, %sub3A_106 : vector<4x32xi32>
    %select_n3A_108 = arith.select %and3A_104, %sub3A_107, %div3A_80 : vector<4x32xi1>, vector<4x32xi32>
    %eq3A_109 = arith.cmpi eq, %select_n3A_108, %iota3A_76 : vector<4x32xi32>
    %convert_element_type3A_110 = arith.extui %eq3A_109 : vector<4x32xi1> to vector<4x32xi32>
    %convert_element_type3A_111 = arith.sitofp %convert_element_type3A_110 : vector<4x32xi32> to vector<4x32xf32>
    %dot_general3A_112 = arith.constant dense<0.000000e+00> : vector<256x32xf32>
    %dot_general3A_113 = tpu.matmul %mul3A_29, %convert_element_type3A_111, %dot_general3A_112 {dimension_numbers = #tpu.dot_dimension_numbers<[1], [0], [0], [1], [0, 0, 1, 1], [], []>, precision = #tpu.contract_precision<fp32>, transpose_lhs_hint = false} : vector<256x4xf32>, vector<4x32xf32>, vector<256x32xf32> -> vector<256x32xf32>
    %mul3A_114 = arith.mulf %dot_general3A_113, %reshape3A_75 : vector<256x32xf32>
    %eq3A_115 = arith.constant 0 : i32
    %eq3A_116 = arith.cmpi eq, %arg0, %eq3A_115 : i32
    %convert_element_type3A_117 = arith.extui %eq3A_116 : i1 to i32
    %cond3A = arith.constant 0 : i32
    %cond3A_118 = arith.cmpi ne, %convert_element_type3A_117, %cond3A : i32
    scf.if %cond3A_118 {
      %broadcast_in_dim3A_139 = arith.constant 0.000000e+00 : f32
      %broadcast_in_dim3A_140 = vector.broadcast %broadcast_in_dim3A_139 : f32 to vector<4096x32xf32>
      %swap3A_141 = arith.constant 0 : index
      %swap3A_142 = arith.constant 0 : index
      %swap3A_143 = vector.load %arg9[%swap3A_141, %swap3A_142] : memref<4096x32xf32, #tpu.memory_space<vmem>>, vector<4096x32xf32>
      tpu.vector_store %arg9[%swap3A_141, %swap3A_142], %broadcast_in_dim3A_140 {strides = array<i32>} : memref<4096x32xf32, #tpu.memory_space<vmem>>, vector<4096x32xf32>,
    } else {
    }
    %get3A_119 = arith.constant 0 : index
    %get3A_120 = arith.constant 0 : index
    %get3A_121 = vector.load %arg9[%get3A_119, %get3A_120] : memref<4096x32xf32, #tpu.memory_space<vmem>>, vector<4096x32xf32>
    %convert_element_type3A_122 = arith.truncf %mul3A_114 : vector<256x32xf32> to vector<256x32xbf16>
    %convert_element_type3A_123 = arith.extf %convert_element_type3A_122 : vector<256x32xbf16> to vector<256x32xf32>
    %sub3A_124 = arith.subf %mul3A_114, %convert_element_type3A_123 : vector<256x32xf32>
    %dot_general3A_125 = arith.constant dense<0.000000e+00> : vector<4096x32xf32>
    %dot_general3A_126 = tpu.matmul %convert_element_type3A_11, %convert_element_type3A_123, %dot_general3A_125 {dimension_numbers = #tpu.dot_dimension_numbers<[1], [0], [0], [1], [0, 0, 1, 1], [], []>, transpose_lhs_hint = false} : vector<4096x256xf32>, vector<256x32xf32>, vector<4096x32xf32> -> vector<4096x32xf32>
    %dot_general3A_127 = arith.constant dense<0.000000e+00> : vector<4096x32xf32>
    %dot_general3A_128 = tpu.matmul %convert_element_type3A_11, %sub3A_124, %dot_general3A_127 {dimension_numbers = #tpu.dot_dimension_numbers<[1], [0], [0], [1], [0, 0, 1, 1], [], []>, transpose_lhs_hint = false} : vector<4096x256xf32>, vector<256x32xf32>, vector<4096x32xf32> -> vector<4096x32xf32>
    %add3A_129 = arith.addf %dot_general3A_126, %dot_general3A_128 : vector<4096x32xf32>
    %add3A_130 = arith.addf %get3A_121, %add3A_129 : vector<4096x32xf32>
    %swap3A_131 = arith.constant 0 : index
    %swap3A_132 = arith.constant 0 : index
    %swap3A_133 = vector.load %arg9[%swap3A_131, %swap3A_132] : memref<4096x32xf32, #tpu.memory_space<vmem>>, vector<4096x32xf32>
    tpu.vector_store %arg9[%swap3A_131, %swap3A_132], %add3A_130 {strides = array<i32>} : memref<4096x32xf32, #tpu.memory_space<vmem>>, vector<4096x32xf32>,
    %eq3A_134 = arith.constant 63 : i32
    %eq3A_135 = arith.cmpi eq, %arg0, %eq3A_134 : i32
    %convert_element_type3A_136 = arith.extui %eq3A_135 : i1 to i32
    %cond3A_137 = arith.constant 0 : i32
    %cond3A_138 = arith.cmpi ne, %convert_element_type3A_136, %cond3A_137 : i32
    scf.if %cond3A_138 {
      %get3A_139 = arith.constant 0 : index
      %get3A_140 = arith.constant 0 : index
      %get3A_141 = vector.load %arg9[%get3A_139, %get3A_140] : memref<4096x32xf32, #tpu.memory_space<vmem>>, vector<4096x32xf32>
      %get3A_142 = arith.constant 0 : index
      %get3A_143 = arith.constant 0 : index
      %get3A_144 = vector.load %arg7[%get3A_142, %get3A_143] : memref<1x32xf32, #tpu.memory_space<vmem>>, vector<1x32xf32>
      %add3A_145 = vector.broadcast %get3A_144 : vector<1x32xf32> to vector<4096x32xf32>
      %add3A_146 = arith.addf %get3A_141, %add3A_145 : vector<4096x32xf32>
      %swap3A_147 = arith.constant 0 : index
      %swap3A_148 = arith.constant 0 : index
      %swap3A_149 = vector.load %arg9[%swap3A_147, %swap3A_148] : memref<4096x32xf32, #tpu.memory_space<vmem>>, vector<4096x32xf32>
      tpu.vector_store %arg9[%swap3A_147, %swap3A_148], %add3A_146 {strides = array<i32>} : memref<4096x32xf32, #tpu.memory_space<vmem>>, vector<4096x32xf32>,
    } else {
    }
    return
  }
  func.func @transform_0(%arg0: i32) -> (i32, i32) {
    %c0_i32 = arith.constant 0 : i32
    %c0_i32_0 = arith.constant 0 : i32
    return %arg0, %c0_i32 : i32, i32
  }
  func.func @transform_1(%arg0: i32) -> (i32, i32) {
    %c0_i32 = arith.constant 0 : i32
    %c0_i32_0 = arith.constant 0 : i32
    return %c0_i32, %arg0 : i32, i32
  }
  func.func @transform_2(%arg0: i32) -> (i32, i32) {
    %c0_i32 = arith.constant 0 : i32
    %c0_i32_0 = arith.constant 0 : i32
    return %arg0, %c0_i32 : i32, i32
  }
  func.func @transform_3(%arg0: i32) -> (i32, i32) {
    %c0_i32 = arith.constant 0 : i32
    %c0_i32_0 = arith.constant 0 : i32
    return %arg0, %c0_i32 : i32, i32
  }
  func.func @transform_4(%arg0: i32) -> (i32, i32) {
    %c0_i32 = arith.constant 0 : i32
    %c0_i32_0 = arith.constant 0 : i32
    %c0_i32_1 = arith.constant 0 : i32
    return %c0_i32, %c0_i32_0 : i32, i32
  }
  func.func @transform_5(%arg0: i32) -> (i32, i32) {
    %c0_i32 = arith.constant 0 : i32
    %c0_i32_0 = arith.constant 0 : i32
    return %arg0, %c0_i32 : i32, i32
  }
  func.func @transform_6(%arg0: i32) -> (i32, i32) {
    %c0_i32 = arith.constant 0 : i32
    %c0_i32_0 = arith.constant 0 : i32
    %c0_i32_1 = arith.constant 0 : i32
    return %c0_i32, %c0_i32_0 : i32, i32
  }
  func.func @transform_7(%arg0: i32) -> (i32, i32) {
    %c0_i32 = arith.constant 0 : i32
    %c0_i32_0 = arith.constant 0 : i32
    return %arg0, %c0_i32 : i32, i32
  }
  func.func @transform_8(%arg0: i32) -> (i32, i32) {
    %c0_i32 = arith.constant 0 : i32
    %c0_i32_0 = arith.constant 0 : i32
    %c0_i32_1 = arith.constant 0 : i32
    return %c0_i32, %c0_i32_0 : i32, i32
  }
}

module attributes {stable_mosaic.version = 14 : i64} {
  func.func @_abuild_body(%arg0: i32, %arg1: i32, %arg2: memref<256x4xi32, #tpu.memory_space<vmem>>, %arg3: memref<1x256x4xf32, #tpu.memory_space<vmem>>, %arg4: memref<1x1x256x4096xf32, #tpu.memory_space<vmem>>) attributes {dimension_semantics = [#tpu.dimension_semantics<arbitrary>, #tpu.dimension_semantics<arbitrary>], iteration_bounds = array<i64: 4, 16>, scalar_prefetch = 0 : i64, scratch_operands = 0 : i64, tpu.core_type = #tpu.core_type<tc>, window_params = [{transform_indices = @transform_0, window_bounds = array<i64: 256, 4>}, {transform_indices = @transform_1, window_bounds = array<i64: 1, 256, 4>}, {transform_indices = @transform_2, window_bounds = array<i64: 1, 1, 256, 4096>}]} {
    %get3A = arith.constant 0 : index
    %get3A_0 = arith.constant 0 : index
    %get3A_1 = vector.load %arg2[%get3A, %get3A_0] : memref<256x4xi32, #tpu.memory_space<vmem>>, vector<256x4xi32>
    %get3A_2 = arith.constant 0 : index
    %get3A_3 = arith.constant 0 : index
    %get3A_4 = arith.constant 0 : index
    %get3A_5 = vector.load %arg3[%get3A_2, %get3A_3, %get3A_4] : memref<1x256x4xf32, #tpu.memory_space<vmem>>, vector<1x256x4xf32>
    %get3A_6 = vector.shape_cast %get3A_5 : vector<1x256x4xf32> to vector<256x4xf32>
    %iota3A = tpu.iota {dimensions = array<i32: 1>} : vector<256x4096xi32>
    %broadcast_in_dim3A = arith.constant 0.000000e+00 : f32
    %broadcast_in_dim3A_7 = vector.broadcast %broadcast_in_dim3A : f32 to vector<256x4096xf32>
    %slice3A = vector.extract_strided_slice %get3A_1 {offsets = [0, 0], sizes = [256, 1], strides = [1, 1]} : vector<256x4xi32> to vector<256x1xi32>
    %eq3A = vector.broadcast %slice3A : vector<256x1xi32> to vector<256x4096xi32>
    %eq3A_8 = arith.cmpi eq, %eq3A, %iota3A : vector<256x4096xi32>
    %slice3A_9 = vector.extract_strided_slice %get3A_6 {offsets = [0, 0], sizes = [256, 1], strides = [1, 1]} : vector<256x4xf32> to vector<256x1xf32>
    %jit3A = arith.constant 0.000000e+00 : f32
    %broadcast_in_dim3A_10 = vector.shape_cast %slice3A_9 : vector<256x1xf32> to vector<256x1xf32>
    %broadcast_in_dim3A_11 = vector.broadcast %broadcast_in_dim3A_10 : vector<256x1xf32> to vector<256x4096xf32>
    %broadcast_in_dim3A_12 = vector.broadcast %jit3A : f32 to vector<256x4096xf32>
    %select_n3A = arith.select %eq3A_8, %broadcast_in_dim3A_11, %broadcast_in_dim3A_12 : vector<256x4096xi1>, vector<256x4096xf32>
    %add3A = arith.addf %broadcast_in_dim3A_7, %select_n3A : vector<256x4096xf32>
    %slice3A_13 = vector.extract_strided_slice %get3A_1 {offsets = [0, 1], sizes = [256, 1], strides = [1, 1]} : vector<256x4xi32> to vector<256x1xi32>
    %eq3A_14 = vector.broadcast %slice3A_13 : vector<256x1xi32> to vector<256x4096xi32>
    %eq3A_15 = arith.cmpi eq, %eq3A_14, %iota3A : vector<256x4096xi32>
    %slice3A_16 = vector.extract_strided_slice %get3A_6 {offsets = [0, 1], sizes = [256, 1], strides = [1, 1]} : vector<256x4xf32> to vector<256x1xf32>
    %jit3A_17 = arith.constant 0.000000e+00 : f32
    %broadcast_in_dim3A_18 = vector.shape_cast %slice3A_16 : vector<256x1xf32> to vector<256x1xf32>
    %broadcast_in_dim3A_19 = vector.broadcast %broadcast_in_dim3A_18 : vector<256x1xf32> to vector<256x4096xf32>
    %broadcast_in_dim3A_20 = vector.broadcast %jit3A_17 : f32 to vector<256x4096xf32>
    %select_n3A_21 = arith.select %eq3A_15, %broadcast_in_dim3A_19, %broadcast_in_dim3A_20 : vector<256x4096xi1>, vector<256x4096xf32>
    %add3A_22 = arith.addf %add3A, %select_n3A_21 : vector<256x4096xf32>
    %slice3A_23 = vector.extract_strided_slice %get3A_1 {offsets = [0, 2], sizes = [256, 1], strides = [1, 1]} : vector<256x4xi32> to vector<256x1xi32>
    %eq3A_24 = vector.broadcast %slice3A_23 : vector<256x1xi32> to vector<256x4096xi32>
    %eq3A_25 = arith.cmpi eq, %eq3A_24, %iota3A : vector<256x4096xi32>
    %slice3A_26 = vector.extract_strided_slice %get3A_6 {offsets = [0, 2], sizes = [256, 1], strides = [1, 1]} : vector<256x4xf32> to vector<256x1xf32>
    %jit3A_27 = arith.constant 0.000000e+00 : f32
    %broadcast_in_dim3A_28 = vector.shape_cast %slice3A_26 : vector<256x1xf32> to vector<256x1xf32>
    %broadcast_in_dim3A_29 = vector.broadcast %broadcast_in_dim3A_28 : vector<256x1xf32> to vector<256x4096xf32>
    %broadcast_in_dim3A_30 = vector.broadcast %jit3A_27 : f32 to vector<256x4096xf32>
    %select_n3A_31 = arith.select %eq3A_25, %broadcast_in_dim3A_29, %broadcast_in_dim3A_30 : vector<256x4096xi1>, vector<256x4096xf32>
    %add3A_32 = arith.addf %add3A_22, %select_n3A_31 : vector<256x4096xf32>
    %slice3A_33 = vector.extract_strided_slice %get3A_1 {offsets = [0, 3], sizes = [256, 1], strides = [1, 1]} : vector<256x4xi32> to vector<256x1xi32>
    %eq3A_34 = vector.broadcast %slice3A_33 : vector<256x1xi32> to vector<256x4096xi32>
    %eq3A_35 = arith.cmpi eq, %eq3A_34, %iota3A : vector<256x4096xi32>
    %slice3A_36 = vector.extract_strided_slice %get3A_6 {offsets = [0, 3], sizes = [256, 1], strides = [1, 1]} : vector<256x4xf32> to vector<256x1xf32>
    %jit3A_37 = arith.constant 0.000000e+00 : f32
    %broadcast_in_dim3A_38 = vector.shape_cast %slice3A_36 : vector<256x1xf32> to vector<256x1xf32>
    %broadcast_in_dim3A_39 = vector.broadcast %broadcast_in_dim3A_38 : vector<256x1xf32> to vector<256x4096xf32>
    %broadcast_in_dim3A_40 = vector.broadcast %jit3A_37 : f32 to vector<256x4096xf32>
    %select_n3A_41 = arith.select %eq3A_35, %broadcast_in_dim3A_39, %broadcast_in_dim3A_40 : vector<256x4096xi1>, vector<256x4096xf32>
    %add3A_42 = arith.addf %add3A_32, %select_n3A_41 : vector<256x4096xf32>
    %swap3A = arith.constant 0 : index
    %swap3A_43 = arith.constant 0 : index
    %swap3A_44 = arith.constant 0 : index
    %swap3A_45 = arith.constant 0 : index
    %swap3A_46 = vector.load %arg4[%swap3A, %swap3A_43, %swap3A_44, %swap3A_45] : memref<1x1x256x4096xf32, #tpu.memory_space<vmem>>, vector<1x1x256x4096xf32>
    %swap3A_47 = vector.shape_cast %swap3A_46 : vector<1x1x256x4096xf32> to vector<256x4096xf32>
    %swap3A_48 = vector.shape_cast %add3A_42 : vector<256x4096xf32> to vector<1x1x256x4096xf32>
    tpu.vector_store %arg4[%swap3A, %swap3A_43, %swap3A_44, %swap3A_45], %swap3A_48 {strides = array<i32>} : memref<1x1x256x4096xf32, #tpu.memory_space<vmem>>, vector<1x1x256x4096xf32>,
    return
  }
  func.func @transform_0(%arg0: i32, %arg1: i32) -> (i32, i32) {
    %c0_i32 = arith.constant 0 : i32
    %c0_i32_0 = arith.constant 0 : i32
    return %arg1, %c0_i32 : i32, i32
  }
  func.func @transform_1(%arg0: i32, %arg1: i32) -> (i32, i32, i32) {
    %c0_i32 = arith.constant 0 : i32
    %c0_i32_0 = arith.constant 0 : i32
    return %arg0, %arg1, %c0_i32 : i32, i32, i32
  }
  func.func @transform_2(%arg0: i32, %arg1: i32) -> (i32, i32, i32, i32) {
    %c0_i32 = arith.constant 0 : i32
    %c0_i32_0 = arith.constant 0 : i32
    %c0_i32_1 = arith.constant 0 : i32
    return %c0_i32, %arg0, %arg1, %c0_i32_0 : i32, i32, i32, i32
  }
}

</mosaic_0001>

<sc_bundles>
// kernel: kernel.9.cloned.1.call-start
scs
__scs_entry_jumppad:
0x0: {  	(pc) =	sbr.rel $0x88, $3  }
0x1: {  	(tag) =	ssettag $0x0;
	lr =	simm.s32 $0x1  }
0x2: {  	[smem:$0x3F8E] =	sst lr;
	_ =	strace $0xD0000000  }
0x3: {  	_ = 	snop  }
0x4: {  	_ = 	snop  }
0x5: {  	_ = 	snop  }
0x6: {  	_ = 	snop  }
0x7: {  	_ = 	snop  }
__scs_overlays_trampoline_lowered:
0x8: {  	[smem:$0x3F9D] =	sst s0  }
0x9: {  	[smem:$0x3F9E] =	sst s1  }
0xa: {  	[smem:$0x3F9F] =	sst s2  }
0xb: {  	[smem:$0x3FA0] =	sst s3  }
0xc: {  	[smem:$0x3FA1] =	sst s4  }
0xd: {  	[smem:$0x3FA2] =	sst s5  }
0xe: {  	[smem:$0x3FA3] =	sst s6  }
0xf: {  	[smem:$0x3FA4] =	sst s7  }
0x10: {  	[smem:$0x3FA5] =	sst s8  }
0x11: {  	[smem:$0x3FA6] =	sst s9;
	s0 =	simm.s32 @!p0 $0x0  }
0x12: {  	s1 =	sld [smem:$0x3F8C];
	s0 =	simm.s32 @p0 $0x1  }
0x13: {  	[smem:$0x3FA7] =	sst s0;
	s0 =	simm.s32 @!p1 $0x0  }
0x14: {  	s2 =	sld [smem:$0x3F8B];
	s0 =	simm.s32 @p1 $0x1  }
0x15: {  	[smem:$0x3FA8] =	sst s0;
	s0 =	simm.s32 @!p2 $0x0  }
0x16: {  	s3 =	sld [smem:$0x3FDB];
	s0 =	simm.s32 @p2 $0x1  }
0x17: {  	s4 =	simm.s32 $0x1BF5;
	[smem:$0x3FAA] =	sst s0  }
0x18: {  	s0 =	sld [smem:$0x3F8D];
	_ =	swait.ge [sflag:s4], $0x0  }
0x19: {  	s7 =	sld [smem:$0x3F8E]  }
0x1a: {  	s8 =	sadd.s32 $0xFFFFE003, lr  }
0x1b: {  	s9 =	sadd.s32 $0xFFFFFEF7, lr;
	s5 =	simm.s32 $0xFFFFFFFF;
	p2 =	slt.u32 s8, $0xFFFFF086  }
0x1c: {  	p1 =	slt.u32 s9, $0xF7A;
	s5 =	simm.s32 @!p2 $0x0  }
0x1d: {  	s5 =	simm.s32 @p1 $0x1;
	p0 =	seq.s32 s7, s2  }
0x1e: {  	s7 =	smul.u32 @!p0 $0xF7A, s2;
	p2 =	seq.s32 @!p0 s5, $0x0  }
0x1f: {  	s9 =	smul.u32 $0xF7A, s1;
	s8 =	simm.s32 @!p0 $0x1BF5;
	p2 =	por !p2, p0  }
0x20: {  	[sflag:s8] =	ssyncset.s32 @!p0 $0xFFFFF086;
	s6 =	sadd.s32 @!p0 s3, s7;
	s7 =	simm.s32 @!p0 $0x108  }
0x21: {  	s3 =	sadd.s32 s3, s9;
	s6 =	sadd.s32 @!p0 $0x88, s6;
	s7 =	simm.s32 @p2 $0x1082  }
0x22: {  	[simem:s7], [sflag:s8] =	dma.local @!p0 [hbm:s6], $0xF7A  }
0x23: {  	s9 =	sor.u32 $0xD0000000, s2;
	s6 =	simm.s32 $0x108;
	_ =	swait.ge @!p0 [sflag:s8], $0x0  }
0x24: {  	s3 =	sadd.s32 $0x88, s3;
	s6 =	simm.s32 @!p1 $0x1082;
	[sflag:s4] =	ssyncset.s32 $0xFFFFF086  }
0x25: {  	[simem:s6], [sflag:s4] =	dma.local [hbm:s3], $0xF7A  }
0x26: {  	[smem:$0x3F8E] =	sst s1;
	(tag) =	ssettag s2;
	_ =	strace s9  }
0x27: {  	s1 =	sld [smem:$0x3F9E]  }
0x28: {  	s2 =	sld [smem:$0x3F9F]  }
0x29: {  	s4 =	sld [smem:$0x3FA1]  }
0x2a: {  	p0 =	seq.s32 s5, $0x0;
	s5 =	sld [smem:$0x3FA2]  }
0x2b: {  	s6 =	sld [smem:$0x3FA3]  }
0x2c: {  	s7 =	sld [smem:$0x3FA4]  }
0x2d: {  	s3 =	simm.s32 $0x108;
	s8 =	sld [smem:$0x3FA5]  }
0x2e: {  	s3 =	simm.s32 @!p0 $0x1082;
	s9 =	sld [smem:$0x3FA6]  }
0x2f: {  	lr =	sadd.s32 s0, s3;
	s0 =	sld [smem:$0x3F9D]  }
0x30: {  	s3 =	sld [smem:$0x3FA0]  }
0x31: {  	[smem:$0x3FA9] =	sst s10  }
0x32: {  	s10 =	sld [smem:$0x3FA7];
	_ =	sdelay $0x3  }
0x33: {  	p0 =	seq.s32 s10, $0x1;
	s10 =	sld [smem:$0x3FA9];
	_ =	sdelay $0x3  }
0x34: {  	[smem:$0x3FA9] =	sst s10  }
0x35: {  	s10 =	sld [smem:$0x3FA8];
	_ =	sdelay $0x3  }
0x36: {  	p1 =	seq.s32 s10, $0x1;
	s10 =	sld [smem:$0x3FA9];
	_ =	sdelay $0x3  }
0x37: {  	[smem:$0x3FA9] =	sst s10  }
0x38: {  	s10 =	sld [smem:$0x3FAA]  }
0x39: {  	_ = 	snop;
	(pc) =	sbr.ind lr, $3  }
0x3a: {  	_ = 	snop  }
0x3b: {  	_ = 	snop  }
0x3c: {  	p2 =	seq.s32 s10, $0x1;
	s10 =	sld [smem:$0x3FA9]  }
0x3d: {  	_ =	shalt  }
0x3e: {  	_ =	shalt  }
0x3f: {  	_ =	shalt  }
0x40: {  	_ =	shalt  }
0x41: {  	_ =	shalt  }
0x42: {  	_ =	shalt  }
0x43: {  	_ =	shalt  }
0x44: {  	_ =	shalt  }
0x45: {  	_ =	shalt  }
0x46: {  	_ =	shalt  }
0x47: {  	_ =	shalt  }
0x48: {  	_ =	shalt  }
0x49: {  	_ =	shalt  }
0x4a: {  	_ =	shalt  }
0x4b: {  	_ =	shalt  }
0x4c: {  	_ =	shalt  }
0x4d: {  	_ =	shalt  }
0x4e: {  	_ =	shalt  }
0x4f: {  	_ =	shalt  }
0x50: {  	_ =	shalt  }
0x51: {  	_ =	shalt  }
0x52: {  	_ =	shalt  }
0x53: {  	_ =	shalt  }
0x54: {  	_ =	shalt  }
0x55: {  	_ =	shalt  }
0x56: {  	_ =	shalt  }
0x57: {  	_ =	shalt  }
0x58: {  	_ =	shalt  }
0x59: {  	_ =	shalt  }
0x5a: {  	_ =	shalt  }
0x5b: {  	_ =	shalt  }
0x5c: {  	_ =	shalt  }
0x5d: {  	_ =	shalt  }
0x5e: {  	_ =	shalt  }
0x5f: {  	_ =	shalt  }
0x60: {  	_ =	shalt  }
0x61: {  	_ =	shalt  }
0x62: {  	_ =	shalt  }
0x63: {  	_ =	shalt  }
0x64: {  	_ =	shalt  }
0x65: {  	_ =	shalt  }
0x66: {  	_ =	shalt  }
0x67: {  	_ =	shalt  }
0x68: {  	_ =	shalt  }
0x69: {  	_ =	shalt  }
0x6a: {  	_ =	shalt  }
0x6b: {  	_ =	shalt  }
0x6c: {  	_ =	shalt  }
0x6d: {  	_ =	shalt  }
0x6e: {  	_ =	shalt  }
0x6f: {  	_ =	shalt  }
0x70: {  	_ =	shalt  }
0x71: {  	_ =	shalt  }
0x72: {  	_ =	shalt  }
0x73: {  	_ =	shalt  }
0x74: {  	_ =	shalt  }
0x75: {  	_ =	shalt  }
0x76: {  	_ =	shalt  }
0x77: {  	_ =	shalt  }
0x78: {  	_ =	shalt  }
0x79: {  	_ =	shalt  }
0x7a: {  	_ =	shalt  }
0x7b: {  	_ =	shalt  }
0x7c: {  	_ =	shalt  }
0x7d: {  	_ =	shalt  }
0x7e: {  	_ =	shalt  }
0x7f: {  	_ =	shalt  }
0x80: {  	_ =	shalt  }
0x81: {  	_ =	shalt  }
0x82: {  	_ =	shalt  }
0x83: {  	_ =	shalt  }
0x84: {  	_ =	shalt  }
0x85: {  	_ =	shalt  }
0x86: {  	_ =	shalt  }
0x87: {  	_ =	shalt  }
.Lfunc_end0:
.L_simem_size_0:
called_computation_lowered:
.L_overlay_start_0:
0x88: {  	s2 =	sld [smem:$0x3FD9]  }
0x89: {  	s3 =	sld [smem:$0x3FFE];
	_ =	sdelay $0x1  }
0x8a: {  	s1 =	srdreg.scid  }
0x8b: {  	s0 =	sand.u32 $0x1, s1  }
0x8c: {  	s14 =	sshll.u32 s0, $0xA;
	s2 =	sadd.s32 s3, s2  }
0x8d: {  	s2 =	sadd.s32 s2, s14  }
0x8e: {  	[smem:$0x3FB5] =	sst s2  }
0x8f: {  	_ = 	snop  }
0x90: {  	s2 =	sld [smem:$0x3FD0];
	_ =	sdelay $0x2  }
0x91: {  	s4 =	simm.s32 $0xA;
	s5 =	simm.s32 $0x10;
	s15 =	sld [smem:$0x3FC8]  }
0x92: {  	[smem:s5], [sflag:s4] =	dma.local [hbm:s2], $0x1  }
0x93: {  	_ =	swait.eq [sflag:s4], $0x1  }
0x94: {  	[sflag:s4] =	ssyncset.done $0x0  }
0x95: {  	[sflag:s4] =	ssyncadd.s32 $0xFFFFFFFF  }
0x96: {  	s16 =	sld [smem:$0x11];
	(tm) =	ssettm $0x1  }
0x97: {  	s17 =	sld [smem:$0x3FFB];
	_ =	sdelay $0x3  }
0x98: {  	_ =	strace s17  }
0x99: {  	s4 =	sld [smem:$0x3FFC];
	_ =	sdelay $0x3  }
0x9a: {  	_ =	strace s4  }
0x9b: {  	s4 =	sld [smem:$0x3FFD];
	_ =	sdelay $0x3  }
0x9c: {  	_ =	strace s4  }
0x9d: {  	_ =	strace $0x8FFFFFFF  }
0x9e: {  	s18 =	sld [smem:$0x3FDB];
	_ =	sdelay $0x1  }
0x9f: {  	s19 =	simm.s32 $_scs_section_size  }
0xa0: {  	s6 =	simm.s32 $_size__tile_overlayer_lowered;
	s7 =	simm.s32 $_tile_overlayer_lowered  }
0xa1: {  	s22 =	simm.s32 $0x1BFF;
	s21 =	sshll.u32 s7, $0x1;
	s4 =	sadd.s32 s19, s18  }
0xa2: {  	s8 =	simm.s32 $0x0;
	s20 =	sshll.u32 s6, $0x1;
	s6 =	sadd.s32 s21, s4  }
0xa3: {  	[timem:s8], [sflag:s22] =	dma.local [hbm:s6], s20  }
0xa4: {  	_ =	swait.ge [sflag:s22], s20  }
0xa5: {  	s5 =	ssub.s32 $0x0, s20;
	[sflag:s22] =	ssyncset.done $0x0  }
0xa6: {  	[sflag:s22] =	ssyncadd.s32 s5;
	_ =	sdelay $0x1  }
0xa7: {  	s23 =	simm.s32 $0x1B8B  }
0xa8: {  	_ =	swait.ge [sflag:s23], $0x1  }
0xa9: {  	[sflag:s23] =	ssyncset.done $0x0  }
0xaa: {  	s25 =	simm.s32 $0x1B8E;
	s24 =	sld [smem:$0x3FFE];
	[sflag:s23] =	ssyncadd.s32 $0xFFFFFFFF  }
0xab: {  	s26 =	simm.s32 $execute0_lowered;
	[smem:$0x3FD2] =	sst s25  }
0xac: {  	s6 =	sshll.u32 s26, $0x1;
	_ =	strace $0x80000046;
	[dreg:$0x1] =	wrdreg $0xFFFFFFFF  }
0xad: {  	s28 =	simm.s32 $_size_execute0_lowered;
	s4 =	sadd.s32 s4, s6;
	[dreg:$0x0] =	wrdreg $0x0  }
0xae: {  	s6 =	sshll.u32 s28, $0x1;
	[dreg:$0x2] =	wrdreg s4  }
0xaf: {  	[dreg:$0x3] =	wrdreg s6  }
0xb0: {  	[dreg:$0x4] =	wrdreg $0xC0  }
0xb1: {  	_ =	task [dreg:s8], $0x5FFFF  }
0xb2: {  	[dreg:$0x1] =	wrdreg $0xFFFFFFFF  }
0xb3: {  	[dreg:$0x0] =	wrdreg $0x60  }
0xb4: {  	[dreg:$0x2] =	wrdreg s16  }
0xb5: {  	[dreg:$0x3] =	wrdreg s15  }
0xb6: {  	[dreg:$0x4] =	wrdreg s24  }
0xb7: {  	[dreg:$0x5] =	wrdreg $0x9  }
0xb8: {  	_ =	task.clear_ibuf [dreg:s8], $0x6FFFF;
	_ =	strace $0x90000046  }
0xb9: {  	s29 =	simm.s32 $0x9;
	_ =	strace $0x80000048  }
0xba: {  	_ =	swait.ge [sflag:s29], $0x1  }
0xbb: {  	[sflag:s29] =	ssyncadd.s32 $0xFFFFFFFF  }
0xbc: {  	_ =	strace $0x90000048  }
0xbd: {  	_ =	sfence  }
0xbe: {  	s30 =	sld [smem:$0x0];
	_ =	sdelay $0x2  }
0xbf: {  	s31 =	sshll.u32 s1, $0xD;
	s1 =	sshrl.u32 s1, $0x2  }
0xc0: {  	s3 =	sand.u32 $0x4000, s31;
	s1 =	sadd.s32 s1, s30  }
0xc1: {  	s0 =	sor.u32 s3, s0;
	s1 =	sshll.u32 s1, $0x11  }
0xc2: {  	s0 =	sor.u32 s1, s0  }
0xc3: {  	s0 =	sadd.s32 $0x8F2B, s0  }
0xc4: {  	[sflag:s0] =	ssyncadd.remote.s32 $0x1  }
0xc5: {  	_ =	sfence.sel $0xFFFF  }
0xc6: {  	[dreg:$0x0] =	wrdreg $0xFFFFFFFF;
	(pc) =	sbr.abs _section_cstart, $3  }
0xc7: {  	[dreg:$0x1] =	wrdreg $0xFFFFFFFF  }
0xc8: {  	_ =	task.clear_ibuf [dreg:s8], $0x2FFFF;
	_ =	strace $0x9FFFFFFF  }
0xc9: {  	(tm) =	ssettm $0x7FFFFFFF  }
tec
execute0_lowered:
.L_overlay_start_1:
0x0: {  	(tag) =	ssettag $0x1  }
0x1: {  	s3 =	rddreg [dreg:$0x0]  }
0x2: {  	s1 =	rddreg [dreg:$0x1]  }
0x3: {  	s4 =	rddreg [dreg:$0x2];
	s2 =	simm.s32 $0x0  }
0x4: {  	s0 =	srdreg.scid;
	s16 =	simm.s32 $0x100;
	[smem:$0x7FF] =	sst s2  }
0x5: {  	s17 =	simm.s32 $0x180;
	_ =	strace $0x80000047;
	[dreg:$0xd] =	wrdreg s16  }
0x6: {  	s11 =	stileid.u32;
	s19 =	simm.s32 $0x200;
	[dreg:$0xe] =	wrdreg s17  }
0x7: {  	s20 =	simm.s32 $0x280;
	s21 =	simm.s32 $0x300;
	[dreg:$0xf] =	wrdreg s19  }
0x8: {  	s22 =	simm.s32 $0x380;
	s23 =	simm.s32 $0x400;
	[dreg:$0x10] =	wrdreg s20  }
0x9: {  	s24 =	simm.s32 $0x480;
	s25 =	simm.s32 $0x500;
	[dreg:$0x11] =	wrdreg s21  }
0xa: {  	s26 =	simm.s32 $0x580;
	s29 =	simm.s32 $0x600;
	[dreg:$0x12] =	wrdreg s22  }
0xb: {  	s30 =	simm.s32 $0x680;
	s31 =	simm.s32 $0x700;
	[dreg:$0x13] =	wrdreg s23  }
0xc: {  	s28 =	simm.s32 $0x980;
	p0 =	por $0x0, $0x0;
	[dreg:$0x14] =	wrdreg s24  }
0xd: {  	s0 =	sand.u32 $0x1, s0;
	s5 =	sshll.u32 s11, $0xD;
	[dreg:$0x15] =	wrdreg s25  }
0xe: {  	s6 =	sshll.u32 s0, $0xC;
	s0 =	ssub.s32 $0x2, s0;
	[dreg:$0x16] =	wrdreg s26  }
0xf: {  	s16 =	simm.s32 $0x780;
	s24 =	simm.s32 $0x800;
	s25 =	simm.s32 $0x880  }
0x10: {  	s26 =	simm.s32 $0x900;
	s20 =	simm.s32 $0xA00;
	s21 =	simm.s32 $0xA80  }
0x11: {  	s22 =	simm.s32 $0xB00;
	s23 =	simm.s32 $0xB80;
	s5 =	sor.u32 s6, s5  }
0x12: {  	s17 =	simm.s32 $0xC80;
	s6 =	sshll.u32 s5, $0x4;
	s5 =	sshrl.u32 s5, $0x3  }
0x13: {  	s19 =	simm.s32 $0xD80;
	s4 =	sadd.s32 s6, s4;
	s1 =	sadd.s32 s1, s5  }
0x14: {  	s18 =	sshrl.u32 s0, $0x1;
	[dreg:$0x4] =	wrdreg s1;
	s7 =	sadd.s32 $0x2800, s4  }
0x15: {  	s0 =	ssub.s32 s0, s18;
	s8 =	sadd.s32 $0x4800, s4;
	[dreg:$0x5] =	wrdreg s7  }
0x16: {  	s18 =	simm.s32 $0xD00;
	s9 =	sadd.s32 $0x6800, s4;
	[dreg:$0x6] =	wrdreg s8  }
0x17: {  	s0 =	smax.u32 s0, $0x1;
	s10 =	sadd.s32 $0x8800, s4;
	[dreg:$0x7] =	wrdreg s9  }
0x18: {  	s6 =	simm.s32 $0x80;
	s12 =	sadd.s32 $0xA800, s4;
	[dreg:$0x8] =	wrdreg s10  }
0x19: {  	s5 =	simm.s32 $0x1000;
	s13 =	sadd.s32 $0xC800, s4;
	[dreg:$0x9] =	wrdreg s12  }
0x1a: {  	s14 =	sadd.s32 $0xE800, s4;
	p1 =	sne.s32 s0, $0x1;
	[dreg:$0xa] =	wrdreg s13  }
.Ltmp0:
0x1b: {  	s15 =	sadd.s32 $0x10800, s4;
	[dreg:$0xb] =	wrdreg s14;
	(pc) =	sbr.rel @!p1 .LBB2_1-.Ltmp0, $4  }
0x1c: {  	s4 =	simm.s32 $0x2;
	s1 =	sadd.s32 $0xFFFFFFFF, s0;
	[dreg:$0xc] =	wrdreg s15  }
0x1d: {  	s8 =	simm.s32 $0x5000;
	s9 =	simm.s32 $0x9000;
	s10 =	simm.s32 $0xD000  }
0x1e: {  	s7 =	simm.s32 $0x1;
	s12 =	simm.s32 $0xE00;
	s13 =	simm.s32 $0xE80  }
0x1f: {  	s14 =	simm.s32 $0xF00;
	s15 =	simm.s32 $0xF80;
	s0 =	rddreg [dreg:$0x4]  }
0x20: {  	[tilespmem:s2], [sflag:$0x2] =	stream.linear.gather [hbm4b:s0+s2], $0x1000, $0x38;
	[tilespmem:$0x11000] =	vst v63  }
0x21: {  	_ =	swait.ge [sflag:s4], $0x1000  }
0x22: {  	[sflag:s4] =	ssyncset.done $0x0  }
0x23: {  	[sflag:s4] =	ssyncadd.s32 $0xFFFFF000  }
0x24: {  	[tilespmem:s5], [sflag:$0x1] =	stream.indirect.gather [hbm4b:s3+s6], $0x80, s2, s6, $0xb8;
	[tilespmem:$0x11000] =	vst v63  }
0x25: {  	_ = 	snop  }
0x26: {  	[tilespmem:s8], [sflag:$0x1] =	stream.indirect.gather [hbm4b:s3+s6], $0x80, s6, s6, $0xb8;
	[tilespmem:$0x11000] =	vst v63  }
0x27: {  	s0 =	rddreg [dreg:$0xd]  }
0x28: {  	[tilespmem:s9], [sflag:$0x1] =	stream.indirect.gather [hbm4b:s3+s6], $0x80, s0, s6, $0xb8;
	[tilespmem:$0x11000] =	vst v63  }
0x29: {  	s11 =	smov.u32 s1;
	s1 =	rddreg [dreg:$0xe]  }
0x2a: {  	[tilespmem:s10], [sflag:$0x1] =	stream.indirect.gather [hbm4b:s3+s6], $0x80, s1, s6, $0xb8;
	[tilespmem:$0x11000] =	vst v63  }
0x2b: {  	_ =	swait.ge [sflag:s7], $0x4000  }
0x2c: {  	[sflag:s7] =	ssyncset.done $0x0  }
0x2d: {  	[sflag:s7] =	ssyncadd.s32 $0xFFFFC000  }
0x2e: {  	_ =	swait.ge [sflag:s7], $0x4000  }
0x2f: {  	[sflag:s7] =	ssyncset.done $0x0  }
0x30: {  	[sflag:s7] =	ssyncadd.s32 $0xFFFFC000  }
0x31: {  	_ =	swait.ge [sflag:s7], $0x4000  }
0x32: {  	[sflag:s7] =	ssyncset.done $0x0  }
0x33: {  	[sflag:s7] =	ssyncadd.s32 $0xFFFFC000  }
0x34: {  	_ =	swait.ge [sflag:s7], $0x4000  }
0x35: {  	[sflag:s7] =	ssyncset.done $0x0  }
0x36: {  	s1 =	rddreg [dreg:$0x5];
	[sflag:s7] =	ssyncadd.s32 $0xFFFFC000  }
0x37: {  	[hbm4b:s1+s2] =	stream.linear.scatter [tilespmem:s5], [sflag:$0x2], $0x10000, $0x38;
	[tilespmem:$0x11000] =	vst v63  }
0x38: {  	_ =	swait.ge [sflag:s4], $0x10000  }
0x39: {  	[sflag:s4] =	ssyncset.done $0x0  }
0x3a: {  	s0 =	rddreg [dreg:$0xf];
	[sflag:s4] =	ssyncadd.s32 $0xFFFF0000  }
0x3b: {  	[tilespmem:s5], [sflag:$0x1] =	stream.indirect.gather [hbm4b:s3+s6], $0x80, s0, s6, $0xb8;
	[tilespmem:$0x11000] =	vst v63  }
0x3c: {  	s1 =	rddreg [dreg:$0x10]  }
0x3d: {  	[tilespmem:s8], [sflag:$0x1] =	stream.indirect.gather [hbm4b:s3+s6], $0x80, s1, s6, $0xb8;
	[tilespmem:$0x11000] =	vst v63  }
0x3e: {  	s0 =	rddreg [dreg:$0x11]  }
0x3f: {  	[tilespmem:s9], [sflag:$0x1] =	stream.indirect.gather [hbm4b:s3+s6], $0x80, s0, s6, $0xb8;
	[tilespmem:$0x11000] =	vst v63  }
0x40: {  	s1 =	rddreg [dreg:$0x12]  }
0x41: {  	[tilespmem:s10], [sflag:$0x1] =	stream.indirect.gather [hbm4b:s3+s6], $0x80, s1, s6, $0xb8;
	[tilespmem:$0x11000] =	vst v63  }
0x42: {  	_ =	swait.ge [sflag:s7], $0x4000  }
0x43: {  	[sflag:s7] =	ssyncset.done $0x0  }
0x44: {  	[sflag:s7] =	ssyncadd.s32 $0xFFFFC000  }
0x45: {  	_ =	swait.ge [sflag:s7], $0x4000  }
0x46: {  	[sflag:s7] =	ssyncset.done $0x0  }
0x47: {  	[sflag:s7] =	ssyncadd.s32 $0xFFFFC000  }
0x48: {  	_ =	swait.ge [sflag:s7], $0x4000  }
0x49: {  	[sflag:s7] =	ssyncset.done $0x0  }
0x4a: {  	[sflag:s7] =	ssyncadd.s32 $0xFFFFC000  }
0x4b: {  	_ =	swait.ge [sflag:s7], $0x4000  }
0x4c: {  	[sflag:s7] =	ssyncset.done $0x0  }
0x4d: {  	s1 =	rddreg [dreg:$0x6];
	[sflag:s7] =	ssyncadd.s32 $0xFFFFC000  }
0x4e: {  	[hbm4b:s1+s2] =	stream.linear.scatter [tilespmem:s5], [sflag:$0x2], $0x10000, $0x38;
	[tilespmem:$0x11000] =	vst v63  }
0x4f: {  	_ =	swait.ge [sflag:s4], $0x10000  }
0x50: {  	[sflag:s4] =	ssyncset.done $0x0  }
0x51: {  	s0 =	rddreg [dreg:$0x13];
	[sflag:s4] =	ssyncadd.s32 $0xFFFF0000  }
0x52: {  	[tilespmem:s5], [sflag:$0x1] =	stream.indirect.gather [hbm4b:s3+s6], $0x80, s0, s6, $0xb8;
	[tilespmem:$0x11000] =	vst v63  }
0x53: {  	s1 =	rddreg [dreg:$0x14]  }
0x54: {  	[tilespmem:s8], [sflag:$0x1] =	stream.indirect.gather [hbm4b:s3+s6], $0x80, s1, s6, $0xb8;
	[tilespmem:$0x11000] =	vst v63  }
0x55: {  	s0 =	rddreg [dreg:$0x15]  }
0x56: {  	[tilespmem:s9], [sflag:$0x1] =	stream.indirect.gather [hbm4b:s3+s6], $0x80, s0, s6, $0xb8;
	[tilespmem:$0x11000] =	vst v63  }
0x57: {  	s1 =	rddreg [dreg:$0x16]  }
0x58: {  	[tilespmem:s10], [sflag:$0x1] =	stream.indirect.gather [hbm4b:s3+s6], $0x80, s1, s6, $0xb8;
	[tilespmem:$0x11000] =	vst v63  }
0x59: {  	_ =	swait.ge [sflag:s7], $0x4000  }
0x5a: {  	[sflag:s7] =	ssyncset.done $0x0  }
0x5b: {  	[sflag:s7] =	ssyncadd.s32 $0xFFFFC000  }
0x5c: {  	_ =	swait.ge [sflag:s7], $0x4000  }
0x5d: {  	[sflag:s7] =	ssyncset.done $0x0  }
0x5e: {  	[sflag:s7] =	ssyncadd.s32 $0xFFFFC000  }
0x5f: {  	_ =	swait.ge [sflag:s7], $0x4000  }
0x60: {  	[sflag:s7] =	ssyncset.done $0x0  }
0x61: {  	[sflag:s7] =	ssyncadd.s32 $0xFFFFC000  }
0x62: {  	_ =	swait.ge [sflag:s7], $0x4000  }
0x63: {  	[sflag:s7] =	ssyncset.done $0x0  }
0x64: {  	s1 =	rddreg [dreg:$0x7];
	[sflag:s7] =	ssyncadd.s32 $0xFFFFC000  }
0x65: {  	[hbm4b:s1+s2] =	stream.linear.scatter [tilespmem:s5], [sflag:$0x2], $0x10000, $0x38;
	[tilespmem:$0x11000] =	vst v63  }
0x66: {  	_ =	swait.ge [sflag:s4], $0x10000  }
0x67: {  	[sflag:s4] =	ssyncset.done $0x0  }
0x68: {  	[sflag:s4] =	ssyncadd.s32 $0xFFFF0000  }
0x69: {  	[tilespmem:s5], [sflag:$0x1] =	stream.indirect.gather [hbm4b:s3+s6], $0x80, s29, s6, $0xb8;
	[tilespmem:$0x11000] =	vst v63  }
0x6a: {  	_ = 	snop  }
0x6b: {  	[tilespmem:s8], [sflag:$0x1] =	stream.indirect.gather [hbm4b:s3+s6], $0x80, s30, s6, $0xb8;
	[tilespmem:$0x11000] =	vst v63  }
0x6c: {  	_ = 	snop  }
0x6d: {  	[tilespmem:s9], [sflag:$0x1] =	stream.indirect.gather [hbm4b:s3+s6], $0x80, s31, s6, $0xb8;
	[tilespmem:$0x11000] =	vst v63  }
0x6e: {  	_ = 	snop  }
0x6f: {  	[tilespmem:s10], [sflag:$0x1] =	stream.indirect.gather [hbm4b:s3+s6], $0x80, s16, s6, $0xb8;
	[tilespmem:$0x11000] =	vst v63  }
0x70: {  	_ =	swait.ge [sflag:s7], $0x4000  }
0x71: {  	[sflag:s7] =	ssyncset.done $0x0  }
0x72: {  	[sflag:s7] =	ssyncadd.s32 $0xFFFFC000  }
0x73: {  	_ =	swait.ge [sflag:s7], $0x4000  }
0x74: {  	[sflag:s7] =	ssyncset.done $0x0  }
0x75: {  	[sflag:s7] =	ssyncadd.s32 $0xFFFFC000  }
0x76: {  	_ =	swait.ge [sflag:s7], $0x4000  }
0x77: {  	[sflag:s7] =	ssyncset.done $0x0  }
0x78: {  	[sflag:s7] =	ssyncadd.s32 $0xFFFFC000  }
0x79: {  	_ =	swait.ge [sflag:s7], $0x4000  }
0x7a: {  	[sflag:s7] =	ssyncset.done $0x0  }
0x7b: {  	s1 =	rddreg [dreg:$0x8];
	[sflag:s7] =	ssyncadd.s32 $0xFFFFC000  }
0x7c: {  	[hbm4b:s1+s2] =	stream.linear.scatter [tilespmem:s5], [sflag:$0x2], $0x10000, $0x38;
	[tilespmem:$0x11000] =	vst v63  }
0x7d: {  	_ =	swait.ge [sflag:s4], $0x10000  }
0x7e: {  	[sflag:s4] =	ssyncset.done $0x0  }
0x7f: {  	[sflag:s4] =	ssyncadd.s32 $0xFFFF0000  }
0x80: {  	[tilespmem:s5], [sflag:$0x1] =	stream.indirect.gather [hbm4b:s3+s6], $0x80, s24, s6, $0xb8;
	[tilespmem:$0x11000] =	vst v63  }
0x81: {  	_ = 	snop  }
0x82: {  	[tilespmem:s8], [sflag:$0x1] =	stream.indirect.gather [hbm4b:s3+s6], $0x80, s25, s6, $0xb8;
	[tilespmem:$0x11000] =	vst v63  }
0x83: {  	_ = 	snop  }
0x84: {  	[tilespmem:s9], [sflag:$0x1] =	stream.indirect.gather [hbm4b:s3+s6], $0x80, s26, s6, $0xb8;
	[tilespmem:$0x11000] =	vst v63  }
0x85: {  	_ = 	snop  }
0x86: {  	[tilespmem:s10], [sflag:$0x1] =	stream.indirect.gather [hbm4b:s3+s6], $0x80, s28, s6, $0xb8;
	[tilespmem:$0x11000] =	vst v63  }
0x87: {  	_ =	swait.ge [sflag:s7], $0x4000  }
0x88: {  	[sflag:s7] =	ssyncset.done $0x0  }
0x89: {  	[sflag:s7] =	ssyncadd.s32 $0xFFFFC000  }
0x8a: {  	_ =	swait.ge [sflag:s7], $0x4000  }
0x8b: {  	[sflag:s7] =	ssyncset.done $0x0  }
0x8c: {  	[sflag:s7] =	ssyncadd.s32 $0xFFFFC000  }
0x8d: {  	_ =	swait.ge [sflag:s7], $0x4000  }
0x8e: {  	[sflag:s7] =	ssyncset.done $0x0  }
0x8f: {  	[sflag:s7] =	ssyncadd.s32 $0xFFFFC000  }
0x90: {  	_ =	swait.ge [sflag:s7], $0x4000  }
0x91: {  	[sflag:s7] =	ssyncset.done $0x0  }
0x92: {  	s1 =	rddreg [dreg:$0x9];
	[sflag:s7] =	ssyncadd.s32 $0xFFFFC000  }
0x93: {  	[hbm4b:s1+s2] =	stream.linear.scatter [tilespmem:s5], [sflag:$0x2], $0x10000, $0x38;
	[tilespmem:$0x11000] =	vst v63  }
0x94: {  	_ =	swait.ge [sflag:s4], $0x10000  }
0x95: {  	[sflag:s4] =	ssyncset.done $0x0  }
0x96: {  	[sflag:s4] =	ssyncadd.s32 $0xFFFF0000  }
0x97: {  	[tilespmem:s5], [sflag:$0x1] =	stream.indirect.gather [hbm4b:s3+s6], $0x80, s20, s6, $0xb8;
	[tilespmem:$0x11000] =	vst v63  }
0x98: {  	_ = 	snop  }
0x99: {  	[tilespmem:s8], [sflag:$0x1] =	stream.indirect.gather [hbm4b:s3+s6], $0x80, s21, s6, $0xb8;
	[tilespmem:$0x11000] =	vst v63  }
0x9a: {  	_ = 	snop  }
0x9b: {  	[tilespmem:s9], [sflag:$0x1] =	stream.indirect.gather [hbm4b:s3+s6], $0x80, s22, s6, $0xb8;
	[tilespmem:$0x11000] =	vst v63  }
0x9c: {  	_ = 	snop  }
0x9d: {  	[tilespmem:s10], [sflag:$0x1] =	stream.indirect.gather [hbm4b:s3+s6], $0x80, s23, s6, $0xb8;
	[tilespmem:$0x11000] =	vst v63  }
0x9e: {  	_ =	swait.ge [sflag:s7], $0x4000  }
0x9f: {  	[sflag:s7] =	ssyncset.done $0x0  }
0xa0: {  	[sflag:s7] =	ssyncadd.s32 $0xFFFFC000  }
0xa1: {  	_ =	swait.ge [sflag:s7], $0x4000  }
0xa2: {  	[sflag:s7] =	ssyncset.done $0x0  }
0xa3: {  	[sflag:s7] =	ssyncadd.s32 $0xFFFFC000  }
0xa4: {  	_ =	swait.ge [sflag:s7], $0x4000  }
0xa5: {  	[sflag:s7] =	ssyncset.done $0x0  }
0xa6: {  	[sflag:s7] =	ssyncadd.s32 $0xFFFFC000  }
0xa7: {  	_ =	swait.ge [sflag:s7], $0x4000  }
0xa8: {  	[sflag:s7] =	ssyncset.done $0x0  }
0xa9: {  	s1 =	rddreg [dreg:$0xa];
	[sflag:s7] =	ssyncadd.s32 $0xFFFFC000  }
0xaa: {  	[hbm4b:s1+s2] =	stream.linear.scatter [tilespmem:s5], [sflag:$0x2], $0x10000, $0x38;
	[tilespmem:$0x11000] =	vst v63  }
0xab: {  	_ =	swait.ge [sflag:s4], $0x10000  }
0xac: {  	[sflag:s4] =	ssyncset.done $0x0  }
0xad: {  	s1 =	simm.s32 $0xC00;
	[sflag:s4] =	ssyncadd.s32 $0xFFFF0000  }
0xae: {  	[tilespmem:s5], [sflag:$0x1] =	stream.indirect.gather [hbm4b:s3+s6], $0x80, s1, s6, $0xb8;
	[tilespmem:$0x11000] =	vst v63  }
0xaf: {  	_ = 	snop  }
0xb0: {  	[tilespmem:s8], [sflag:$0x1] =	stream.indirect.gather [hbm4b:s3+s6], $0x80, s17, s6, $0xb8;
	[tilespmem:$0x11000] =	vst v63  }
0xb1: {  	_ = 	snop  }
0xb2: {  	[tilespmem:s9], [sflag:$0x1] =	stream.indirect.gather [hbm4b:s3+s6], $0x80, s18, s6, $0xb8;
	[tilespmem:$0x11000] =	vst v63  }
0xb3: {  	_ = 	snop  }
0xb4: {  	[tilespmem:s10], [sflag:$0x1] =	stream.indirect.gather [hbm4b:s3+s6], $0x80, s19, s6, $0xb8;
	[tilespmem:$0x11000] =	vst v63  }
0xb5: {  	_ =	swait.ge [sflag:s7], $0x4000  }
0xb6: {  	[sflag:s7] =	ssyncset.done $0x0  }
0xb7: {  	[sflag:s7] =	ssyncadd.s32 $0xFFFFC000  }
0xb8: {  	_ =	swait.ge [sflag:s7], $0x4000  }
0xb9: {  	[sflag:s7] =	ssyncset.done $0x0  }
0xba: {  	[sflag:s7] =	ssyncadd.s32 $0xFFFFC000  }
0xbb: {  	_ =	swait.ge [sflag:s7], $0x4000  }
0xbc: {  	[sflag:s7] =	ssyncset.done $0x0  }
0xbd: {  	[sflag:s7] =	ssyncadd.s32 $0xFFFFC000  }
0xbe: {  	_ =	swait.ge [sflag:s7], $0x4000  }
0xbf: {  	[sflag:s7] =	ssyncset.done $0x0  }
0xc0: {  	s1 =	rddreg [dreg:$0xb];
	[sflag:s7] =	ssyncadd.s32 $0xFFFFC000  }
0xc1: {  	[hbm4b:s1+s2] =	stream.linear.scatter [tilespmem:s5], [sflag:$0x2], $0x10000, $0x38;
	[tilespmem:$0x11000] =	vst v63  }
0xc2: {  	_ =	swait.ge [sflag:s4], $0x10000  }
0xc3: {  	[sflag:s4] =	ssyncset.done $0x0  }
0xc4: {  	[sflag:s4] =	ssyncadd.s32 $0xFFFF0000  }
0xc5: {  	[tilespmem:s5], [sflag:$0x1] =	stream.indirect.gather [hbm4b:s3+s6], $0x80, s12, s6, $0xb8;
	[tilespmem:$0x11000] =	vst v63  }
0xc6: {  	_ = 	snop  }
0xc7: {  	[tilespmem:s8], [sflag:$0x1] =	stream.indirect.gather [hbm4b:s3+s6], $0x80, s13, s6, $0xb8;
	[tilespmem:$0x11000] =	vst v63  }
0xc8: {  	_ = 	snop  }
0xc9: {  	[tilespmem:s9], [sflag:$0x1] =	stream.indirect.gather [hbm4b:s3+s6], $0x80, s14, s6, $0xb8;
	[tilespmem:$0x11000] =	vst v63  }
0xca: {  	_ = 	snop  }
0xcb: {  	[tilespmem:s10], [sflag:$0x1] =	stream.indirect.gather [hbm4b:s3+s6], $0x80, s15, s6, $0xb8;
	[tilespmem:$0x11000] =	vst v63  }
0xcc: {  	_ =	swait.ge [sflag:s7], $0x4000  }
0xcd: {  	[sflag:s7] =	ssyncset.done $0x0  }
0xce: {  	[sflag:s7] =	ssyncadd.s32 $0xFFFFC000  }
0xcf: {  	_ =	swait.ge [sflag:s7], $0x4000  }
0xd0: {  	[sflag:s7] =	ssyncset.done $0x0  }
0xd1: {  	[sflag:s7] =	ssyncadd.s32 $0xFFFFC000  }
0xd2: {  	_ =	swait.ge [sflag:s7], $0x4000  }
0xd3: {  	[sflag:s7] =	ssyncset.done $0x0  }
0xd4: {  	[sflag:s7] =	ssyncadd.s32 $0xFFFFC000  }
0xd5: {  	p1 =	sne.s32 s11, $0x1;
	_ =	swait.ge [sflag:s7], $0x4000  }
.Ltmp1:
0xd6: {  	[sflag:s7] =	ssyncset.done $0x0;
	(pc) =	sbr.rel @!p1 .LBB2_3-.Ltmp1, $4  }
0xd7: {  	s1 =	rddreg [dreg:$0xc];
	[sflag:s7] =	ssyncadd.s32 $0xFFFFC000  }
0xd8: {  	[hbm4b:s1+s2] =	stream.linear.scatter [tilespmem:s5], [sflag:$0x2], $0x10000, $0x38;
	[tilespmem:$0x11000] =	vst v63  }
0xd9: {  	p0 =	por $0x1, $0x1;
	_ =	swait.ge [sflag:s4], $0x10000  }
0xda: {  	s1 =	sadd.s32 $0xFFFFFFFF, s11;
	s0 =	rddreg [dreg:$0x4];
	[sflag:s4] =	ssyncset.done $0x0  }
.LBB2_4:
0xdb: {  	[sflag:s4] =	ssyncadd.s32 $0xFFFF0000  }
0xdc: {  	[tilespmem:s2], [sflag:$0x2] =	stream.linear.gather [hbm4b:s0+s2], $0x1000, $0x38;
	[tilespmem:$0x11000] =	vst v63  }
0xdd: {  	_ =	swait.ge [sflag:s4], $0x1000  }
0xde: {  	[sflag:s4] =	ssyncset.done $0x0  }
0xdf: {  	[sflag:s4] =	ssyncadd.s32 $0xFFFFF000  }
0xe0: {  	[tilespmem:s5], [sflag:$0x1] =	stream.indirect.gather [hbm4b:s3+s6], $0x80, s2, s6, $0xb8;
	[tilespmem:$0x11000] =	vst v63  }
0xe1: {  	_ = 	snop  }
0xe2: {  	[tilespmem:s8], [sflag:$0x1] =	stream.indirect.gather [hbm4b:s3+s6], $0x80, s6, s6, $0xb8;
	[tilespmem:$0x11000] =	vst v63  }
0xe3: {  	s0 =	rddreg [dreg:$0xd]  }
0xe4: {  	[tilespmem:s9], [sflag:$0x1] =	stream.indirect.gather [hbm4b:s3+s6], $0x80, s0, s6, $0xb8;
	[tilespmem:$0x11000] =	vst v63  }
0xe5: {  	s11 =	rddreg [dreg:$0xe]  }
0xe6: {  	[tilespmem:s10], [sflag:$0x1] =	stream.indirect.gather [hbm4b:s3+s6], $0x80, s11, s6, $0xb8;
	[tilespmem:$0x11000] =	vst v63  }
0xe7: {  	_ =	swait.ge [sflag:s7], $0x4000  }
0xe8: {  	[sflag:s7] =	ssyncset.done $0x0  }
0xe9: {  	[sflag:s7] =	ssyncadd.s32 $0xFFFFC000  }
0xea: {  	_ =	swait.ge [sflag:s7], $0x4000  }
0xeb: {  	[sflag:s7] =	ssyncset.done $0x0  }
0xec: {  	[sflag:s7] =	ssyncadd.s32 $0xFFFFC000  }
0xed: {  	_ =	swait.ge [sflag:s7], $0x4000  }
0xee: {  	[sflag:s7] =	ssyncset.done $0x0  }
0xef: {  	[sflag:s7] =	ssyncadd.s32 $0xFFFFC000  }
0xf0: {  	_ =	swait.ge [sflag:s7], $0x4000  }
0xf1: {  	[sflag:s7] =	ssyncset.done $0x0  }
0xf2: {  	s11 =	rddreg [dreg:$0x5];
	[sflag:s7] =	ssyncadd.s32 $0xFFFFC000  }
0xf3: {  	[hbm4b:s11+s2] =	stream.linear.scatter [tilespmem:s5], [sflag:$0x2], $0x10000, $0x38;
	[tilespmem:$0x11000] =	vst v63  }
0xf4: {  	_ =	swait.ge [sflag:s4], $0x10000  }
0xf5: {  	[sflag:s4] =	ssyncset.done $0x0  }
0xf6: {  	s0 =	rddreg [dreg:$0xf];
	[sflag:s4] =	ssyncadd.s32 $0xFFFF0000  }
0xf7: {  	[tilespmem:s5], [sflag:$0x1] =	stream.indirect.gather [hbm4b:s3+s6], $0x80, s0, s6, $0xb8;
	[tilespmem:$0x11000] =	vst v63  }
0xf8: {  	s11 =	rddreg [dreg:$0x10]  }
0xf9: {  	[tilespmem:s8], [sflag:$0x1] =	stream.indirect.gather [hbm4b:s3+s6], $0x80, s11, s6, $0xb8;
	[tilespmem:$0x11000] =	vst v63  }
0xfa: {  	s0 =	rddreg [dreg:$0x11]  }
0xfb: {  	[tilespmem:s9], [sflag:$0x1] =	stream.indirect.gather [hbm4b:s3+s6], $0x80, s0, s6, $0xb8;
	[tilespmem:$0x11000] =	vst v63  }
0xfc: {  	s11 =	rddreg [dreg:$0x12]  }
0xfd: {  	[tilespmem:s10], [sflag:$0x1] =	stream.indirect.gather [hbm4b:s3+s6], $0x80, s11, s6, $0xb8;
	[tilespmem:$0x11000] =	vst v63  }
0xfe: {  	_ =	swait.ge [sflag:s7], $0x4000  }
0xff: {  	[sflag:s7] =	ssyncset.done $0x0  }
0x100: {  	[sflag:s7] =	ssyncadd.s32 $0xFFFFC000  }
0x101: {  	_ =	swait.ge [sflag:s7], $0x4000  }
0x102: {  	[sflag:s7] =	ssyncset.done $0x0  }
0x103: {  	[sflag:s7] =	ssyncadd.s32 $0xFFFFC000  }
0x104: {  	_ =	swait.ge [sflag:s7], $0x4000  }
0x105: {  	[sflag:s7] =	ssyncset.done $0x0  }
0x106: {  	[sflag:s7] =	ssyncadd.s32 $0xFFFFC000  }
0x107: {  	_ =	swait.ge [sflag:s7], $0x4000  }
0x108: {  	[sflag:s7] =	ssyncset.done $0x0  }
0x109: {  	s11 =	rddreg [dreg:$0x6];
	[sflag:s7] =	ssyncadd.s32 $0xFFFFC000  }
0x10a: {  	[hbm4b:s11+s2] =	stream.linear.scatter [tilespmem:s5], [sflag:$0x2], $0x10000, $0x38;
	[tilespmem:$0x11000] =	vst v63  }
0x10b: {  	_ =	swait.ge [sflag:s4], $0x10000  }
0x10c: {  	[sflag:s4] =	ssyncset.done $0x0  }
0x10d: {  	s0 =	rddreg [dreg:$0x13];
	[sflag:s4] =	ssyncadd.s32 $0xFFFF0000  }
0x10e: {  	[tilespmem:s5], [sflag:$0x1] =	stream.indirect.gather [hbm4b:s3+s6], $0x80, s0, s6, $0xb8;
	[tilespmem:$0x11000] =	vst v63  }
0x10f: {  	s11 =	rddreg [dreg:$0x14]  }
0x110: {  	[tilespmem:s8], [sflag:$0x1] =	stream.indirect.gather [hbm4b:s3+s6], $0x80, s11, s6, $0xb8;
	[tilespmem:$0x11000] =	vst v63  }
0x111: {  	s0 =	rddreg [dreg:$0x15]  }
0x112: {  	[tilespmem:s9], [sflag:$0x1] =	stream.indirect.gather [hbm4b:s3+s6], $0x80, s0, s6, $0xb8;
	[tilespmem:$0x11000] =	vst v63  }
0x113: {  	s11 =	rddreg [dreg:$0x16]  }
0x114: {  	[tilespmem:s10], [sflag:$0x1] =	stream.indirect.gather [hbm4b:s3+s6], $0x80, s11, s6, $0xb8;
	[tilespmem:$0x11000] =	vst v63  }
0x115: {  	_ =	swait.ge [sflag:s7], $0x4000  }
0x116: {  	[sflag:s7] =	ssyncset.done $0x0  }
0x117: {  	[sflag:s7] =	ssyncadd.s32 $0xFFFFC000  }
0x118: {  	_ =	swait.ge [sflag:s7], $0x4000  }
0x119: {  	[sflag:s7] =	ssyncset.done $0x0  }
0x11a: {  	[sflag:s7] =	ssyncadd.s32 $0xFFFFC000  }
0x11b: {  	_ =	swait.ge [sflag:s7], $0x4000  }
0x11c: {  	[sflag:s7] =	ssyncset.done $0x0  }
0x11d: {  	[sflag:s7] =	ssyncadd.s32 $0xFFFFC000  }
0x11e: {  	_ =	swait.ge [sflag:s7], $0x4000  }
0x11f: {  	[sflag:s7] =	ssyncset.done $0x0  }
0x120: {  	s11 =	rddreg [dreg:$0x7];
	[sflag:s7] =	ssyncadd.s32 $0xFFFFC000  }
0x121: {  	[hbm4b:s11+s2] =	stream.linear.scatter [tilespmem:s5], [sflag:$0x2], $0x10000, $0x38;
	[tilespmem:$0x11000] =	vst v63  }
0x122: {  	_ =	swait.ge [sflag:s4], $0x10000  }
0x123: {  	[sflag:s4] =	ssyncset.done $0x0  }
0x124: {  	[sflag:s4] =	ssyncadd.s32 $0xFFFF0000  }
0x125: {  	[tilespmem:s5], [sflag:$0x1] =	stream.indirect.gather [hbm4b:s3+s6], $0x80, s29, s6, $0xb8;
	[tilespmem:$0x11000] =	vst v63  }
0x126: {  	_ = 	snop  }
0x127: {  	[tilespmem:s8], [sflag:$0x1] =	stream.indirect.gather [hbm4b:s3+s6], $0x80, s30, s6, $0xb8;
	[tilespmem:$0x11000] =	vst v63  }
0x128: {  	_ = 	snop  }
0x129: {  	[tilespmem:s9], [sflag:$0x1] =	stream.indirect.gather [hbm4b:s3+s6], $0x80, s31, s6, $0xb8;
	[tilespmem:$0x11000] =	vst v63  }
0x12a: {  	_ = 	snop  }
0x12b: {  	[tilespmem:s10], [sflag:$0x1] =	stream.indirect.gather [hbm4b:s3+s6], $0x80, s16, s6, $0xb8;
	[tilespmem:$0x11000] =	vst v63  }
0x12c: {  	_ =	swait.ge [sflag:s7], $0x4000  }
0x12d: {  	[sflag:s7] =	ssyncset.done $0x0  }
0x12e: {  	[sflag:s7] =	ssyncadd.s32 $0xFFFFC000  }
0x12f: {  	_ =	swait.ge [sflag:s7], $0x4000  }
0x130: {  	[sflag:s7] =	ssyncset.done $0x0  }
0x131: {  	[sflag:s7] =	ssyncadd.s32 $0xFFFFC000  }
0x132: {  	_ =	swait.ge [sflag:s7], $0x4000  }
0x133: {  	[sflag:s7] =	ssyncset.done $0x0  }
0x134: {  	[sflag:s7] =	ssyncadd.s32 $0xFFFFC000  }
0x135: {  	_ =	swait.ge [sflag:s7], $0x4000  }
0x136: {  	[sflag:s7] =	ssyncset.done $0x0  }
0x137: {  	s11 =	rddreg [dreg:$0x8];
	[sflag:s7] =	ssyncadd.s32 $0xFFFFC000  }
0x138: {  	[hbm4b:s11+s2] =	stream.linear.scatter [tilespmem:s5], [sflag:$0x2], $0x10000, $0x38;
	[tilespmem:$0x11000] =	vst v63  }
0x139: {  	_ =	swait.ge [sflag:s4], $0x10000  }
0x13a: {  	[sflag:s4] =	ssyncset.done $0x0  }
0x13b: {  	[sflag:s4] =	ssyncadd.s32 $0xFFFF0000  }
0x13c: {  	[tilespmem:s5], [sflag:$0x1] =	stream.indirect.gather [hbm4b:s3+s6], $0x80, s24, s6, $0xb8;
	[tilespmem:$0x11000] =	vst v63  }
0x13d: {  	_ = 	snop  }
0x13e: {  	[tilespmem:s8], [sflag:$0x1] =	stream.indirect.gather [hbm4b:s3+s6], $0x80, s25, s6, $0xb8;
	[tilespmem:$0x11000] =	vst v63  }
0x13f: {  	_ = 	snop  }
0x140: {  	[tilespmem:s9], [sflag:$0x1] =	stream.indirect.gather [hbm4b:s3+s6], $0x80, s26, s6, $0xb8;
	[tilespmem:$0x11000] =	vst v63  }
0x141: {  	_ = 	snop  }
0x142: {  	[tilespmem:s10], [sflag:$0x1] =	stream.indirect.gather [hbm4b:s3+s6], $0x80, s28, s6, $0xb8;
	[tilespmem:$0x11000] =	vst v63  }
0x143: {  	_ =	swait.ge [sflag:s7], $0x4000  }
0x144: {  	[sflag:s7] =	ssyncset.done $0x0  }
0x145: {  	[sflag:s7] =	ssyncadd.s32 $0xFFFFC000  }
0x146: {  	_ =	swait.ge [sflag:s7], $0x4000  }
0x147: {  	[sflag:s7] =	ssyncset.done $0x0  }
0x148: {  	[sflag:s7] =	ssyncadd.s32 $0xFFFFC000  }
0x149: {  	_ =	swait.ge [sflag:s7], $0x4000  }
0x14a: {  	[sflag:s7] =	ssyncset.done $0x0  }
0x14b: {  	[sflag:s7] =	ssyncadd.s32 $0xFFFFC000  }
0x14c: {  	_ =	swait.ge [sflag:s7], $0x4000  }
0x14d: {  	[sflag:s7] =	ssyncset.done $0x0  }
0x14e: {  	s11 =	rddreg [dreg:$0x9];
	[sflag:s7] =	ssyncadd.s32 $0xFFFFC000  }
0x14f: {  	[hbm4b:s11+s2] =	stream.linear.scatter [tilespmem:s5], [sflag:$0x2], $0x10000, $0x38;
	[tilespmem:$0x11000] =	vst v63  }
0x150: {  	_ =	swait.ge [sflag:s4], $0x10000  }
0x151: {  	[sflag:s4] =	ssyncset.done $0x0  }
0x152: {  	[sflag:s4] =	ssyncadd.s32 $0xFFFF0000  }
0x153: {  	[tilespmem:s5], [sflag:$0x1] =	stream.indirect.gather [hbm4b:s3+s6], $0x80, s20, s6, $0xb8;
	[tilespmem:$0x11000] =	vst v63  }
0x154: {  	_ = 	snop  }
0x155: {  	[tilespmem:s8], [sflag:$0x1] =	stream.indirect.gather [hbm4b:s3+s6], $0x80, s21, s6, $0xb8;
	[tilespmem:$0x11000] =	vst v63  }
0x156: {  	_ = 	snop  }
0x157: {  	[tilespmem:s9], [sflag:$0x1] =	stream.indirect.gather [hbm4b:s3+s6], $0x80, s22, s6, $0xb8;
	[tilespmem:$0x11000] =	vst v63  }
0x158: {  	_ = 	snop  }
0x159: {  	[tilespmem:s10], [sflag:$0x1] =	stream.indirect.gather [hbm4b:s3+s6], $0x80, s23, s6, $0xb8;
	[tilespmem:$0x11000] =	vst v63  }
0x15a: {  	_ =	swait.ge [sflag:s7], $0x4000  }
0x15b: {  	[sflag:s7] =	ssyncset.done $0x0  }
0x15c: {  	[sflag:s7] =	ssyncadd.s32 $0xFFFFC000  }
0x15d: {  	_ =	swait.ge [sflag:s7], $0x4000  }
0x15e: {  	[sflag:s7] =	ssyncset.done $0x0  }
0x15f: {  	[sflag:s7] =	ssyncadd.s32 $0xFFFFC000  }
0x160: {  	_ =	swait.ge [sflag:s7], $0x4000  }
0x161: {  	[sflag:s7] =	ssyncset.done $0x0  }
0x162: {  	[sflag:s7] =	ssyncadd.s32 $0xFFFFC000  }
0x163: {  	_ =	swait.ge [sflag:s7], $0x4000  }
0x164: {  	[sflag:s7] =	ssyncset.done $0x0  }
0x165: {  	s11 =	rddreg [dreg:$0xa];
	[sflag:s7] =	ssyncadd.s32 $0xFFFFC000  }
0x166: {  	[hbm4b:s11+s2] =	stream.linear.scatter [tilespmem:s5], [sflag:$0x2], $0x10000, $0x38;
	[tilespmem:$0x11000] =	vst v63  }
0x167: {  	_ =	swait.ge [sflag:s4], $0x10000  }
0x168: {  	[sflag:s4] =	ssyncset.done $0x0  }
0x169: {  	s11 =	simm.s32 $0xC00;
	[sflag:s4] =	ssyncadd.s32 $0xFFFF0000  }
0x16a: {  	[tilespmem:s5], [sflag:$0x1] =	stream.indirect.gather [hbm4b:s3+s6], $0x80, s11, s6, $0xb8;
	[tilespmem:$0x11000] =	vst v63  }
0x16b: {  	_ = 	snop  }
0x16c: {  	[tilespmem:s8], [sflag:$0x1] =	stream.indirect.gather [hbm4b:s3+s6], $0x80, s17, s6, $0xb8;
	[tilespmem:$0x11000] =	vst v63  }
0x16d: {  	_ = 	snop  }
0x16e: {  	[tilespmem:s9], [sflag:$0x1] =	stream.indirect.gather [hbm4b:s3+s6], $0x80, s18, s6, $0xb8;
	[tilespmem:$0x11000] =	vst v63  }
0x16f: {  	_ = 	snop  }
0x170: {  	[tilespmem:s10], [sflag:$0x1] =	stream.indirect.gather [hbm4b:s3+s6], $0x80, s19, s6, $0xb8;
	[tilespmem:$0x11000] =	vst v63  }
0x171: {  	_ =	swait.ge [sflag:s7], $0x4000  }
0x172: {  	[sflag:s7] =	ssyncset.done $0x0  }
0x173: {  	[sflag:s7] =	ssyncadd.s32 $0xFFFFC000  }
0x174: {  	_ =	swait.ge [sflag:s7], $0x4000  }
0x175: {  	[sflag:s7] =	ssyncset.done $0x0  }
0x176: {  	[sflag:s7] =	ssyncadd.s32 $0xFFFFC000  }
0x177: {  	_ =	swait.ge [sflag:s7], $0x4000  }
0x178: {  	[sflag:s7] =	ssyncset.done $0x0  }
0x179: {  	[sflag:s7] =	ssyncadd.s32 $0xFFFFC000  }
0x17a: {  	_ =	swait.ge [sflag:s7], $0x4000  }
0x17b: {  	[sflag:s7] =	ssyncset.done $0x0  }
0x17c: {  	s11 =	rddreg [dreg:$0xb];
	[sflag:s7] =	ssyncadd.s32 $0xFFFFC000  }
0x17d: {  	[hbm4b:s11+s2] =	stream.linear.scatter [tilespmem:s5], [sflag:$0x2], $0x10000, $0x38;
	[tilespmem:$0x11000] =	vst v63  }
0x17e: {  	_ =	swait.ge [sflag:s4], $0x10000  }
0x17f: {  	[sflag:s4] =	ssyncset.done $0x0  }
0x180: {  	[sflag:s4] =	ssyncadd.s32 $0xFFFF0000  }
0x181: {  	[tilespmem:s5], [sflag:$0x1] =	stream.indirect.gather [hbm4b:s3+s6], $0x80, s12, s6, $0xb8;
	[tilespmem:$0x11000] =	vst v63  }
0x182: {  	_ = 	snop  }
0x183: {  	[tilespmem:s8], [sflag:$0x1] =	stream.indirect.gather [hbm4b:s3+s6], $0x80, s13, s6, $0xb8;
	[tilespmem:$0x11000] =	vst v63  }
0x184: {  	_ = 	snop  }
0x185: {  	[tilespmem:s9], [sflag:$0x1] =	stream.indirect.gather [hbm4b:s3+s6], $0x80, s14, s6, $0xb8;
	[tilespmem:$0x11000] =	vst v63  }
0x186: {  	_ = 	snop  }
0x187: {  	[tilespmem:s10], [sflag:$0x1] =	stream.indirect.gather [hbm4b:s3+s6], $0x80, s15, s6, $0xb8;
	[tilespmem:$0x11000] =	vst v63  }
0x188: {  	_ =	swait.ge [sflag:s7], $0x4000  }
0x189: {  	[sflag:s7] =	ssyncset.done $0x0  }
0x18a: {  	[sflag:s7] =	ssyncadd.s32 $0xFFFFC000  }
0x18b: {  	_ =	swait.ge [sflag:s7], $0x4000  }
0x18c: {  	[sflag:s7] =	ssyncset.done $0x0  }
0x18d: {  	[sflag:s7] =	ssyncadd.s32 $0xFFFFC000  }
0x18e: {  	_ =	swait.ge [sflag:s7], $0x4000  }
0x18f: {  	[sflag:s7] =	ssyncset.done $0x0  }
0x190: {  	[sflag:s7] =	ssyncadd.s32 $0xFFFFC000  }
0x191: {  	p1 =	sne.s32 s1, $0x1;
	_ =	swait.ge [sflag:s7], $0x4000  }
.Ltmp2:
0x192: {  	[sflag:s7] =	ssyncset.done $0x0;
	(pc) =	sbr.rel @p1 .LBB2_4-.Ltmp2, $4  }
0x193: {  	s11 =	rddreg [dreg:$0xc];
	[sflag:s7] =	ssyncadd.s32 $0xFFFFC000  }
0x194: {  	[hbm4b:s11+s2] =	stream.linear.scatter [tilespmem:s5], [sflag:$0x2], $0x10000, $0x38;
	[tilespmem:$0x11000] =	vst v63  }
0x195: {  	_ =	swait.ge [sflag:s4], $0x10000  }
0x196: {  	s1 =	sadd.s32 $0xFFFFFFFF, s1;
	s0 =	rddreg [dreg:$0x4];
	[sflag:s4] =	ssyncset.done $0x0  }
0x197: {  	s15 =	simm.s32 $0x780;
	s31 =	simm.s32 $0x700  }
0x198: {  	s30 =	simm.s32 $0x680;
	s29 =	simm.s32 $0x600;
	s28 =	simm.s32 $0x980  }
0x199: {  	s26 =	simm.s32 $0x900;
	s25 =	simm.s32 $0x880;
	s24 =	simm.s32 $0x800  }
0x19a: {  	s23 =	simm.s32 $0xB80;
	s22 =	simm.s32 $0xB00;
	s21 =	simm.s32 $0xA80  }
0x19b: {  	s20 =	simm.s32 $0xA00;
	s19 =	simm.s32 $0xD80;
	s18 =	simm.s32 $0xD00  }
0x19c: {  	s17 =	simm.s32 $0xC80;
	s16 =	simm.s32 $0xC00;
	s14 =	simm.s32 $0xF00  }
0x19d: {  	s13 =	simm.s32 $0xE80;
	s12 =	simm.s32 $0xE00;
	s11 =	stileid.u32  }
.LBB2_6:
0x19e: {  	[sflag:s4] =	ssyncadd.s32 @p0 $0xFFFF0000  }
0x19f: {  	[tilespmem:s2], [sflag:$0x2] =	stream.linear.gather [hbm4b:s0+s2], $0x1000, $0x38;
	[tilespmem:$0x11000] =	vst v63  }
0x1a0: {  	_ =	swait.ge [sflag:s4], $0x1000  }
0x1a1: {  	[sflag:s4] =	ssyncset.done $0x0  }
0x1a2: {  	[sflag:s4] =	ssyncadd.s32 $0xFFFFF000  }
0x1a3: {  	[tilespmem:s5], [sflag:$0x1] =	stream.indirect.gather [hbm4b:s3+s6], $0x80, s2, s6, $0xb8;
	[tilespmem:$0x11000] =	vst v63  }
0x1a4: {  	_ = 	snop  }
0x1a5: {  	[tilespmem:s8], [sflag:$0x1] =	stream.indirect.gather [hbm4b:s3+s6], $0x80, s6, s6, $0xb8;
	[tilespmem:$0x11000] =	vst v63  }
0x1a6: {  	s0 =	rddreg [dreg:$0xd]  }
0x1a7: {  	[tilespmem:s9], [sflag:$0x1] =	stream.indirect.gather [hbm4b:s3+s6], $0x80, s0, s6, $0xb8;
	[tilespmem:$0x11000] =	vst v63  }
0x1a8: {  	s1 =	rddreg [dreg:$0xe]  }
0x1a9: {  	[tilespmem:s10], [sflag:$0x1] =	stream.indirect.gather [hbm4b:s3+s6], $0x80, s1, s6, $0xb8;
	[tilespmem:$0x11000] =	vst v63  }
0x1aa: {  	_ =	swait.ge [sflag:s7], $0x4000  }
0x1ab: {  	[sflag:s7] =	ssyncset.done $0x0  }
0x1ac: {  	[sflag:s7] =	ssyncadd.s32 $0xFFFFC000  }
0x1ad: {  	_ =	swait.ge [sflag:s7], $0x4000  }
0x1ae: {  	[sflag:s7] =	ssyncset.done $0x0  }
0x1af: {  	[sflag:s7] =	ssyncadd.s32 $0xFFFFC000  }
0x1b0: {  	_ =	swait.ge [sflag:s7], $0x4000  }
0x1b1: {  	[sflag:s7] =	ssyncset.done $0x0  }
0x1b2: {  	[sflag:s7] =	ssyncadd.s32 $0xFFFFC000  }
0x1b3: {  	_ =	swait.ge [sflag:s7], $0x4000  }
0x1b4: {  	[sflag:s7] =	ssyncset.done $0x0  }
0x1b5: {  	s1 =	rddreg [dreg:$0x5];
	[sflag:s7] =	ssyncadd.s32 $0xFFFFC000  }
0x1b6: {  	[hbm4b:s1+s2] =	stream.linear.scatter [tilespmem:s5], [sflag:$0x2], $0x10000, $0x38;
	[tilespmem:$0x11000] =	vst v63  }
0x1b7: {  	_ =	swait.ge [sflag:s4], $0x10000  }
0x1b8: {  	[sflag:s4] =	ssyncset.done $0x0  }
0x1b9: {  	s0 =	rddreg [dreg:$0xf];
	[sflag:s4] =	ssyncadd.s32 $0xFFFF0000  }
0x1ba: {  	[tilespmem:s5], [sflag:$0x1] =	stream.indirect.gather [hbm4b:s3+s6], $0x80, s0, s6, $0xb8;
	[tilespmem:$0x11000] =	vst v63  }
0x1bb: {  	s1 =	rddreg [dreg:$0x10]  }
0x1bc: {  	[tilespmem:s8], [sflag:$0x1] =	stream.indirect.gather [hbm4b:s3+s6], $0x80, s1, s6, $0xb8;
	[tilespmem:$0x11000] =	vst v63  }
0x1bd: {  	s0 =	rddreg [dreg:$0x11]  }
0x1be: {  	[tilespmem:s9], [sflag:$0x1] =	stream.indirect.gather [hbm4b:s3+s6], $0x80, s0, s6, $0xb8;
	[tilespmem:$0x11000] =	vst v63  }
0x1bf: {  	s1 =	rddreg [dreg:$0x12]  }
0x1c0: {  	[tilespmem:s10], [sflag:$0x1] =	stream.indirect.gather [hbm4b:s3+s6], $0x80, s1, s6, $0xb8;
	[tilespmem:$0x11000] =	vst v63  }
0x1c1: {  	_ =	swait.ge [sflag:s7], $0x4000  }
0x1c2: {  	[sflag:s7] =	ssyncset.done $0x0  }
0x1c3: {  	[sflag:s7] =	ssyncadd.s32 $0xFFFFC000  }
0x1c4: {  	_ =	swait.ge [sflag:s7], $0x4000  }
0x1c5: {  	[sflag:s7] =	ssyncset.done $0x0  }
0x1c6: {  	[sflag:s7] =	ssyncadd.s32 $0xFFFFC000  }
0x1c7: {  	_ =	swait.ge [sflag:s7], $0x4000  }
0x1c8: {  	[sflag:s7] =	ssyncset.done $0x0  }
0x1c9: {  	[sflag:s7] =	ssyncadd.s32 $0xFFFFC000  }
0x1ca: {  	_ =	swait.ge [sflag:s7], $0x4000  }
0x1cb: {  	[sflag:s7] =	ssyncset.done $0x0  }
0x1cc: {  	s1 =	rddreg [dreg:$0x6];
	[sflag:s7] =	ssyncadd.s32 $0xFFFFC000  }
0x1cd: {  	[hbm4b:s1+s2] =	stream.linear.scatter [tilespmem:s5], [sflag:$0x2], $0x10000, $0x38;
	[tilespmem:$0x11000] =	vst v63  }
0x1ce: {  	_ =	swait.ge [sflag:s4], $0x10000  }
0x1cf: {  	[sflag:s4] =	ssyncset.done $0x0  }
0x1d0: {  	s0 =	rddreg [dreg:$0x13];
	[sflag:s4] =	ssyncadd.s32 $0xFFFF0000  }
0x1d1: {  	[tilespmem:s5], [sflag:$0x1] =	stream.indirect.gather [hbm4b:s3+s6], $0x80, s0, s6, $0xb8;
	[tilespmem:$0x11000] =	vst v63  }
0x1d2: {  	s1 =	rddreg [dreg:$0x14]  }
0x1d3: {  	[tilespmem:s8], [sflag:$0x1] =	stream.indirect.gather [hbm4b:s3+s6], $0x80, s1, s6, $0xb8;
	[tilespmem:$0x11000] =	vst v63  }
0x1d4: {  	s0 =	rddreg [dreg:$0x15]  }
0x1d5: {  	[tilespmem:s9], [sflag:$0x1] =	stream.indirect.gather [hbm4b:s3+s6], $0x80, s0, s6, $0xb8;
	[tilespmem:$0x11000] =	vst v63  }
0x1d6: {  	s1 =	rddreg [dreg:$0x16]  }
0x1d7: {  	[tilespmem:s10], [sflag:$0x1] =	stream.indirect.gather [hbm4b:s3+s6], $0x80, s1, s6, $0xb8;
	[tilespmem:$0x11000] =	vst v63  }
0x1d8: {  	_ =	swait.ge [sflag:s7], $0x4000  }
0x1d9: {  	[sflag:s7] =	ssyncset.done $0x0  }
0x1da: {  	[sflag:s7] =	ssyncadd.s32 $0xFFFFC000  }
0x1db: {  	_ =	swait.ge [sflag:s7], $0x4000  }
0x1dc: {  	[sflag:s7] =	ssyncset.done $0x0  }
0x1dd: {  	[sflag:s7] =	ssyncadd.s32 $0xFFFFC000  }
0x1de: {  	_ =	swait.ge [sflag:s7], $0x4000  }
0x1df: {  	[sflag:s7] =	ssyncset.done $0x0  }
0x1e0: {  	[sflag:s7] =	ssyncadd.s32 $0xFFFFC000  }
0x1e1: {  	_ =	swait.ge [sflag:s7], $0x4000  }
0x1e2: {  	[sflag:s7] =	ssyncset.done $0x0  }
0x1e3: {  	s1 =	rddreg [dreg:$0x7];
	[sflag:s7] =	ssyncadd.s32 $0xFFFFC000  }
0x1e4: {  	[hbm4b:s1+s2] =	stream.linear.scatter [tilespmem:s5], [sflag:$0x2], $0x10000, $0x38;
	[tilespmem:$0x11000] =	vst v63  }
0x1e5: {  	_ =	swait.ge [sflag:s4], $0x10000  }
0x1e6: {  	[sflag:s4] =	ssyncset.done $0x0  }
0x1e7: {  	[sflag:s4] =	ssyncadd.s32 $0xFFFF0000  }
0x1e8: {  	[tilespmem:s5], [sflag:$0x1] =	stream.indirect.gather [hbm4b:s3+s6], $0x80, s29, s6, $0xb8;
	[tilespmem:$0x11000] =	vst v63  }
0x1e9: {  	_ = 	snop  }
0x1ea: {  	[tilespmem:s8], [sflag:$0x1] =	stream.indirect.gather [hbm4b:s3+s6], $0x80, s30, s6, $0xb8;
	[tilespmem:$0x11000] =	vst v63  }
0x1eb: {  	_ = 	snop  }
0x1ec: {  	[tilespmem:s9], [sflag:$0x1] =	stream.indirect.gather [hbm4b:s3+s6], $0x80, s31, s6, $0xb8;
	[tilespmem:$0x11000] =	vst v63  }
0x1ed: {  	_ = 	snop  }
0x1ee: {  	[tilespmem:s10], [sflag:$0x1] =	stream.indirect.gather [hbm4b:s3+s6], $0x80, s15, s6, $0xb8;
	[tilespmem:$0x11000] =	vst v63  }
0x1ef: {  	_ =	swait.ge [sflag:s7], $0x4000  }
0x1f0: {  	[sflag:s7] =	ssyncset.done $0x0  }
0x1f1: {  	[sflag:s7] =	ssyncadd.s32 $0xFFFFC000  }
0x1f2: {  	_ =	swait.ge [sflag:s7], $0x4000  }
0x1f3: {  	[sflag:s7] =	ssyncset.done $0x0  }
0x1f4: {  	[sflag:s7] =	ssyncadd.s32 $0xFFFFC000  }
0x1f5: {  	_ =	swait.ge [sflag:s7], $0x4000  }
0x1f6: {  	[sflag:s7] =	ssyncset.done $0x0  }
0x1f7: {  	[sflag:s7] =	ssyncadd.s32 $0xFFFFC000  }
0x1f8: {  	_ =	swait.ge [sflag:s7], $0x4000  }
0x1f9: {  	[sflag:s7] =	ssyncset.done $0x0  }
0x1fa: {  	s15 =	rddreg [dreg:$0x8];
	[sflag:s7] =	ssyncadd.s32 $0xFFFFC000  }
0x1fb: {  	[hbm4b:s15+s2] =	stream.linear.scatter [tilespmem:s5], [sflag:$0x2], $0x10000, $0x38;
	[tilespmem:$0x11000] =	vst v63  }
0x1fc: {  	_ =	swait.ge [sflag:s4], $0x10000  }
0x1fd: {  	[sflag:s4] =	ssyncset.done $0x0  }
0x1fe: {  	[sflag:s4] =	ssyncadd.s32 $0xFFFF0000  }
0x1ff: {  	[tilespmem:s5], [sflag:$0x1] =	stream.indirect.gather [hbm4b:s3+s6], $0x80, s24, s6, $0xb8;
	[tilespmem:$0x11000] =	vst v63  }
0x200: {  	_ = 	snop  }
0x201: {  	[tilespmem:s8], [sflag:$0x1] =	stream.indirect.gather [hbm4b:s3+s6], $0x80, s25, s6, $0xb8;
	[tilespmem:$0x11000] =	vst v63  }
0x202: {  	_ = 	snop  }
0x203: {  	[tilespmem:s9], [sflag:$0x1] =	stream.indirect.gather [hbm4b:s3+s6], $0x80, s26, s6, $0xb8;
	[tilespmem:$0x11000] =	vst v63  }
0x204: {  	_ = 	snop  }
0x205: {  	[tilespmem:s10], [sflag:$0x1] =	stream.indirect.gather [hbm4b:s3+s6], $0x80, s28, s6, $0xb8;
	[tilespmem:$0x11000] =	vst v63  }
0x206: {  	_ =	swait.ge [sflag:s7], $0x4000  }
0x207: {  	[sflag:s7] =	ssyncset.done $0x0  }
0x208: {  	[sflag:s7] =	ssyncadd.s32 $0xFFFFC000  }
0x209: {  	_ =	swait.ge [sflag:s7], $0x4000  }
0x20a: {  	[sflag:s7] =	ssyncset.done $0x0  }
0x20b: {  	[sflag:s7] =	ssyncadd.s32 $0xFFFFC000  }
0x20c: {  	_ =	swait.ge [sflag:s7], $0x4000  }
0x20d: {  	[sflag:s7] =	ssyncset.done $0x0  }
0x20e: {  	[sflag:s7] =	ssyncadd.s32 $0xFFFFC000  }
0x20f: {  	_ =	swait.ge [sflag:s7], $0x4000  }
0x210: {  	[sflag:s7] =	ssyncset.done $0x0  }
0x211: {  	s26 =	rddreg [dreg:$0x9];
	[sflag:s7] =	ssyncadd.s32 $0xFFFFC000  }
0x212: {  	[hbm4b:s26+s2] =	stream.linear.scatter [tilespmem:s5], [sflag:$0x2], $0x10000, $0x38;
	[tilespmem:$0x11000] =	vst v63  }
0x213: {  	_ =	swait.ge [sflag:s4], $0x10000  }
0x214: {  	[sflag:s4] =	ssyncset.done $0x0  }
0x215: {  	[sflag:s4] =	ssyncadd.s32 $0xFFFF0000  }
0x216: {  	[tilespmem:s5], [sflag:$0x1] =	stream.indirect.gather [hbm4b:s3+s6], $0x80, s20, s6, $0xb8;
	[tilespmem:$0x11000] =	vst v63  }
0x217: {  	_ = 	snop  }
0x218: {  	[tilespmem:s8], [sflag:$0x1] =	stream.indirect.gather [hbm4b:s3+s6], $0x80, s21, s6, $0xb8;
	[tilespmem:$0x11000] =	vst v63  }
0x219: {  	_ = 	snop  }
0x21a: {  	[tilespmem:s9], [sflag:$0x1] =	stream.indirect.gather [hbm4b:s3+s6], $0x80, s22, s6, $0xb8;
	[tilespmem:$0x11000] =	vst v63  }
0x21b: {  	_ = 	snop  }
0x21c: {  	[tilespmem:s10], [sflag:$0x1] =	stream.indirect.gather [hbm4b:s3+s6], $0x80, s23, s6, $0xb8;
	[tilespmem:$0x11000] =	vst v63  }
0x21d: {  	_ =	swait.ge [sflag:s7], $0x4000  }
0x21e: {  	[sflag:s7] =	ssyncset.done $0x0  }
0x21f: {  	[sflag:s7] =	ssyncadd.s32 $0xFFFFC000  }
0x220: {  	_ =	swait.ge [sflag:s7], $0x4000  }
0x221: {  	[sflag:s7] =	ssyncset.done $0x0  }
0x222: {  	[sflag:s7] =	ssyncadd.s32 $0xFFFFC000  }
0x223: {  	_ =	swait.ge [sflag:s7], $0x4000  }
0x224: {  	[sflag:s7] =	ssyncset.done $0x0  }
0x225: {  	[sflag:s7] =	ssyncadd.s32 $0xFFFFC000  }
0x226: {  	_ =	swait.ge [sflag:s7], $0x4000  }
0x227: {  	[sflag:s7] =	ssyncset.done $0x0  }
0x228: {  	s28 =	rddreg [dreg:$0xa];
	[sflag:s7] =	ssyncadd.s32 $0xFFFFC000  }
0x229: {  	[hbm4b:s28+s2] =	stream.linear.scatter [tilespmem:s5], [sflag:$0x2], $0x10000, $0x38;
	[tilespmem:$0x11000] =	vst v63  }
0x22a: {  	_ =	swait.ge [sflag:s4], $0x10000  }
0x22b: {  	[sflag:s4] =	ssyncset.done $0x0  }
0x22c: {  	[sflag:s4] =	ssyncadd.s32 $0xFFFF0000  }
0x22d: {  	[tilespmem:s5], [sflag:$0x1] =	stream.indirect.gather [hbm4b:s3+s6], $0x80, s16, s6, $0xb8;
	[tilespmem:$0x11000] =	vst v63  }
0x22e: {  	_ = 	snop  }
0x22f: {  	[tilespmem:s8], [sflag:$0x1] =	stream.indirect.gather [hbm4b:s3+s6], $0x80, s17, s6, $0xb8;
	[tilespmem:$0x11000] =	vst v63  }
0x230: {  	_ = 	snop  }
0x231: {  	[tilespmem:s9], [sflag:$0x1] =	stream.indirect.gather [hbm4b:s3+s6], $0x80, s18, s6, $0xb8;
	[tilespmem:$0x11000] =	vst v63  }
0x232: {  	_ = 	snop  }
0x233: {  	[tilespmem:s10], [sflag:$0x1] =	stream.indirect.gather [hbm4b:s3+s6], $0x80, s19, s6, $0xb8;
	[tilespmem:$0x11000] =	vst v63  }
0x234: {  	_ =	swait.ge [sflag:s7], $0x4000  }
0x235: {  	[sflag:s7] =	ssyncset.done $0x0  }
0x236: {  	[sflag:s7] =	ssyncadd.s32 $0xFFFFC000  }
0x237: {  	_ =	swait.ge [sflag:s7], $0x4000  }
0x238: {  	[sflag:s7] =	ssyncset.done $0x0  }
0x239: {  	[sflag:s7] =	ssyncadd.s32 $0xFFFFC000  }
0x23a: {  	_ =	swait.ge [sflag:s7], $0x4000  }
0x23b: {  	[sflag:s7] =	ssyncset.done $0x0  }
0x23c: {  	[sflag:s7] =	ssyncadd.s32 $0xFFFFC000  }
0x23d: {  	_ =	swait.ge [sflag:s7], $0x4000  }
0x23e: {  	[sflag:s7] =	ssyncset.done $0x0  }
0x23f: {  	s29 =	rddreg [dreg:$0xb];
	[sflag:s7] =	ssyncadd.s32 $0xFFFFC000  }
0x240: {  	[hbm4b:s29+s2] =	stream.linear.scatter [tilespmem:s5], [sflag:$0x2], $0x10000, $0x38;
	[tilespmem:$0x11000] =	vst v63  }
0x241: {  	_ =	swait.ge [sflag:s4], $0x10000  }
0x242: {  	[sflag:s4] =	ssyncset.done $0x0  }
0x243: {  	[sflag:s4] =	ssyncadd.s32 $0xFFFF0000  }
0x244: {  	[tilespmem:s5], [sflag:$0x1] =	stream.indirect.gather [hbm4b:s3+s6], $0x80, s12, s6, $0xb8;
	[tilespmem:$0x11000] =	vst v63  }
0x245: {  	_ = 	snop  }
0x246: {  	[tilespmem:s8], [sflag:$0x1] =	stream.indirect.gather [hbm4b:s3+s6], $0x80, s13, s6, $0xb8;
	[tilespmem:$0x11000] =	vst v63  }
0x247: {  	_ = 	snop  }
0x248: {  	[tilespmem:s9], [sflag:$0x1] =	stream.indirect.gather [hbm4b:s3+s6], $0x80, s14, s6, $0xb8;
	[tilespmem:$0x11000] =	vst v63  }
0x249: {  	s30 =	simm.s32 $0xF80  }
0x24a: {  	[tilespmem:s10], [sflag:$0x1] =	stream.indirect.gather [hbm4b:s3+s6], $0x80, s30, s6, $0xb8;
	[tilespmem:$0x11000] =	vst v63  }
0x24b: {  	_ =	swait.ge [sflag:s7], $0x4000  }
0x24c: {  	[sflag:s7] =	ssyncset.done $0x0  }
0x24d: {  	[sflag:s7] =	ssyncadd.s32 $0xFFFFC000  }
0x24e: {  	_ =	swait.ge [sflag:s7], $0x4000  }
0x24f: {  	[sflag:s7] =	ssyncset.done $0x0  }
0x250: {  	[sflag:s7] =	ssyncadd.s32 $0xFFFFC000  }
0x251: {  	_ =	swait.ge [sflag:s7], $0x4000  }
0x252: {  	[sflag:s7] =	ssyncset.done $0x0  }
0x253: {  	[sflag:s7] =	ssyncadd.s32 $0xFFFFC000  }
0x254: {  	_ =	swait.ge [sflag:s7], $0x4000  }
0x255: {  	[sflag:s7] =	ssyncset.done $0x0  }
0x256: {  	s31 =	rddreg [dreg:$0xc];
	[sflag:s7] =	ssyncadd.s32 $0xFFFFC000  }
0x257: {  	[hbm4b:s31+s2] =	stream.linear.scatter [tilespmem:s5], [sflag:$0x2], $0x10000, $0x38;
	[tilespmem:$0x11000] =	vst v63  }
0x258: {  	_ =	swait.ge [sflag:s4], $0x10000  }
0x259: {  	[sflag:s4] =	ssyncset.done $0x0  }
0x25a: {  	[sflag:s4] =	ssyncadd.s32 $0xFFFF0000  }
0x25b: {  	_ =	sfence.sel $0x180000  }
0x25c: {  	[bflag:$0x0] =	sbarrier.arrive $0xFFFF  }
0x25d: {  	_ =	strace $0x90000047  }
0x25e: {  	[bflag:$0x2] =	sbarrier.arrive $0xFFFF  }
0x25f: {  	p0 =	sne.s32 s11, $0x0;
	s0 =	rddreg [dreg:$0x3]  }
0x260: {  	s0 =	sadd.s32 @!p0 $0x100000, s0  }
0x261: {  	[sflag:s0] =	ssyncadd.tile.s32 @!p0 $0x1;
	_ =	shalt  }
.LBB2_1:
0x262: {  	s15 =	simm.s32 $0x780;
	s31 =	simm.s32 $0x700  }
0x263: {  	s30 =	simm.s32 $0x680;
	s29 =	simm.s32 $0x600;
	s28 =	simm.s32 $0x980  }
.Ltmp3:
0x264: {  	s26 =	simm.s32 $0x900;
	s25 =	simm.s32 $0x880;
	(pc) =	sbr.rel .LBB2_6-.Ltmp3, $4  }
0x265: {  	s24 =	simm.s32 $0x800;
	s23 =	simm.s32 $0xB80;
	s22 =	simm.s32 $0xB00  }
0x266: {  	s21 =	simm.s32 $0xA80;
	s20 =	simm.s32 $0xA00;
	s19 =	simm.s32 $0xD80  }
0x267: {  	s18 =	simm.s32 $0xD00;
	s17 =	simm.s32 $0xC80;
	s16 =	simm.s32 $0xC00  }
0x268: {  	s14 =	simm.s32 $0xF00;
	s13 =	simm.s32 $0xE80;
	s12 =	simm.s32 $0xE00  }
.LBB2_3:
0x269: {  	s15 =	simm.s32 $0x780;
	s31 =	simm.s32 $0x700;
	s30 =	simm.s32 $0x680  }
0x26a: {  	s29 =	simm.s32 $0x600;
	s28 =	simm.s32 $0x980;
	s26 =	simm.s32 $0x900  }
.Ltmp4:
0x26b: {  	s25 =	simm.s32 $0x880;
	s24 =	simm.s32 $0x800;
	(pc) =	sbr.rel .LBB2_6-.Ltmp4, $4  }
0x26c: {  	s23 =	simm.s32 $0xB80;
	s22 =	simm.s32 $0xB00;
	s21 =	simm.s32 $0xA80  }
0x26d: {  	s20 =	simm.s32 $0xA00;
	s19 =	simm.s32 $0xD80;
	s18 =	simm.s32 $0xD00  }
0x26e: {  	s17 =	simm.s32 $0xC80;
	s16 =	simm.s32 $0xC00;
	s14 =	simm.s32 $0xF00  }
0x26f: {  	s13 =	simm.s32 $0xE80;
	s12 =	simm.s32 $0xE00;
	s11 =	stileid.u32  }
.Lfunc_end2:
_tile_overlayer_lowered:
.L_overlay_start_2:
0x270: {  	(tag) =	ssettag $0x2  }
0x271: {  	s0 =	rddreg [dreg:$0x0];
	s2 =	stileid.u32  }
0x272: {  	s1 =	rddreg [dreg:$0x1];
	p0 =	sne.s32 s2, $0x0  }
0x273: {  	s3 =	rddreg [dreg:$0x2];
	[bflag:$0x3] =	sbarrier.arrive $0xFFFF;
	s2 =	simm.s32 @!p0 $0x1C02  }
0x274: {  	[timem:s3], [sflag:s2] =	dma.local @!p0 [hbm:s0], s1  }
0x275: {  	s0 =	simm.s32 @!p0 $0x2  }
0x276: {  	_ =	swait.ge @!p0 [sflag:s0], s1  }
0x277: {  	s1 =	ssub.s32 @!p0 $0x0, s1;
	[sflag:s0] =	ssyncset.done @!p0 $0x0  }
0x278: {  	[sflag:s0] =	ssyncadd.s32 @!p0 s1  }
0x279: {  	[bflag:$0x3] =	sbarrier.arrive $0xFFFF  }
0x27a: {  	_ =	shalt  }

</sc_bundles>
